<compile_context>
chip_gen: v7x
topology: tpu7x:2x2x1
jax: 0.10.2.dev20260603
libtpu: 0.0.44.dev20260713+nightly
codegen_flags: <defaults>
</compile_context>

<pallas_src>
import jax
import jax.numpy as jnp
from jax import lax
from jax.experimental import pallas as pl
from jax.experimental.pallas import tpu as pltpu
from jax.experimental.pallas import tpu_sc as plsc

N_ROWS = 262144
NW = 32
ROWS_PER_W = N_ROWS // NW
NBUF = 4
CHUNK = 512
N_CHUNKS = ROWS_PER_W // CHUNK
L = 16
COL0 = 32
NCOL = 16


def _rules(mi_x, su_x, mi_y, su_y):
    dist_x = jnp.abs(su_x - mi_x)
    dist_y = jnp.abs(su_y - mi_y)
    sx_gt = su_x > mi_x
    sx_lt = su_x < mi_x
    i3 = jnp.full((L,), 3, jnp.int32)
    i4 = jnp.full((L,), 4, jnp.int32)
    i2 = jnp.full((L,), 2, jnp.int32)
    i5 = jnp.full((L,), 5, jnp.int32)
    action = jnp.full((L,), 1, jnp.int32)
    action = jnp.where(dist_x < 23, jnp.where(sx_gt, i4, i3), action)
    action = jnp.where(dist_x > 27, jnp.where(sx_gt, i3, i4), action)
    action = jnp.where(dist_y > 4, jnp.where(su_y > mi_y, i5, i2), action)
    is_pl = (mi_x < 35) & sx_gt
    is_pr = (mi_x > 115) & sx_lt
    cond_pinned = (is_pl | is_pr) & (dist_x < 35)
    act_p_yc = jnp.where(mi_y < 50, i5, i2)
    act_p = jnp.where(dist_y <= 15, act_p_yc, jnp.where(is_pl, i3, i4))
    action = jnp.where(cond_pinned, act_p, action)
    return action


def _sc_body(ram_hbm, out_hbm, buf0, buf1, buf2, buf3, pres_v,
             sem0, sem1, sem2, sem3):
    wid = lax.axis_index("s") * 2 + lax.axis_index("c")
    base = wid * ROWS_PER_W
    bufs = (buf0, buf1, buf2, buf3)
    sems = (sem0, sem1, sem2, sem3)

    def start(ci):
        return pltpu.async_copy(
            ram_hbm.at[pl.ds(base + ci * CHUNK, CHUNK), pl.ds(COL0, NCOL)],
            bufs[ci % NBUF],
            sems[ci % NBUF],
        )

    lane = lax.iota(jnp.int32, L)

    acc = jnp.zeros((L,), jnp.int32)
    copies = [None] * NBUF
    for ci in range(NBUF):
        copies[ci] = start(ci)
    for ci in range(N_CHUNKS):
        copies[ci % NBUF].wait()
        buf = bufs[ci % NBUF]

        def body(g, acc):
            ri = g * L + lane
            c0 = jnp.zeros((L,), jnp.int32)
            mi_x = plsc.load_gather(buf, [ri, c0])
            su_x = plsc.load_gather(buf, [ri, c0 + 1])
            mi_y = plsc.load_gather(buf, [ri, c0 + 2])
            su_y = plsc.load_gather(buf, [ri, c0 + 3])
            action = _rules(mi_x, su_x, mi_y, su_y)
            return acc | (jnp.int32(1) << (5 * action))

        acc = lax.fori_loop(0, CHUNK // L, body, acc)
        if ci + NBUF < N_CHUNKS:
            copies[ci % NBUF] = start(ci + NBUF)

    total = jnp.sum(acc)
    shift = jnp.minimum(5 * lane, 31)
    field = (jnp.full((L,), total) >> shift) & 31
    pres = jnp.where((lane < 6) & (field > 0), 1.0, 0.0).astype(jnp.float32)
    pres_v[...] = pres
    pltpu.sync_copy(pres_v, out_hbm.at[wid, pl.ds(0, L)])


@jax.jit
def kernel(ram):
    mesh = plsc.VectorSubcoreMesh(core_axis_name="c", subcore_axis_name="s")
    table = pl.kernel(
        _sc_body,
        out_type=jax.ShapeDtypeStruct((NW, 128), jnp.float32),
        mesh=mesh,
        scratch_types=[
            pltpu.VMEM((CHUNK, NCOL), jnp.float32),
            pltpu.VMEM((CHUNK, NCOL), jnp.float32),
            pltpu.VMEM((CHUNK, NCOL), jnp.float32),
            pltpu.VMEM((CHUNK, NCOL), jnp.float32),
            pltpu.VMEM((L,), jnp.float32),
            pltpu.SemaphoreType.DMA,
            pltpu.SemaphoreType.DMA,
            pltpu.SemaphoreType.DMA,
            pltpu.SemaphoreType.DMA,
        ],
        compiler_params=pltpu.CompilerParams(
            use_tc_tiling_on_sc=False, needs_layout_passes=False
        ),
    )(ram)

    def merge_body(t_ref, o_ref):
        t = lax.slice(t_ref[...], (0, 0), (NW, L))
        m = jnp.max(t, axis=0, keepdims=True)
        o_ref[...] = lax.slice(m, (0, 0), (1, 6))

    return pl.pallas_call(
        merge_body,
        out_shape=jax.ShapeDtypeStruct((1, 6), jnp.float32),
    )(table)

# --- scband reference (transcript-rebuilt; emitter-appended) ---
"""Pipeline reference for scband-aggressive-hunter-net-80427557584942 (READ-ONLY COPY).

The authoritative reference and input builder live on the scoring server;
editing this copy changes nothing except your own understanding.
"""

import jax, jax.numpy as jnp
import numpy as np


def setup_inputs(seed: int = 0) -> dict:
    key = jax.random.key(seed)
    ram = jax.random.randint(key, (262144, 128), 0, 256).astype(jnp.float32)
    return {"ram": ram}


def reference(ram):
    mi_x = ram[:, 32].astype(jnp.float32)
    mi_y = ram[:, 34].astype(jnp.float32)
    su_x = ram[:, 33].astype(jnp.float32)
    su_y = ram[:, 35].astype(jnp.float32)
    dist_x = jnp.abs(su_x - mi_x)
    dist_y = jnp.abs(su_y - mi_y)
    is_pinned_left = (mi_x < 35) & (su_x > mi_x)
    is_pinned_right = (mi_x > 115) & (su_x < mi_x)
    cond_pinned = (is_pinned_left | is_pinned_right) & (dist_x < 35)
    cond_pinned_y_close = dist_y <= 15
    act_pinned_y_close = jnp.where(mi_y < 50, jnp.int32(5), jnp.int32(2))
    act_pinned_y_far = jnp.where(is_pinned_left, jnp.int32(3), jnp.int32(4))
    act_pinned = jnp.where(cond_pinned_y_close, act_pinned_y_close, act_pinned_y_far)
    cond_y_align = dist_y > 4
    act_y_align = jnp.where(su_y > mi_y, jnp.int32(5), jnp.int32(2))
    cond_x_far = dist_x > 27
    act_x_far = jnp.where(su_x > mi_x, jnp.int32(3), jnp.int32(4))
    cond_x_close = dist_x < 23
    act_x_close = jnp.where(su_x > mi_x, jnp.int32(4), jnp.int32(3))
    act_punch = jnp.int32(1)
    action = jnp.broadcast_to(act_punch, mi_x.shape)
    action = jnp.where(cond_x_close, act_x_close, action)
    action = jnp.where(cond_x_far, act_x_far, action)
    action = jnp.where(cond_y_align, act_y_align, action)
    action = jnp.where(cond_pinned, act_pinned, action)
    logits = jnp.zeros((1, 6), dtype=jnp.float32)
    logits = logits.at[0, action].set(1.0)
    return logits

if __name__ == "__main__":
    import jax
    _d = setup_inputs()
    print(jax.jit(kernel)(*tuple(_d.values())))

</pallas_src>

<mosaic_0001>
#map = affine_map<(d0, d1) -> (0, 0)>
module attributes {stable_mosaic.version = 14 : i64} {
  func.func @_sc_body(%arg0: i32, %arg1: i32, %arg2: memref<262144x128xf32, #tpu.memory_space<hbm>>, %arg3: memref<32x128xf32, #tpu.memory_space<hbm>>, %arg4: memref<512x16xf32, #tpu.memory_space<vmem>>, %arg5: memref<512x16xf32, #tpu.memory_space<vmem>>, %arg6: memref<512x16xf32, #tpu.memory_space<vmem>>, %arg7: memref<512x16xf32, #tpu.memory_space<vmem>>, %arg8: memref<16xf32, #tpu.memory_space<vmem>>, %arg9: memref<!tpu.dma_semaphore, #tpu.memory_space<semaphore_mem>>, %arg10: memref<!tpu.dma_semaphore, #tpu.memory_space<semaphore_mem>>, %arg11: memref<!tpu.dma_semaphore, #tpu.memory_space<semaphore_mem>>, %arg12: memref<!tpu.dma_semaphore, #tpu.memory_space<semaphore_mem>>) attributes {dimension_semantics = [#tpu.dimension_semantics<core_parallel>, #tpu.dimension_semantics<subcore_parallel>], iteration_bounds = array<i64: 2, 16>, scalar_prefetch = 0 : i64, scratch_operands = 9 : i64, tpu.core_type = #tpu.core_type<sc_vector_subcore>, window_params = [{transform_indices = #map}, {transform_indices = #map}]} {
    %mul3A = arith.constant 2 : i32
    %mul3A_0 = arith.muli %arg1, %mul3A : i32
    %add3A = arith.addi %mul3A_0, %arg0 : i32
    %mul3A_1 = arith.constant 8192 : i32
    %mul3A_2 = arith.muli %add3A, %mul3A_1 : i32
    %iota3A = tpu.iota {dimensions = array<i32: 0>} : vector<16xi32>
    %broadcast_in_dim3A = arith.constant 0 : i32
    %broadcast_in_dim3A_3 = vector.broadcast %broadcast_in_dim3A : i32 to vector<16xi32>
    %add3A_4 = arith.constant 0 : i32
    %add3A_5 = arith.addi %mul3A_2, %add3A_4 : i32
    %dma_start3A = arith.constant 32 : i32
    %dma_start3A_6 = tpu.memref_slice %arg2[%add3A_5, %dma_start3A] : memref<262144x128xf32, #tpu.memory_space<hbm>> -> memref<512x16xf32, #tpu.memory_space<hbm>>
    %dma_start3A_7 = arith.constant 32 : i32
    %dma_start3A_8 = tpu.memref_slice %arg2[%add3A_5, %dma_start3A_7] : memref<262144x128xf32, #tpu.memory_space<hbm>> -> memref<512x16xf32, #tpu.memory_space<hbm>>
    tpu.enqueue_dma source(%dma_start3A_8 : memref<512x16xf32, #tpu.memory_space<hbm>>) target(%arg4 : memref<512x16xf32, #tpu.memory_space<vmem>>) target_semaphore(%arg9 : memref<!tpu.dma_semaphore, #tpu.memory_space<semaphore_mem>>)
    %add3A_9 = arith.constant 512 : i32
    %add3A_10 = arith.addi %mul3A_2, %add3A_9 : i32
    %dma_start3A_11 = arith.constant 32 : i32
    %dma_start3A_12 = tpu.memref_slice %arg2[%add3A_10, %dma_start3A_11] : memref<262144x128xf32, #tpu.memory_space<hbm>> -> memref<512x16xf32, #tpu.memory_space<hbm>>
    %dma_start3A_13 = arith.constant 32 : i32
    %dma_start3A_14 = tpu.memref_slice %arg2[%add3A_10, %dma_start3A_13] : memref<262144x128xf32, #tpu.memory_space<hbm>> -> memref<512x16xf32, #tpu.memory_space<hbm>>
    tpu.enqueue_dma source(%dma_start3A_14 : memref<512x16xf32, #tpu.memory_space<hbm>>) target(%arg5 : memref<512x16xf32, #tpu.memory_space<vmem>>) target_semaphore(%arg10 : memref<!tpu.dma_semaphore, #tpu.memory_space<semaphore_mem>>)
    %add3A_15 = arith.constant 1024 : i32
    %add3A_16 = arith.addi %mul3A_2, %add3A_15 : i32
    %dma_start3A_17 = arith.constant 32 : i32
    %dma_start3A_18 = tpu.memref_slice %arg2[%add3A_16, %dma_start3A_17] : memref<262144x128xf32, #tpu.memory_space<hbm>> -> memref<512x16xf32, #tpu.memory_space<hbm>>
    %dma_start3A_19 = arith.constant 32 : i32
    %dma_start3A_20 = tpu.memref_slice %arg2[%add3A_16, %dma_start3A_19] : memref<262144x128xf32, #tpu.memory_space<hbm>> -> memref<512x16xf32, #tpu.memory_space<hbm>>
    tpu.enqueue_dma source(%dma_start3A_20 : memref<512x16xf32, #tpu.memory_space<hbm>>) target(%arg6 : memref<512x16xf32, #tpu.memory_space<vmem>>) target_semaphore(%arg11 : memref<!tpu.dma_semaphore, #tpu.memory_space<semaphore_mem>>)
    %add3A_21 = arith.constant 1536 : i32
    %add3A_22 = arith.addi %mul3A_2, %add3A_21 : i32
    %dma_start3A_23 = arith.constant 32 : i32
    %dma_start3A_24 = tpu.memref_slice %arg2[%add3A_22, %dma_start3A_23] : memref<262144x128xf32, #tpu.memory_space<hbm>> -> memref<512x16xf32, #tpu.memory_space<hbm>>
    %dma_start3A_25 = arith.constant 32 : i32
    %dma_start3A_26 = tpu.memref_slice %arg2[%add3A_22, %dma_start3A_25] : memref<262144x128xf32, #tpu.memory_space<hbm>> -> memref<512x16xf32, #tpu.memory_space<hbm>>
    tpu.enqueue_dma source(%dma_start3A_26 : memref<512x16xf32, #tpu.memory_space<hbm>>) target(%arg7 : memref<512x16xf32, #tpu.memory_space<vmem>>) target_semaphore(%arg12 : memref<!tpu.dma_semaphore, #tpu.memory_space<semaphore_mem>>)
    %dma_wait3A = arith.constant 32 : i32
    %dma_wait3A_27 = tpu.memref_slice %arg2[%add3A_5, %dma_wait3A] : memref<262144x128xf32, #tpu.memory_space<hbm>> -> memref<512x16xf32, #tpu.memory_space<hbm>>
    %dma_wait3A_28 = arith.constant 32 : i32
    %dma_wait3A_29 = tpu.memref_slice %arg2[%add3A_5, %dma_wait3A_28] : memref<262144x128xf32, #tpu.memory_space<hbm>> -> memref<512x16xf32, #tpu.memory_space<hbm>>
    tpu.wait_dma2 semaphore(%arg9 : memref<!tpu.dma_semaphore, #tpu.memory_space<semaphore_mem>>) src(%dma_wait3A_29 : memref<512x16xf32, #tpu.memory_space<hbm>>) dst(%arg4 : memref<512x16xf32, #tpu.memory_space<vmem>>)
    %scan3A = arith.constant 0 : i32
    %scan3A_30 = arith.constant 32 : i32
    %scan3A_31 = arith.addi %scan3A, %scan3A_30 : i32
    %scan3A_32 = arith.constant 1 : i32
    %scan3A_33 = scf.for %scan3A_277 = %scan3A to %scan3A_31 step %scan3A_32 iter_args(%scan3A_278 = %broadcast_in_dim3A_3) -> (vector<16xi32>)  : i32 {
      %mul3A_279 = arith.constant 16 : i32
      %mul3A_280 = arith.muli %scan3A_277, %mul3A_279 : i32
      %add3A_281 = vector.broadcast %mul3A_280 : i32 to vector<16xi32>
      %add3A_282 = arith.addi %add3A_281, %iota3A : vector<16xi32>
      %broadcast_in_dim3A_283 = arith.constant 0 : i32
      %broadcast_in_dim3A_284 = vector.broadcast %broadcast_in_dim3A_283 : i32 to vector<16xi32>
      %gather3A = tpu.vector_load_idx %arg4[%add3A_282, %broadcast_in_dim3A_284] : memref<512x16xf32, #tpu.memory_space<vmem>>[vector<16xi32>, vector<16xi32>], vector<16xf32>,
      %add3A_285 = arith.constant 1 : i32
      %add3A_286 = vector.broadcast %add3A_285 : i32 to vector<16xi32>
      %add3A_287 = arith.addi %broadcast_in_dim3A_284, %add3A_286 : vector<16xi32>
      %gather3A_288 = tpu.vector_load_idx %arg4[%add3A_282, %add3A_287] : memref<512x16xf32, #tpu.memory_space<vmem>>[vector<16xi32>, vector<16xi32>], vector<16xf32>,
      %add3A_289 = arith.constant 2 : i32
      %add3A_290 = vector.broadcast %add3A_289 : i32 to vector<16xi32>
      %add3A_291 = arith.addi %broadcast_in_dim3A_284, %add3A_290 : vector<16xi32>
      %gather3A_292 = tpu.vector_load_idx %arg4[%add3A_282, %add3A_291] : memref<512x16xf32, #tpu.memory_space<vmem>>[vector<16xi32>, vector<16xi32>], vector<16xf32>,
      %add3A_293 = arith.constant 3 : i32
      %add3A_294 = vector.broadcast %add3A_293 : i32 to vector<16xi32>
      %add3A_295 = arith.addi %broadcast_in_dim3A_284, %add3A_294 : vector<16xi32>
      %gather3A_296 = tpu.vector_load_idx %arg4[%add3A_282, %add3A_295] : memref<512x16xf32, #tpu.memory_space<vmem>>[vector<16xi32>, vector<16xi32>], vector<16xf32>,
      %sub3A = arith.subf %gather3A_288, %gather3A : vector<16xf32>
      %abs3A = math.absf %sub3A : vector<16xf32>
      %sub3A_297 = arith.subf %gather3A_296, %gather3A_292 : vector<16xf32>
      %abs3A_298 = math.absf %sub3A_297 : vector<16xf32>
      %gt3A_299 = arith.cmpf ogt, %gather3A_288, %gather3A : vector<16xf32>
      %lt3A_300 = arith.cmpf olt, %gather3A_288, %gather3A : vector<16xf32>
      %broadcast_in_dim3A_301 = arith.constant 3 : i32
      %broadcast_in_dim3A_302 = vector.broadcast %broadcast_in_dim3A_301 : i32 to vector<16xi32>
      %broadcast_in_dim3A_303 = arith.constant 4 : i32
      %broadcast_in_dim3A_304 = vector.broadcast %broadcast_in_dim3A_303 : i32 to vector<16xi32>
      %broadcast_in_dim3A_305 = arith.constant 2 : i32
      %broadcast_in_dim3A_306 = vector.broadcast %broadcast_in_dim3A_305 : i32 to vector<16xi32>
      %broadcast_in_dim3A_307 = arith.constant 5 : i32
      %broadcast_in_dim3A_308 = vector.broadcast %broadcast_in_dim3A_307 : i32 to vector<16xi32>
      %broadcast_in_dim3A_309 = arith.constant 1 : i32
      %broadcast_in_dim3A_310 = vector.broadcast %broadcast_in_dim3A_309 : i32 to vector<16xi32>
      %lt3A_311 = arith.constant 2.300000e+01 : f32
      %lt3A_312 = vector.broadcast %lt3A_311 : f32 to vector<16xf32>
      %lt3A_313 = arith.cmpf olt, %abs3A, %lt3A_312 : vector<16xf32>
      %select_n3A_314 = arith.select %gt3A_299, %broadcast_in_dim3A_304, %broadcast_in_dim3A_302 : vector<16xi1>, vector<16xi32>
      %select_n3A_315 = arith.select %lt3A_313, %select_n3A_314, %broadcast_in_dim3A_310 : vector<16xi1>, vector<16xi32>
      %gt3A_316 = arith.constant 2.700000e+01 : f32
      %gt3A_317 = vector.broadcast %gt3A_316 : f32 to vector<16xf32>
      %gt3A_318 = arith.cmpf ogt, %abs3A, %gt3A_317 : vector<16xf32>
      %select_n3A_319 = arith.select %gt3A_299, %broadcast_in_dim3A_302, %broadcast_in_dim3A_304 : vector<16xi1>, vector<16xi32>
      %select_n3A_320 = arith.select %gt3A_318, %select_n3A_319, %select_n3A_315 : vector<16xi1>, vector<16xi32>
      %gt3A_321 = arith.constant 4.000000e+00 : f32
      %gt3A_322 = vector.broadcast %gt3A_321 : f32 to vector<16xf32>
      %gt3A_323 = arith.cmpf ogt, %abs3A_298, %gt3A_322 : vector<16xf32>
      %gt3A_324 = arith.cmpf ogt, %gather3A_296, %gather3A_292 : vector<16xf32>
      %select_n3A_325 = arith.select %gt3A_324, %broadcast_in_dim3A_308, %broadcast_in_dim3A_306 : vector<16xi1>, vector<16xi32>
      %select_n3A_326 = arith.select %gt3A_323, %select_n3A_325, %select_n3A_320 : vector<16xi1>, vector<16xi32>
      %lt3A_327 = arith.constant 3.500000e+01 : f32
      %lt3A_328 = vector.broadcast %lt3A_327 : f32 to vector<16xf32>
      %lt3A_329 = arith.cmpf olt, %gather3A, %lt3A_328 : vector<16xf32>
      %and3A_330 = arith.andi %lt3A_329, %gt3A_299 : vector<16xi1>
      %gt3A_331 = arith.constant 1.150000e+02 : f32
      %gt3A_332 = vector.broadcast %gt3A_331 : f32 to vector<16xf32>
      %gt3A_333 = arith.cmpf ogt, %gather3A, %gt3A_332 : vector<16xf32>
      %and3A_334 = arith.andi %gt3A_333, %lt3A_300 : vector<16xi1>
      %or3A = arith.ori %and3A_330, %and3A_334 : vector<16xi1>
      %lt3A_335 = arith.constant 3.500000e+01 : f32
      %lt3A_336 = vector.broadcast %lt3A_335 : f32 to vector<16xf32>
      %lt3A_337 = arith.cmpf olt, %abs3A, %lt3A_336 : vector<16xf32>
      %and3A_338 = arith.andi %or3A, %lt3A_337 : vector<16xi1>
      %lt3A_339 = arith.constant 5.000000e+01 : f32
      %lt3A_340 = vector.broadcast %lt3A_339 : f32 to vector<16xf32>
      %lt3A_341 = arith.cmpf olt, %gather3A_292, %lt3A_340 : vector<16xf32>
      %select_n3A_342 = arith.select %lt3A_341, %broadcast_in_dim3A_308, %broadcast_in_dim3A_306 : vector<16xi1>, vector<16xi32>
      %le3A = arith.constant 1.500000e+01 : f32
      %le3A_343 = vector.broadcast %le3A : f32 to vector<16xf32>
      %le3A_344 = arith.cmpf ole, %abs3A_298, %le3A_343 : vector<16xf32>
      %select_n3A_345 = arith.select %and3A_330, %broadcast_in_dim3A_302, %broadcast_in_dim3A_304 : vector<16xi1>, vector<16xi32>
      %select_n3A_346 = arith.select %le3A_344, %select_n3A_342, %select_n3A_345 : vector<16xi1>, vector<16xi32>
      %select_n3A_347 = arith.select %and3A_338, %select_n3A_346, %select_n3A_326 : vector<16xi1>, vector<16xi32>
      %mul3A_348 = arith.constant 5 : i32
      %mul3A_349 = vector.broadcast %mul3A_348 : i32 to vector<16xi32>
      %mul3A_350 = arith.muli %mul3A_349, %select_n3A_347 : vector<16xi32>
      %shift_left3A = arith.constant 1 : i32
      %shift_left3A_351 = vector.broadcast %shift_left3A : i32 to vector<16xi32>
      %shift_left3A_352 = arith.shli %shift_left3A_351, %mul3A_350 : vector<16xi32>
      %or3A_353 = arith.ori %scan3A_278, %shift_left3A_352 : vector<16xi32>
      scf.yield %or3A_353 : vector<16xi32>
    }
    %scan3A_34 = arith.constant 32 : i32
    %add3A_35 = arith.constant 2048 : i32
    %add3A_36 = arith.addi %mul3A_2, %add3A_35 : i32
    %dma_start3A_37 = arith.constant 32 : i32
    %dma_start3A_38 = tpu.memref_slice %arg2[%add3A_36, %dma_start3A_37] : memref<262144x128xf32, #tpu.memory_space<hbm>> -> memref<512x16xf32, #tpu.memory_space<hbm>>
    %dma_start3A_39 = arith.constant 32 : i32
    %dma_start3A_40 = tpu.memref_slice %arg2[%add3A_36, %dma_start3A_39] : memref<262144x128xf32, #tpu.memory_space<hbm>> -> memref<512x16xf32, #tpu.memory_space<hbm>>
    tpu.enqueue_dma source(%dma_start3A_40 : memref<512x16xf32, #tpu.memory_space<hbm>>) target(%arg4 : memref<512x16xf32, #tpu.memory_space<vmem>>) target_semaphore(%arg9 : memref<!tpu.dma_semaphore, #tpu.memory_space<semaphore_mem>>)
    %dma_wait3A_41 = arith.constant 32 : i32
    %dma_wait3A_42 = tpu.memref_slice %arg2[%add3A_10, %dma_wait3A_41] : memref<262144x128xf32, #tpu.memory_space<hbm>> -> memref<512x16xf32, #tpu.memory_space<hbm>>
    %dma_wait3A_43 = arith.constant 32 : i32
    %dma_wait3A_44 = tpu.memref_slice %arg2[%add3A_10, %dma_wait3A_43] : memref<262144x128xf32, #tpu.memory_space<hbm>> -> memref<512x16xf32, #tpu.memory_space<hbm>>
    tpu.wait_dma2 semaphore(%arg10 : memref<!tpu.dma_semaphore, #tpu.memory_space<semaphore_mem>>) src(%dma_wait3A_44 : memref<512x16xf32, #tpu.memory_space<hbm>>) dst(%arg5 : memref<512x16xf32, #tpu.memory_space<vmem>>)
    %scan3A_45 = arith.constant 0 : i32
    %scan3A_46 = arith.constant 32 : i32
    %scan3A_47 = arith.addi %scan3A_45, %scan3A_46 : i32
    %scan3A_48 = arith.constant 1 : i32
    %scan3A_49 = scf.for %scan3A_277 = %scan3A_45 to %scan3A_47 step %scan3A_48 iter_args(%scan3A_278 = %scan3A_33) -> (vector<16xi32>)  : i32 {
      %mul3A_279 = arith.constant 16 : i32
      %mul3A_280 = arith.muli %scan3A_277, %mul3A_279 : i32
      %add3A_281 = vector.broadcast %mul3A_280 : i32 to vector<16xi32>
      %add3A_282 = arith.addi %add3A_281, %iota3A : vector<16xi32>
      %broadcast_in_dim3A_283 = arith.constant 0 : i32
      %broadcast_in_dim3A_284 = vector.broadcast %broadcast_in_dim3A_283 : i32 to vector<16xi32>
      %gather3A = tpu.vector_load_idx %arg5[%add3A_282, %broadcast_in_dim3A_284] : memref<512x16xf32, #tpu.memory_space<vmem>>[vector<16xi32>, vector<16xi32>], vector<16xf32>,
      %add3A_285 = arith.constant 1 : i32
      %add3A_286 = vector.broadcast %add3A_285 : i32 to vector<16xi32>
      %add3A_287 = arith.addi %broadcast_in_dim3A_284, %add3A_286 : vector<16xi32>
      %gather3A_288 = tpu.vector_load_idx %arg5[%add3A_282, %add3A_287] : memref<512x16xf32, #tpu.memory_space<vmem>>[vector<16xi32>, vector<16xi32>], vector<16xf32>,
      %add3A_289 = arith.constant 2 : i32
      %add3A_290 = vector.broadcast %add3A_289 : i32 to vector<16xi32>
      %add3A_291 = arith.addi %broadcast_in_dim3A_284, %add3A_290 : vector<16xi32>
      %gather3A_292 = tpu.vector_load_idx %arg5[%add3A_282, %add3A_291] : memref<512x16xf32, #tpu.memory_space<vmem>>[vector<16xi32>, vector<16xi32>], vector<16xf32>,
      %add3A_293 = arith.constant 3 : i32
      %add3A_294 = vector.broadcast %add3A_293 : i32 to vector<16xi32>
      %add3A_295 = arith.addi %broadcast_in_dim3A_284, %add3A_294 : vector<16xi32>
      %gather3A_296 = tpu.vector_load_idx %arg5[%add3A_282, %add3A_295] : memref<512x16xf32, #tpu.memory_space<vmem>>[vector<16xi32>, vector<16xi32>], vector<16xf32>,
      %sub3A = arith.subf %gather3A_288, %gather3A : vector<16xf32>
      %abs3A = math.absf %sub3A : vector<16xf32>
      %sub3A_297 = arith.subf %gather3A_296, %gather3A_292 : vector<16xf32>
      %abs3A_298 = math.absf %sub3A_297 : vector<16xf32>
      %gt3A_299 = arith.cmpf ogt, %gather3A_288, %gather3A : vector<16xf32>
      %lt3A_300 = arith.cmpf olt, %gather3A_288, %gather3A : vector<16xf32>
      %broadcast_in_dim3A_301 = arith.constant 3 : i32
      %broadcast_in_dim3A_302 = vector.broadcast %broadcast_in_dim3A_301 : i32 to vector<16xi32>
      %broadcast_in_dim3A_303 = arith.constant 4 : i32
      %broadcast_in_dim3A_304 = vector.broadcast %broadcast_in_dim3A_303 : i32 to vector<16xi32>
      %broadcast_in_dim3A_305 = arith.constant 2 : i32
      %broadcast_in_dim3A_306 = vector.broadcast %broadcast_in_dim3A_305 : i32 to vector<16xi32>
      %broadcast_in_dim3A_307 = arith.constant 5 : i32
      %broadcast_in_dim3A_308 = vector.broadcast %broadcast_in_dim3A_307 : i32 to vector<16xi32>
      %broadcast_in_dim3A_309 = arith.constant 1 : i32
      %broadcast_in_dim3A_310 = vector.broadcast %broadcast_in_dim3A_309 : i32 to vector<16xi32>
      %lt3A_311 = arith.constant 2.300000e+01 : f32
      %lt3A_312 = vector.broadcast %lt3A_311 : f32 to vector<16xf32>
      %lt3A_313 = arith.cmpf olt, %abs3A, %lt3A_312 : vector<16xf32>
      %select_n3A_314 = arith.select %gt3A_299, %broadcast_in_dim3A_304, %broadcast_in_dim3A_302 : vector<16xi1>, vector<16xi32>
      %select_n3A_315 = arith.select %lt3A_313, %select_n3A_314, %broadcast_in_dim3A_310 : vector<16xi1>, vector<16xi32>
      %gt3A_316 = arith.constant 2.700000e+01 : f32
      %gt3A_317 = vector.broadcast %gt3A_316 : f32 to vector<16xf32>
      %gt3A_318 = arith.cmpf ogt, %abs3A, %gt3A_317 : vector<16xf32>
      %select_n3A_319 = arith.select %gt3A_299, %broadcast_in_dim3A_302, %broadcast_in_dim3A_304 : vector<16xi1>, vector<16xi32>
      %select_n3A_320 = arith.select %gt3A_318, %select_n3A_319, %select_n3A_315 : vector<16xi1>, vector<16xi32>
      %gt3A_321 = arith.constant 4.000000e+00 : f32
      %gt3A_322 = vector.broadcast %gt3A_321 : f32 to vector<16xf32>
      %gt3A_323 = arith.cmpf ogt, %abs3A_298, %gt3A_322 : vector<16xf32>
      %gt3A_324 = arith.cmpf ogt, %gather3A_296, %gather3A_292 : vector<16xf32>
      %select_n3A_325 = arith.select %gt3A_324, %broadcast_in_dim3A_308, %broadcast_in_dim3A_306 : vector<16xi1>, vector<16xi32>
      %select_n3A_326 = arith.select %gt3A_323, %select_n3A_325, %select_n3A_320 : vector<16xi1>, vector<16xi32>
      %lt3A_327 = arith.constant 3.500000e+01 : f32
      %lt3A_328 = vector.broadcast %lt3A_327 : f32 to vector<16xf32>
      %lt3A_329 = arith.cmpf olt, %gather3A, %lt3A_328 : vector<16xf32>
      %and3A_330 = arith.andi %lt3A_329, %gt3A_299 : vector<16xi1>
      %gt3A_331 = arith.constant 1.150000e+02 : f32
      %gt3A_332 = vector.broadcast %gt3A_331 : f32 to vector<16xf32>
      %gt3A_333 = arith.cmpf ogt, %gather3A, %gt3A_332 : vector<16xf32>
      %and3A_334 = arith.andi %gt3A_333, %lt3A_300 : vector<16xi1>
      %or3A = arith.ori %and3A_330, %and3A_334 : vector<16xi1>
      %lt3A_335 = arith.constant 3.500000e+01 : f32
      %lt3A_336 = vector.broadcast %lt3A_335 : f32 to vector<16xf32>
      %lt3A_337 = arith.cmpf olt, %abs3A, %lt3A_336 : vector<16xf32>
      %and3A_338 = arith.andi %or3A, %lt3A_337 : vector<16xi1>
      %lt3A_339 = arith.constant 5.000000e+01 : f32
      %lt3A_340 = vector.broadcast %lt3A_339 : f32 to vector<16xf32>
      %lt3A_341 = arith.cmpf olt, %gather3A_292, %lt3A_340 : vector<16xf32>
      %select_n3A_342 = arith.select %lt3A_341, %broadcast_in_dim3A_308, %broadcast_in_dim3A_306 : vector<16xi1>, vector<16xi32>
      %le3A = arith.constant 1.500000e+01 : f32
      %le3A_343 = vector.broadcast %le3A : f32 to vector<16xf32>
      %le3A_344 = arith.cmpf ole, %abs3A_298, %le3A_343 : vector<16xf32>
      %select_n3A_345 = arith.select %and3A_330, %broadcast_in_dim3A_302, %broadcast_in_dim3A_304 : vector<16xi1>, vector<16xi32>
      %select_n3A_346 = arith.select %le3A_344, %select_n3A_342, %select_n3A_345 : vector<16xi1>, vector<16xi32>
      %select_n3A_347 = arith.select %and3A_338, %select_n3A_346, %select_n3A_326 : vector<16xi1>, vector<16xi32>
      %mul3A_348 = arith.constant 5 : i32
      %mul3A_349 = vector.broadcast %mul3A_348 : i32 to vector<16xi32>
      %mul3A_350 = arith.muli %mul3A_349, %select_n3A_347 : vector<16xi32>
      %shift_left3A = arith.constant 1 : i32
      %shift_left3A_351 = vector.broadcast %shift_left3A : i32 to vector<16xi32>
      %shift_left3A_352 = arith.shli %shift_left3A_351, %mul3A_350 : vector<16xi32>
      %or3A_353 = arith.ori %scan3A_278, %shift_left3A_352 : vector<16xi32>
      scf.yield %or3A_353 : vector<16xi32>
    }
    %scan3A_50 = arith.constant 32 : i32
    %add3A_51 = arith.constant 2560 : i32
    %add3A_52 = arith.addi %mul3A_2, %add3A_51 : i32
    %dma_start3A_53 = arith.constant 32 : i32
    %dma_start3A_54 = tpu.memref_slice %arg2[%add3A_52, %dma_start3A_53] : memref<262144x128xf32, #tpu.memory_space<hbm>> -> memref<512x16xf32, #tpu.memory_space<hbm>>
    %dma_start3A_55 = arith.constant 32 : i32
    %dma_start3A_56 = tpu.memref_slice %arg2[%add3A_52, %dma_start3A_55] : memref<262144x128xf32, #tpu.memory_space<hbm>> -> memref<512x16xf32, #tpu.memory_space<hbm>>
    tpu.enqueue_dma source(%dma_start3A_56 : memref<512x16xf32, #tpu.memory_space<hbm>>) target(%arg5 : memref<512x16xf32, #tpu.memory_space<vmem>>) target_semaphore(%arg10 : memref<!tpu.dma_semaphore, #tpu.memory_space<semaphore_mem>>)
    %dma_wait3A_57 = arith.constant 32 : i32
    %dma_wait3A_58 = tpu.memref_slice %arg2[%add3A_16, %dma_wait3A_57] : memref<262144x128xf32, #tpu.memory_space<hbm>> -> memref<512x16xf32, #tpu.memory_space<hbm>>
    %dma_wait3A_59 = arith.constant 32 : i32
    %dma_wait3A_60 = tpu.memref_slice %arg2[%add3A_16, %dma_wait3A_59] : memref<262144x128xf32, #tpu.memory_space<hbm>> -> memref<512x16xf32, #tpu.memory_space<hbm>>
    tpu.wait_dma2 semaphore(%arg11 : memref<!tpu.dma_semaphore, #tpu.memory_space<semaphore_mem>>) src(%dma_wait3A_60 : memref<512x16xf32, #tpu.memory_space<hbm>>) dst(%arg6 : memref<512x16xf32, #tpu.memory_space<vmem>>)
    %scan3A_61 = arith.constant 0 : i32
    %scan3A_62 = arith.constant 32 : i32
    %scan3A_63 = arith.addi %scan3A_61, %scan3A_62 : i32
    %scan3A_64 = arith.constant 1 : i32
    %scan3A_65 = scf.for %scan3A_277 = %scan3A_61 to %scan3A_63 step %scan3A_64 iter_args(%scan3A_278 = %scan3A_49) -> (vector<16xi32>)  : i32 {
      %mul3A_279 = arith.constant 16 : i32
      %mul3A_280 = arith.muli %scan3A_277, %mul3A_279 : i32
      %add3A_281 = vector.broadcast %mul3A_280 : i32 to vector<16xi32>
      %add3A_282 = arith.addi %add3A_281, %iota3A : vector<16xi32>
      %broadcast_in_dim3A_283 = arith.constant 0 : i32
      %broadcast_in_dim3A_284 = vector.broadcast %broadcast_in_dim3A_283 : i32 to vector<16xi32>
      %gather3A = tpu.vector_load_idx %arg6[%add3A_282, %broadcast_in_dim3A_284] : memref<512x16xf32, #tpu.memory_space<vmem>>[vector<16xi32>, vector<16xi32>], vector<16xf32>,
      %add3A_285 = arith.constant 1 : i32
      %add3A_286 = vector.broadcast %add3A_285 : i32 to vector<16xi32>
      %add3A_287 = arith.addi %broadcast_in_dim3A_284, %add3A_286 : vector<16xi32>
      %gather3A_288 = tpu.vector_load_idx %arg6[%add3A_282, %add3A_287] : memref<512x16xf32, #tpu.memory_space<vmem>>[vector<16xi32>, vector<16xi32>], vector<16xf32>,
      %add3A_289 = arith.constant 2 : i32
      %add3A_290 = vector.broadcast %add3A_289 : i32 to vector<16xi32>
      %add3A_291 = arith.addi %broadcast_in_dim3A_284, %add3A_290 : vector<16xi32>
      %gather3A_292 = tpu.vector_load_idx %arg6[%add3A_282, %add3A_291] : memref<512x16xf32, #tpu.memory_space<vmem>>[vector<16xi32>, vector<16xi32>], vector<16xf32>,
      %add3A_293 = arith.constant 3 : i32
      %add3A_294 = vector.broadcast %add3A_293 : i32 to vector<16xi32>
      %add3A_295 = arith.addi %broadcast_in_dim3A_284, %add3A_294 : vector<16xi32>
      %gather3A_296 = tpu.vector_load_idx %arg6[%add3A_282, %add3A_295] : memref<512x16xf32, #tpu.memory_space<vmem>>[vector<16xi32>, vector<16xi32>], vector<16xf32>,
      %sub3A = arith.subf %gather3A_288, %gather3A : vector<16xf32>
      %abs3A = math.absf %sub3A : vector<16xf32>
      %sub3A_297 = arith.subf %gather3A_296, %gather3A_292 : vector<16xf32>
      %abs3A_298 = math.absf %sub3A_297 : vector<16xf32>
      %gt3A_299 = arith.cmpf ogt, %gather3A_288, %gather3A : vector<16xf32>
      %lt3A_300 = arith.cmpf olt, %gather3A_288, %gather3A : vector<16xf32>
      %broadcast_in_dim3A_301 = arith.constant 3 : i32
      %broadcast_in_dim3A_302 = vector.broadcast %broadcast_in_dim3A_301 : i32 to vector<16xi32>
      %broadcast_in_dim3A_303 = arith.constant 4 : i32
      %broadcast_in_dim3A_304 = vector.broadcast %broadcast_in_dim3A_303 : i32 to vector<16xi32>
      %broadcast_in_dim3A_305 = arith.constant 2 : i32
      %broadcast_in_dim3A_306 = vector.broadcast %broadcast_in_dim3A_305 : i32 to vector<16xi32>
      %broadcast_in_dim3A_307 = arith.constant 5 : i32
      %broadcast_in_dim3A_308 = vector.broadcast %broadcast_in_dim3A_307 : i32 to vector<16xi32>
      %broadcast_in_dim3A_309 = arith.constant 1 : i32
      %broadcast_in_dim3A_310 = vector.broadcast %broadcast_in_dim3A_309 : i32 to vector<16xi32>
      %lt3A_311 = arith.constant 2.300000e+01 : f32
      %lt3A_312 = vector.broadcast %lt3A_311 : f32 to vector<16xf32>
      %lt3A_313 = arith.cmpf olt, %abs3A, %lt3A_312 : vector<16xf32>
      %select_n3A_314 = arith.select %gt3A_299, %broadcast_in_dim3A_304, %broadcast_in_dim3A_302 : vector<16xi1>, vector<16xi32>
      %select_n3A_315 = arith.select %lt3A_313, %select_n3A_314, %broadcast_in_dim3A_310 : vector<16xi1>, vector<16xi32>
      %gt3A_316 = arith.constant 2.700000e+01 : f32
      %gt3A_317 = vector.broadcast %gt3A_316 : f32 to vector<16xf32>
      %gt3A_318 = arith.cmpf ogt, %abs3A, %gt3A_317 : vector<16xf32>
      %select_n3A_319 = arith.select %gt3A_299, %broadcast_in_dim3A_302, %broadcast_in_dim3A_304 : vector<16xi1>, vector<16xi32>
      %select_n3A_320 = arith.select %gt3A_318, %select_n3A_319, %select_n3A_315 : vector<16xi1>, vector<16xi32>
      %gt3A_321 = arith.constant 4.000000e+00 : f32
      %gt3A_322 = vector.broadcast %gt3A_321 : f32 to vector<16xf32>
      %gt3A_323 = arith.cmpf ogt, %abs3A_298, %gt3A_322 : vector<16xf32>
      %gt3A_324 = arith.cmpf ogt, %gather3A_296, %gather3A_292 : vector<16xf32>
      %select_n3A_325 = arith.select %gt3A_324, %broadcast_in_dim3A_308, %broadcast_in_dim3A_306 : vector<16xi1>, vector<16xi32>
      %select_n3A_326 = arith.select %gt3A_323, %select_n3A_325, %select_n3A_320 : vector<16xi1>, vector<16xi32>
      %lt3A_327 = arith.constant 3.500000e+01 : f32
      %lt3A_328 = vector.broadcast %lt3A_327 : f32 to vector<16xf32>
      %lt3A_329 = arith.cmpf olt, %gather3A, %lt3A_328 : vector<16xf32>
      %and3A_330 = arith.andi %lt3A_329, %gt3A_299 : vector<16xi1>
      %gt3A_331 = arith.constant 1.150000e+02 : f32
      %gt3A_332 = vector.broadcast %gt3A_331 : f32 to vector<16xf32>
      %gt3A_333 = arith.cmpf ogt, %gather3A, %gt3A_332 : vector<16xf32>
      %and3A_334 = arith.andi %gt3A_333, %lt3A_300 : vector<16xi1>
      %or3A = arith.ori %and3A_330, %and3A_334 : vector<16xi1>
      %lt3A_335 = arith.constant 3.500000e+01 : f32
      %lt3A_336 = vector.broadcast %lt3A_335 : f32 to vector<16xf32>
      %lt3A_337 = arith.cmpf olt, %abs3A, %lt3A_336 : vector<16xf32>
      %and3A_338 = arith.andi %or3A, %lt3A_337 : vector<16xi1>
      %lt3A_339 = arith.constant 5.000000e+01 : f32
      %lt3A_340 = vector.broadcast %lt3A_339 : f32 to vector<16xf32>
      %lt3A_341 = arith.cmpf olt, %gather3A_292, %lt3A_340 : vector<16xf32>
      %select_n3A_342 = arith.select %lt3A_341, %broadcast_in_dim3A_308, %broadcast_in_dim3A_306 : vector<16xi1>, vector<16xi32>
      %le3A = arith.constant 1.500000e+01 : f32
      %le3A_343 = vector.broadcast %le3A : f32 to vector<16xf32>
      %le3A_344 = arith.cmpf ole, %abs3A_298, %le3A_343 : vector<16xf32>
      %select_n3A_345 = arith.select %and3A_330, %broadcast_in_dim3A_302, %broadcast_in_dim3A_304 : vector<16xi1>, vector<16xi32>
      %select_n3A_346 = arith.select %le3A_344, %select_n3A_342, %select_n3A_345 : vector<16xi1>, vector<16xi32>
      %select_n3A_347 = arith.select %and3A_338, %select_n3A_346, %select_n3A_326 : vector<16xi1>, vector<16xi32>
      %mul3A_348 = arith.constant 5 : i32
      %mul3A_349 = vector.broadcast %mul3A_348 : i32 to vector<16xi32>
      %mul3A_350 = arith.muli %mul3A_349, %select_n3A_347 : vector<16xi32>
      %shift_left3A = arith.constant 1 : i32
      %shift_left3A_351 = vector.broadcast %shift_left3A : i32 to vector<16xi32>
      %shift_left3A_352 = arith.shli %shift_left3A_351, %mul3A_350 : vector<16xi32>
      %or3A_353 = arith.ori %scan3A_278, %shift_left3A_352 : vector<16xi32>
      scf.yield %or3A_353 : vector<16xi32>
    }
    %scan3A_66 = arith.constant 32 : i32
    %add3A_67 = arith.constant 3072 : i32
    %add3A_68 = arith.addi %mul3A_2, %add3A_67 : i32
    %dma_start3A_69 = arith.constant 32 : i32
    %dma_start3A_70 = tpu.memref_slice %arg2[%add3A_68, %dma_start3A_69] : memref<262144x128xf32, #tpu.memory_space<hbm>> -> memref<512x16xf32, #tpu.memory_space<hbm>>
    %dma_start3A_71 = arith.constant 32 : i32
    %dma_start3A_72 = tpu.memref_slice %arg2[%add3A_68, %dma_start3A_71] : memref<262144x128xf32, #tpu.memory_space<hbm>> -> memref<512x16xf32, #tpu.memory_space<hbm>>
    tpu.enqueue_dma source(%dma_start3A_72 : memref<512x16xf32, #tpu.memory_space<hbm>>) target(%arg6 : memref<512x16xf32, #tpu.memory_space<vmem>>) target_semaphore(%arg11 : memref<!tpu.dma_semaphore, #tpu.memory_space<semaphore_mem>>)
    %dma_wait3A_73 = arith.constant 32 : i32
    %dma_wait3A_74 = tpu.memref_slice %arg2[%add3A_22, %dma_wait3A_73] : memref<262144x128xf32, #tpu.memory_space<hbm>> -> memref<512x16xf32, #tpu.memory_space<hbm>>
    %dma_wait3A_75 = arith.constant 32 : i32
    %dma_wait3A_76 = tpu.memref_slice %arg2[%add3A_22, %dma_wait3A_75] : memref<262144x128xf32, #tpu.memory_space<hbm>> -> memref<512x16xf32, #tpu.memory_space<hbm>>
    tpu.wait_dma2 semaphore(%arg12 : memref<!tpu.dma_semaphore, #tpu.memory_space<semaphore_mem>>) src(%dma_wait3A_76 : memref<512x16xf32, #tpu.memory_space<hbm>>) dst(%arg7 : memref<512x16xf32, #tpu.memory_space<vmem>>)
    %scan3A_77 = arith.constant 0 : i32
    %scan3A_78 = arith.constant 32 : i32
    %scan3A_79 = arith.addi %scan3A_77, %scan3A_78 : i32
    %scan3A_80 = arith.constant 1 : i32
    %scan3A_81 = scf.for %scan3A_277 = %scan3A_77 to %scan3A_79 step %scan3A_80 iter_args(%scan3A_278 = %scan3A_65) -> (vector<16xi32>)  : i32 {
      %mul3A_279 = arith.constant 16 : i32
      %mul3A_280 = arith.muli %scan3A_277, %mul3A_279 : i32
      %add3A_281 = vector.broadcast %mul3A_280 : i32 to vector<16xi32>
      %add3A_282 = arith.addi %add3A_281, %iota3A : vector<16xi32>
      %broadcast_in_dim3A_283 = arith.constant 0 : i32
      %broadcast_in_dim3A_284 = vector.broadcast %broadcast_in_dim3A_283 : i32 to vector<16xi32>
      %gather3A = tpu.vector_load_idx %arg7[%add3A_282, %broadcast_in_dim3A_284] : memref<512x16xf32, #tpu.memory_space<vmem>>[vector<16xi32>, vector<16xi32>], vector<16xf32>,
      %add3A_285 = arith.constant 1 : i32
      %add3A_286 = vector.broadcast %add3A_285 : i32 to vector<16xi32>
      %add3A_287 = arith.addi %broadcast_in_dim3A_284, %add3A_286 : vector<16xi32>
      %gather3A_288 = tpu.vector_load_idx %arg7[%add3A_282, %add3A_287] : memref<512x16xf32, #tpu.memory_space<vmem>>[vector<16xi32>, vector<16xi32>], vector<16xf32>,
      %add3A_289 = arith.constant 2 : i32
      %add3A_290 = vector.broadcast %add3A_289 : i32 to vector<16xi32>
      %add3A_291 = arith.addi %broadcast_in_dim3A_284, %add3A_290 : vector<16xi32>
      %gather3A_292 = tpu.vector_load_idx %arg7[%add3A_282, %add3A_291] : memref<512x16xf32, #tpu.memory_space<vmem>>[vector<16xi32>, vector<16xi32>], vector<16xf32>,
      %add3A_293 = arith.constant 3 : i32
      %add3A_294 = vector.broadcast %add3A_293 : i32 to vector<16xi32>
      %add3A_295 = arith.addi %broadcast_in_dim3A_284, %add3A_294 : vector<16xi32>
      %gather3A_296 = tpu.vector_load_idx %arg7[%add3A_282, %add3A_295] : memref<512x16xf32, #tpu.memory_space<vmem>>[vector<16xi32>, vector<16xi32>], vector<16xf32>,
      %sub3A = arith.subf %gather3A_288, %gather3A : vector<16xf32>
      %abs3A = math.absf %sub3A : vector<16xf32>
      %sub3A_297 = arith.subf %gather3A_296, %gather3A_292 : vector<16xf32>
      %abs3A_298 = math.absf %sub3A_297 : vector<16xf32>
      %gt3A_299 = arith.cmpf ogt, %gather3A_288, %gather3A : vector<16xf32>
      %lt3A_300 = arith.cmpf olt, %gather3A_288, %gather3A : vector<16xf32>
      %broadcast_in_dim3A_301 = arith.constant 3 : i32
      %broadcast_in_dim3A_302 = vector.broadcast %broadcast_in_dim3A_301 : i32 to vector<16xi32>
      %broadcast_in_dim3A_303 = arith.constant 4 : i32
      %broadcast_in_dim3A_304 = vector.broadcast %broadcast_in_dim3A_303 : i32 to vector<16xi32>
      %broadcast_in_dim3A_305 = arith.constant 2 : i32
      %broadcast_in_dim3A_306 = vector.broadcast %broadcast_in_dim3A_305 : i32 to vector<16xi32>
      %broadcast_in_dim3A_307 = arith.constant 5 : i32
      %broadcast_in_dim3A_308 = vector.broadcast %broadcast_in_dim3A_307 : i32 to vector<16xi32>
      %broadcast_in_dim3A_309 = arith.constant 1 : i32
      %broadcast_in_dim3A_310 = vector.broadcast %broadcast_in_dim3A_309 : i32 to vector<16xi32>
      %lt3A_311 = arith.constant 2.300000e+01 : f32
      %lt3A_312 = vector.broadcast %lt3A_311 : f32 to vector<16xf32>
      %lt3A_313 = arith.cmpf olt, %abs3A, %lt3A_312 : vector<16xf32>
      %select_n3A_314 = arith.select %gt3A_299, %broadcast_in_dim3A_304, %broadcast_in_dim3A_302 : vector<16xi1>, vector<16xi32>
      %select_n3A_315 = arith.select %lt3A_313, %select_n3A_314, %broadcast_in_dim3A_310 : vector<16xi1>, vector<16xi32>
      %gt3A_316 = arith.constant 2.700000e+01 : f32
      %gt3A_317 = vector.broadcast %gt3A_316 : f32 to vector<16xf32>
      %gt3A_318 = arith.cmpf ogt, %abs3A, %gt3A_317 : vector<16xf32>
      %select_n3A_319 = arith.select %gt3A_299, %broadcast_in_dim3A_302, %broadcast_in_dim3A_304 : vector<16xi1>, vector<16xi32>
      %select_n3A_320 = arith.select %gt3A_318, %select_n3A_319, %select_n3A_315 : vector<16xi1>, vector<16xi32>
      %gt3A_321 = arith.constant 4.000000e+00 : f32
      %gt3A_322 = vector.broadcast %gt3A_321 : f32 to vector<16xf32>
      %gt3A_323 = arith.cmpf ogt, %abs3A_298, %gt3A_322 : vector<16xf32>
      %gt3A_324 = arith.cmpf ogt, %gather3A_296, %gather3A_292 : vector<16xf32>
      %select_n3A_325 = arith.select %gt3A_324, %broadcast_in_dim3A_308, %broadcast_in_dim3A_306 : vector<16xi1>, vector<16xi32>
      %select_n3A_326 = arith.select %gt3A_323, %select_n3A_325, %select_n3A_320 : vector<16xi1>, vector<16xi32>
      %lt3A_327 = arith.constant 3.500000e+01 : f32
      %lt3A_328 = vector.broadcast %lt3A_327 : f32 to vector<16xf32>
      %lt3A_329 = arith.cmpf olt, %gather3A, %lt3A_328 : vector<16xf32>
      %and3A_330 = arith.andi %lt3A_329, %gt3A_299 : vector<16xi1>
      %gt3A_331 = arith.constant 1.150000e+02 : f32
      %gt3A_332 = vector.broadcast %gt3A_331 : f32 to vector<16xf32>
      %gt3A_333 = arith.cmpf ogt, %gather3A, %gt3A_332 : vector<16xf32>
      %and3A_334 = arith.andi %gt3A_333, %lt3A_300 : vector<16xi1>
      %or3A = arith.ori %and3A_330, %and3A_334 : vector<16xi1>
      %lt3A_335 = arith.constant 3.500000e+01 : f32
      %lt3A_336 = vector.broadcast %lt3A_335 : f32 to vector<16xf32>
      %lt3A_337 = arith.cmpf olt, %abs3A, %lt3A_336 : vector<16xf32>
      %and3A_338 = arith.andi %or3A, %lt3A_337 : vector<16xi1>
      %lt3A_339 = arith.constant 5.000000e+01 : f32
      %lt3A_340 = vector.broadcast %lt3A_339 : f32 to vector<16xf32>
      %lt3A_341 = arith.cmpf olt, %gather3A_292, %lt3A_340 : vector<16xf32>
      %select_n3A_342 = arith.select %lt3A_341, %broadcast_in_dim3A_308, %broadcast_in_dim3A_306 : vector<16xi1>, vector<16xi32>
      %le3A = arith.constant 1.500000e+01 : f32
      %le3A_343 = vector.broadcast %le3A : f32 to vector<16xf32>
      %le3A_344 = arith.cmpf ole, %abs3A_298, %le3A_343 : vector<16xf32>
      %select_n3A_345 = arith.select %and3A_330, %broadcast_in_dim3A_302, %broadcast_in_dim3A_304 : vector<16xi1>, vector<16xi32>
      %select_n3A_346 = arith.select %le3A_344, %select_n3A_342, %select_n3A_345 : vector<16xi1>, vector<16xi32>
      %select_n3A_347 = arith.select %and3A_338, %select_n3A_346, %select_n3A_326 : vector<16xi1>, vector<16xi32>
      %mul3A_348 = arith.constant 5 : i32
      %mul3A_349 = vector.broadcast %mul3A_348 : i32 to vector<16xi32>
      %mul3A_350 = arith.muli %mul3A_349, %select_n3A_347 : vector<16xi32>
      %shift_left3A = arith.constant 1 : i32
      %shift_left3A_351 = vector.broadcast %shift_left3A : i32 to vector<16xi32>
      %shift_left3A_352 = arith.shli %shift_left3A_351, %mul3A_350 : vector<16xi32>
      %or3A_353 = arith.ori %scan3A_278, %shift_left3A_352 : vector<16xi32>
      scf.yield %or3A_353 : vector<16xi32>
    }
    %scan3A_82 = arith.constant 32 : i32
    %add3A_83 = arith.constant 3584 : i32
    %add3A_84 = arith.addi %mul3A_2, %add3A_83 : i32
    %dma_start3A_85 = arith.constant 32 : i32
    %dma_start3A_86 = tpu.memref_slice %arg2[%add3A_84, %dma_start3A_85] : memref<262144x128xf32, #tpu.memory_space<hbm>> -> memref<512x16xf32, #tpu.memory_space<hbm>>
    %dma_start3A_87 = arith.constant 32 : i32
    %dma_start3A_88 = tpu.memref_slice %arg2[%add3A_84, %dma_start3A_87] : memref<262144x128xf32, #tpu.memory_space<hbm>> -> memref<512x16xf32, #tpu.memory_space<hbm>>
    tpu.enqueue_dma source(%dma_start3A_88 : memref<512x16xf32, #tpu.memory_space<hbm>>) target(%arg7 : memref<512x16xf32, #tpu.memory_space<vmem>>) target_semaphore(%arg12 : memref<!tpu.dma_semaphore, #tpu.memory_space<semaphore_mem>>)
    %dma_wait3A_89 = arith.constant 32 : i32
    %dma_wait3A_90 = tpu.memref_slice %arg2[%add3A_36, %dma_wait3A_89] : memref<262144x128xf32, #tpu.memory_space<hbm>> -> memref<512x16xf32, #tpu.memory_space<hbm>>
    %dma_wait3A_91 = arith.constant 32 : i32
    %dma_wait3A_92 = tpu.memref_slice %arg2[%add3A_36, %dma_wait3A_91] : memref<262144x128xf32, #tpu.memory_space<hbm>> -> memref<512x16xf32, #tpu.memory_space<hbm>>
    tpu.wait_dma2 semaphore(%arg9 : memref<!tpu.dma_semaphore, #tpu.memory_space<semaphore_mem>>) src(%dma_wait3A_92 : memref<512x16xf32, #tpu.memory_space<hbm>>) dst(%arg4 : memref<512x16xf32, #tpu.memory_space<vmem>>)
    %scan3A_93 = arith.constant 0 : i32
    %scan3A_94 = arith.constant 32 : i32
    %scan3A_95 = arith.addi %scan3A_93, %scan3A_94 : i32
    %scan3A_96 = arith.constant 1 : i32
    %scan3A_97 = scf.for %scan3A_277 = %scan3A_93 to %scan3A_95 step %scan3A_96 iter_args(%scan3A_278 = %scan3A_81) -> (vector<16xi32>)  : i32 {
      %mul3A_279 = arith.constant 16 : i32
      %mul3A_280 = arith.muli %scan3A_277, %mul3A_279 : i32
      %add3A_281 = vector.broadcast %mul3A_280 : i32 to vector<16xi32>
      %add3A_282 = arith.addi %add3A_281, %iota3A : vector<16xi32>
      %broadcast_in_dim3A_283 = arith.constant 0 : i32
      %broadcast_in_dim3A_284 = vector.broadcast %broadcast_in_dim3A_283 : i32 to vector<16xi32>
      %gather3A = tpu.vector_load_idx %arg4[%add3A_282, %broadcast_in_dim3A_284] : memref<512x16xf32, #tpu.memory_space<vmem>>[vector<16xi32>, vector<16xi32>], vector<16xf32>,
      %add3A_285 = arith.constant 1 : i32
      %add3A_286 = vector.broadcast %add3A_285 : i32 to vector<16xi32>
      %add3A_287 = arith.addi %broadcast_in_dim3A_284, %add3A_286 : vector<16xi32>
      %gather3A_288 = tpu.vector_load_idx %arg4[%add3A_282, %add3A_287] : memref<512x16xf32, #tpu.memory_space<vmem>>[vector<16xi32>, vector<16xi32>], vector<16xf32>,
      %add3A_289 = arith.constant 2 : i32
      %add3A_290 = vector.broadcast %add3A_289 : i32 to vector<16xi32>
      %add3A_291 = arith.addi %broadcast_in_dim3A_284, %add3A_290 : vector<16xi32>
      %gather3A_292 = tpu.vector_load_idx %arg4[%add3A_282, %add3A_291] : memref<512x16xf32, #tpu.memory_space<vmem>>[vector<16xi32>, vector<16xi32>], vector<16xf32>,
      %add3A_293 = arith.constant 3 : i32
      %add3A_294 = vector.broadcast %add3A_293 : i32 to vector<16xi32>
      %add3A_295 = arith.addi %broadcast_in_dim3A_284, %add3A_294 : vector<16xi32>
      %gather3A_296 = tpu.vector_load_idx %arg4[%add3A_282, %add3A_295] : memref<512x16xf32, #tpu.memory_space<vmem>>[vector<16xi32>, vector<16xi32>], vector<16xf32>,
      %sub3A = arith.subf %gather3A_288, %gather3A : vector<16xf32>
      %abs3A = math.absf %sub3A : vector<16xf32>
      %sub3A_297 = arith.subf %gather3A_296, %gather3A_292 : vector<16xf32>
      %abs3A_298 = math.absf %sub3A_297 : vector<16xf32>
      %gt3A_299 = arith.cmpf ogt, %gather3A_288, %gather3A : vector<16xf32>
      %lt3A_300 = arith.cmpf olt, %gather3A_288, %gather3A : vector<16xf32>
      %broadcast_in_dim3A_301 = arith.constant 3 : i32
      %broadcast_in_dim3A_302 = vector.broadcast %broadcast_in_dim3A_301 : i32 to vector<16xi32>
      %broadcast_in_dim3A_303 = arith.constant 4 : i32
      %broadcast_in_dim3A_304 = vector.broadcast %broadcast_in_dim3A_303 : i32 to vector<16xi32>
      %broadcast_in_dim3A_305 = arith.constant 2 : i32
      %broadcast_in_dim3A_306 = vector.broadcast %broadcast_in_dim3A_305 : i32 to vector<16xi32>
      %broadcast_in_dim3A_307 = arith.constant 5 : i32
      %broadcast_in_dim3A_308 = vector.broadcast %broadcast_in_dim3A_307 : i32 to vector<16xi32>
      %broadcast_in_dim3A_309 = arith.constant 1 : i32
      %broadcast_in_dim3A_310 = vector.broadcast %broadcast_in_dim3A_309 : i32 to vector<16xi32>
      %lt3A_311 = arith.constant 2.300000e+01 : f32
      %lt3A_312 = vector.broadcast %lt3A_311 : f32 to vector<16xf32>
      %lt3A_313 = arith.cmpf olt, %abs3A, %lt3A_312 : vector<16xf32>
      %select_n3A_314 = arith.select %gt3A_299, %broadcast_in_dim3A_304, %broadcast_in_dim3A_302 : vector<16xi1>, vector<16xi32>
      %select_n3A_315 = arith.select %lt3A_313, %select_n3A_314, %broadcast_in_dim3A_310 : vector<16xi1>, vector<16xi32>
      %gt3A_316 = arith.constant 2.700000e+01 : f32
      %gt3A_317 = vector.broadcast %gt3A_316 : f32 to vector<16xf32>
      %gt3A_318 = arith.cmpf ogt, %abs3A, %gt3A_317 : vector<16xf32>
      %select_n3A_319 = arith.select %gt3A_299, %broadcast_in_dim3A_302, %broadcast_in_dim3A_304 : vector<16xi1>, vector<16xi32>
      %select_n3A_320 = arith.select %gt3A_318, %select_n3A_319, %select_n3A_315 : vector<16xi1>, vector<16xi32>
      %gt3A_321 = arith.constant 4.000000e+00 : f32
      %gt3A_322 = vector.broadcast %gt3A_321 : f32 to vector<16xf32>
      %gt3A_323 = arith.cmpf ogt, %abs3A_298, %gt3A_322 : vector<16xf32>
      %gt3A_324 = arith.cmpf ogt, %gather3A_296, %gather3A_292 : vector<16xf32>
      %select_n3A_325 = arith.select %gt3A_324, %broadcast_in_dim3A_308, %broadcast_in_dim3A_306 : vector<16xi1>, vector<16xi32>
      %select_n3A_326 = arith.select %gt3A_323, %select_n3A_325, %select_n3A_320 : vector<16xi1>, vector<16xi32>
      %lt3A_327 = arith.constant 3.500000e+01 : f32
      %lt3A_328 = vector.broadcast %lt3A_327 : f32 to vector<16xf32>
      %lt3A_329 = arith.cmpf olt, %gather3A, %lt3A_328 : vector<16xf32>
      %and3A_330 = arith.andi %lt3A_329, %gt3A_299 : vector<16xi1>
      %gt3A_331 = arith.constant 1.150000e+02 : f32
      %gt3A_332 = vector.broadcast %gt3A_331 : f32 to vector<16xf32>
      %gt3A_333 = arith.cmpf ogt, %gather3A, %gt3A_332 : vector<16xf32>
      %and3A_334 = arith.andi %gt3A_333, %lt3A_300 : vector<16xi1>
      %or3A = arith.ori %and3A_330, %and3A_334 : vector<16xi1>
      %lt3A_335 = arith.constant 3.500000e+01 : f32
      %lt3A_336 = vector.broadcast %lt3A_335 : f32 to vector<16xf32>
      %lt3A_337 = arith.cmpf olt, %abs3A, %lt3A_336 : vector<16xf32>
      %and3A_338 = arith.andi %or3A, %lt3A_337 : vector<16xi1>
      %lt3A_339 = arith.constant 5.000000e+01 : f32
      %lt3A_340 = vector.broadcast %lt3A_339 : f32 to vector<16xf32>
      %lt3A_341 = arith.cmpf olt, %gather3A_292, %lt3A_340 : vector<16xf32>
      %select_n3A_342 = arith.select %lt3A_341, %broadcast_in_dim3A_308, %broadcast_in_dim3A_306 : vector<16xi1>, vector<16xi32>
      %le3A = arith.constant 1.500000e+01 : f32
      %le3A_343 = vector.broadcast %le3A : f32 to vector<16xf32>
      %le3A_344 = arith.cmpf ole, %abs3A_298, %le3A_343 : vector<16xf32>
      %select_n3A_345 = arith.select %and3A_330, %broadcast_in_dim3A_302, %broadcast_in_dim3A_304 : vector<16xi1>, vector<16xi32>
      %select_n3A_346 = arith.select %le3A_344, %select_n3A_342, %select_n3A_345 : vector<16xi1>, vector<16xi32>
      %select_n3A_347 = arith.select %and3A_338, %select_n3A_346, %select_n3A_326 : vector<16xi1>, vector<16xi32>
      %mul3A_348 = arith.constant 5 : i32
      %mul3A_349 = vector.broadcast %mul3A_348 : i32 to vector<16xi32>
      %mul3A_350 = arith.muli %mul3A_349, %select_n3A_347 : vector<16xi32>
      %shift_left3A = arith.constant 1 : i32
      %shift_left3A_351 = vector.broadcast %shift_left3A : i32 to vector<16xi32>
      %shift_left3A_352 = arith.shli %shift_left3A_351, %mul3A_350 : vector<16xi32>
      %or3A_353 = arith.ori %scan3A_278, %shift_left3A_352 : vector<16xi32>
      scf.yield %or3A_353 : vector<16xi32>
    }
    %scan3A_98 = arith.constant 32 : i32
    %add3A_99 = arith.constant 4096 : i32
    %add3A_100 = arith.addi %mul3A_2, %add3A_99 : i32
    %dma_start3A_101 = arith.constant 32 : i32
    %dma_start3A_102 = tpu.memref_slice %arg2[%add3A_100, %dma_start3A_101] : memref<262144x128xf32, #tpu.memory_space<hbm>> -> memref<512x16xf32, #tpu.memory_space<hbm>>
    %dma_start3A_103 = arith.constant 32 : i32
    %dma_start3A_104 = tpu.memref_slice %arg2[%add3A_100, %dma_start3A_103] : memref<262144x128xf32, #tpu.memory_space<hbm>> -> memref<512x16xf32, #tpu.memory_space<hbm>>
    tpu.enqueue_dma source(%dma_start3A_104 : memref<512x16xf32, #tpu.memory_space<hbm>>) target(%arg4 : memref<512x16xf32, #tpu.memory_space<vmem>>) target_semaphore(%arg9 : memref<!tpu.dma_semaphore, #tpu.memory_space<semaphore_mem>>)
    %dma_wait3A_105 = arith.constant 32 : i32
    %dma_wait3A_106 = tpu.memref_slice %arg2[%add3A_52, %dma_wait3A_105] : memref<262144x128xf32, #tpu.memory_space<hbm>> -> memref<512x16xf32, #tpu.memory_space<hbm>>
    %dma_wait3A_107 = arith.constant 32 : i32
    %dma_wait3A_108 = tpu.memref_slice %arg2[%add3A_52, %dma_wait3A_107] : memref<262144x128xf32, #tpu.memory_space<hbm>> -> memref<512x16xf32, #tpu.memory_space<hbm>>
    tpu.wait_dma2 semaphore(%arg10 : memref<!tpu.dma_semaphore, #tpu.memory_space<semaphore_mem>>) src(%dma_wait3A_108 : memref<512x16xf32, #tpu.memory_space<hbm>>) dst(%arg5 : memref<512x16xf32, #tpu.memory_space<vmem>>)
    %scan3A_109 = arith.constant 0 : i32
    %scan3A_110 = arith.constant 32 : i32
    %scan3A_111 = arith.addi %scan3A_109, %scan3A_110 : i32
    %scan3A_112 = arith.constant 1 : i32
    %scan3A_113 = scf.for %scan3A_277 = %scan3A_109 to %scan3A_111 step %scan3A_112 iter_args(%scan3A_278 = %scan3A_97) -> (vector<16xi32>)  : i32 {
      %mul3A_279 = arith.constant 16 : i32
      %mul3A_280 = arith.muli %scan3A_277, %mul3A_279 : i32
      %add3A_281 = vector.broadcast %mul3A_280 : i32 to vector<16xi32>
      %add3A_282 = arith.addi %add3A_281, %iota3A : vector<16xi32>
      %broadcast_in_dim3A_283 = arith.constant 0 : i32
      %broadcast_in_dim3A_284 = vector.broadcast %broadcast_in_dim3A_283 : i32 to vector<16xi32>
      %gather3A = tpu.vector_load_idx %arg5[%add3A_282, %broadcast_in_dim3A_284] : memref<512x16xf32, #tpu.memory_space<vmem>>[vector<16xi32>, vector<16xi32>], vector<16xf32>,
      %add3A_285 = arith.constant 1 : i32
      %add3A_286 = vector.broadcast %add3A_285 : i32 to vector<16xi32>
      %add3A_287 = arith.addi %broadcast_in_dim3A_284, %add3A_286 : vector<16xi32>
      %gather3A_288 = tpu.vector_load_idx %arg5[%add3A_282, %add3A_287] : memref<512x16xf32, #tpu.memory_space<vmem>>[vector<16xi32>, vector<16xi32>], vector<16xf32>,
      %add3A_289 = arith.constant 2 : i32
      %add3A_290 = vector.broadcast %add3A_289 : i32 to vector<16xi32>
      %add3A_291 = arith.addi %broadcast_in_dim3A_284, %add3A_290 : vector<16xi32>
      %gather3A_292 = tpu.vector_load_idx %arg5[%add3A_282, %add3A_291] : memref<512x16xf32, #tpu.memory_space<vmem>>[vector<16xi32>, vector<16xi32>], vector<16xf32>,
      %add3A_293 = arith.constant 3 : i32
      %add3A_294 = vector.broadcast %add3A_293 : i32 to vector<16xi32>
      %add3A_295 = arith.addi %broadcast_in_dim3A_284, %add3A_294 : vector<16xi32>
      %gather3A_296 = tpu.vector_load_idx %arg5[%add3A_282, %add3A_295] : memref<512x16xf32, #tpu.memory_space<vmem>>[vector<16xi32>, vector<16xi32>], vector<16xf32>,
      %sub3A = arith.subf %gather3A_288, %gather3A : vector<16xf32>
      %abs3A = math.absf %sub3A : vector<16xf32>
      %sub3A_297 = arith.subf %gather3A_296, %gather3A_292 : vector<16xf32>
      %abs3A_298 = math.absf %sub3A_297 : vector<16xf32>
      %gt3A_299 = arith.cmpf ogt, %gather3A_288, %gather3A : vector<16xf32>
      %lt3A_300 = arith.cmpf olt, %gather3A_288, %gather3A : vector<16xf32>
      %broadcast_in_dim3A_301 = arith.constant 3 : i32
      %broadcast_in_dim3A_302 = vector.broadcast %broadcast_in_dim3A_301 : i32 to vector<16xi32>
      %broadcast_in_dim3A_303 = arith.constant 4 : i32
      %broadcast_in_dim3A_304 = vector.broadcast %broadcast_in_dim3A_303 : i32 to vector<16xi32>
      %broadcast_in_dim3A_305 = arith.constant 2 : i32
      %broadcast_in_dim3A_306 = vector.broadcast %broadcast_in_dim3A_305 : i32 to vector<16xi32>
      %broadcast_in_dim3A_307 = arith.constant 5 : i32
      %broadcast_in_dim3A_308 = vector.broadcast %broadcast_in_dim3A_307 : i32 to vector<16xi32>
      %broadcast_in_dim3A_309 = arith.constant 1 : i32
      %broadcast_in_dim3A_310 = vector.broadcast %broadcast_in_dim3A_309 : i32 to vector<16xi32>
      %lt3A_311 = arith.constant 2.300000e+01 : f32
      %lt3A_312 = vector.broadcast %lt3A_311 : f32 to vector<16xf32>
      %lt3A_313 = arith.cmpf olt, %abs3A, %lt3A_312 : vector<16xf32>
      %select_n3A_314 = arith.select %gt3A_299, %broadcast_in_dim3A_304, %broadcast_in_dim3A_302 : vector<16xi1>, vector<16xi32>
      %select_n3A_315 = arith.select %lt3A_313, %select_n3A_314, %broadcast_in_dim3A_310 : vector<16xi1>, vector<16xi32>
      %gt3A_316 = arith.constant 2.700000e+01 : f32
      %gt3A_317 = vector.broadcast %gt3A_316 : f32 to vector<16xf32>
      %gt3A_318 = arith.cmpf ogt, %abs3A, %gt3A_317 : vector<16xf32>
      %select_n3A_319 = arith.select %gt3A_299, %broadcast_in_dim3A_302, %broadcast_in_dim3A_304 : vector<16xi1>, vector<16xi32>
      %select_n3A_320 = arith.select %gt3A_318, %select_n3A_319, %select_n3A_315 : vector<16xi1>, vector<16xi32>
      %gt3A_321 = arith.constant 4.000000e+00 : f32
      %gt3A_322 = vector.broadcast %gt3A_321 : f32 to vector<16xf32>
      %gt3A_323 = arith.cmpf ogt, %abs3A_298, %gt3A_322 : vector<16xf32>
      %gt3A_324 = arith.cmpf ogt, %gather3A_296, %gather3A_292 : vector<16xf32>
      %select_n3A_325 = arith.select %gt3A_324, %broadcast_in_dim3A_308, %broadcast_in_dim3A_306 : vector<16xi1>, vector<16xi32>
      %select_n3A_326 = arith.select %gt3A_323, %select_n3A_325, %select_n3A_320 : vector<16xi1>, vector<16xi32>
      %lt3A_327 = arith.constant 3.500000e+01 : f32
      %lt3A_328 = vector.broadcast %lt3A_327 : f32 to vector<16xf32>
      %lt3A_329 = arith.cmpf olt, %gather3A, %lt3A_328 : vector<16xf32>
      %and3A_330 = arith.andi %lt3A_329, %gt3A_299 : vector<16xi1>
      %gt3A_331 = arith.constant 1.150000e+02 : f32
      %gt3A_332 = vector.broadcast %gt3A_331 : f32 to vector<16xf32>
      %gt3A_333 = arith.cmpf ogt, %gather3A, %gt3A_332 : vector<16xf32>
      %and3A_334 = arith.andi %gt3A_333, %lt3A_300 : vector<16xi1>
      %or3A = arith.ori %and3A_330, %and3A_334 : vector<16xi1>
      %lt3A_335 = arith.constant 3.500000e+01 : f32
      %lt3A_336 = vector.broadcast %lt3A_335 : f32 to vector<16xf32>
      %lt3A_337 = arith.cmpf olt, %abs3A, %lt3A_336 : vector<16xf32>
      %and3A_338 = arith.andi %or3A, %lt3A_337 : vector<16xi1>
      %lt3A_339 = arith.constant 5.000000e+01 : f32
      %lt3A_340 = vector.broadcast %lt3A_339 : f32 to vector<16xf32>
      %lt3A_341 = arith.cmpf olt, %gather3A_292, %lt3A_340 : vector<16xf32>
      %select_n3A_342 = arith.select %lt3A_341, %broadcast_in_dim3A_308, %broadcast_in_dim3A_306 : vector<16xi1>, vector<16xi32>
      %le3A = arith.constant 1.500000e+01 : f32
      %le3A_343 = vector.broadcast %le3A : f32 to vector<16xf32>
      %le3A_344 = arith.cmpf ole, %abs3A_298, %le3A_343 : vector<16xf32>
      %select_n3A_345 = arith.select %and3A_330, %broadcast_in_dim3A_302, %broadcast_in_dim3A_304 : vector<16xi1>, vector<16xi32>
      %select_n3A_346 = arith.select %le3A_344, %select_n3A_342, %select_n3A_345 : vector<16xi1>, vector<16xi32>
      %select_n3A_347 = arith.select %and3A_338, %select_n3A_346, %select_n3A_326 : vector<16xi1>, vector<16xi32>
      %mul3A_348 = arith.constant 5 : i32
      %mul3A_349 = vector.broadcast %mul3A_348 : i32 to vector<16xi32>
      %mul3A_350 = arith.muli %mul3A_349, %select_n3A_347 : vector<16xi32>
      %shift_left3A = arith.constant 1 : i32
      %shift_left3A_351 = vector.broadcast %shift_left3A : i32 to vector<16xi32>
      %shift_left3A_352 = arith.shli %shift_left3A_351, %mul3A_350 : vector<16xi32>
      %or3A_353 = arith.ori %scan3A_278, %shift_left3A_352 : vector<16xi32>
      scf.yield %or3A_353 : vector<16xi32>
    }
    %scan3A_114 = arith.constant 32 : i32
    %add3A_115 = arith.constant 4608 : i32
    %add3A_116 = arith.addi %mul3A_2, %add3A_115 : i32
    %dma_start3A_117 = arith.constant 32 : i32
    %dma_start3A_118 = tpu.memref_slice %arg2[%add3A_116, %dma_start3A_117] : memref<262144x128xf32, #tpu.memory_space<hbm>> -> memref<512x16xf32, #tpu.memory_space<hbm>>
    %dma_start3A_119 = arith.constant 32 : i32
    %dma_start3A_120 = tpu.memref_slice %arg2[%add3A_116, %dma_start3A_119] : memref<262144x128xf32, #tpu.memory_space<hbm>> -> memref<512x16xf32, #tpu.memory_space<hbm>>
    tpu.enqueue_dma source(%dma_start3A_120 : memref<512x16xf32, #tpu.memory_space<hbm>>) target(%arg5 : memref<512x16xf32, #tpu.memory_space<vmem>>) target_semaphore(%arg10 : memref<!tpu.dma_semaphore, #tpu.memory_space<semaphore_mem>>)
    %dma_wait3A_121 = arith.constant 32 : i32
    %dma_wait3A_122 = tpu.memref_slice %arg2[%add3A_68, %dma_wait3A_121] : memref<262144x128xf32, #tpu.memory_space<hbm>> -> memref<512x16xf32, #tpu.memory_space<hbm>>
    %dma_wait3A_123 = arith.constant 32 : i32
    %dma_wait3A_124 = tpu.memref_slice %arg2[%add3A_68, %dma_wait3A_123] : memref<262144x128xf32, #tpu.memory_space<hbm>> -> memref<512x16xf32, #tpu.memory_space<hbm>>
    tpu.wait_dma2 semaphore(%arg11 : memref<!tpu.dma_semaphore, #tpu.memory_space<semaphore_mem>>) src(%dma_wait3A_124 : memref<512x16xf32, #tpu.memory_space<hbm>>) dst(%arg6 : memref<512x16xf32, #tpu.memory_space<vmem>>)
    %scan3A_125 = arith.constant 0 : i32
    %scan3A_126 = arith.constant 32 : i32
    %scan3A_127 = arith.addi %scan3A_125, %scan3A_126 : i32
    %scan3A_128 = arith.constant 1 : i32
    %scan3A_129 = scf.for %scan3A_277 = %scan3A_125 to %scan3A_127 step %scan3A_128 iter_args(%scan3A_278 = %scan3A_113) -> (vector<16xi32>)  : i32 {
      %mul3A_279 = arith.constant 16 : i32
      %mul3A_280 = arith.muli %scan3A_277, %mul3A_279 : i32
      %add3A_281 = vector.broadcast %mul3A_280 : i32 to vector<16xi32>
      %add3A_282 = arith.addi %add3A_281, %iota3A : vector<16xi32>
      %broadcast_in_dim3A_283 = arith.constant 0 : i32
      %broadcast_in_dim3A_284 = vector.broadcast %broadcast_in_dim3A_283 : i32 to vector<16xi32>
      %gather3A = tpu.vector_load_idx %arg6[%add3A_282, %broadcast_in_dim3A_284] : memref<512x16xf32, #tpu.memory_space<vmem>>[vector<16xi32>, vector<16xi32>], vector<16xf32>,
      %add3A_285 = arith.constant 1 : i32
      %add3A_286 = vector.broadcast %add3A_285 : i32 to vector<16xi32>
      %add3A_287 = arith.addi %broadcast_in_dim3A_284, %add3A_286 : vector<16xi32>
      %gather3A_288 = tpu.vector_load_idx %arg6[%add3A_282, %add3A_287] : memref<512x16xf32, #tpu.memory_space<vmem>>[vector<16xi32>, vector<16xi32>], vector<16xf32>,
      %add3A_289 = arith.constant 2 : i32
      %add3A_290 = vector.broadcast %add3A_289 : i32 to vector<16xi32>
      %add3A_291 = arith.addi %broadcast_in_dim3A_284, %add3A_290 : vector<16xi32>
      %gather3A_292 = tpu.vector_load_idx %arg6[%add3A_282, %add3A_291] : memref<512x16xf32, #tpu.memory_space<vmem>>[vector<16xi32>, vector<16xi32>], vector<16xf32>,
      %add3A_293 = arith.constant 3 : i32
      %add3A_294 = vector.broadcast %add3A_293 : i32 to vector<16xi32>
      %add3A_295 = arith.addi %broadcast_in_dim3A_284, %add3A_294 : vector<16xi32>
      %gather3A_296 = tpu.vector_load_idx %arg6[%add3A_282, %add3A_295] : memref<512x16xf32, #tpu.memory_space<vmem>>[vector<16xi32>, vector<16xi32>], vector<16xf32>,
      %sub3A = arith.subf %gather3A_288, %gather3A : vector<16xf32>
      %abs3A = math.absf %sub3A : vector<16xf32>
      %sub3A_297 = arith.subf %gather3A_296, %gather3A_292 : vector<16xf32>
      %abs3A_298 = math.absf %sub3A_297 : vector<16xf32>
      %gt3A_299 = arith.cmpf ogt, %gather3A_288, %gather3A : vector<16xf32>
      %lt3A_300 = arith.cmpf olt, %gather3A_288, %gather3A : vector<16xf32>
      %broadcast_in_dim3A_301 = arith.constant 3 : i32
      %broadcast_in_dim3A_302 = vector.broadcast %broadcast_in_dim3A_301 : i32 to vector<16xi32>
      %broadcast_in_dim3A_303 = arith.constant 4 : i32
      %broadcast_in_dim3A_304 = vector.broadcast %broadcast_in_dim3A_303 : i32 to vector<16xi32>
      %broadcast_in_dim3A_305 = arith.constant 2 : i32
      %broadcast_in_dim3A_306 = vector.broadcast %broadcast_in_dim3A_305 : i32 to vector<16xi32>
      %broadcast_in_dim3A_307 = arith.constant 5 : i32
      %broadcast_in_dim3A_308 = vector.broadcast %broadcast_in_dim3A_307 : i32 to vector<16xi32>
      %broadcast_in_dim3A_309 = arith.constant 1 : i32
      %broadcast_in_dim3A_310 = vector.broadcast %broadcast_in_dim3A_309 : i32 to vector<16xi32>
      %lt3A_311 = arith.constant 2.300000e+01 : f32
      %lt3A_312 = vector.broadcast %lt3A_311 : f32 to vector<16xf32>
      %lt3A_313 = arith.cmpf olt, %abs3A, %lt3A_312 : vector<16xf32>
      %select_n3A_314 = arith.select %gt3A_299, %broadcast_in_dim3A_304, %broadcast_in_dim3A_302 : vector<16xi1>, vector<16xi32>
      %select_n3A_315 = arith.select %lt3A_313, %select_n3A_314, %broadcast_in_dim3A_310 : vector<16xi1>, vector<16xi32>
      %gt3A_316 = arith.constant 2.700000e+01 : f32
      %gt3A_317 = vector.broadcast %gt3A_316 : f32 to vector<16xf32>
      %gt3A_318 = arith.cmpf ogt, %abs3A, %gt3A_317 : vector<16xf32>
      %select_n3A_319 = arith.select %gt3A_299, %broadcast_in_dim3A_302, %broadcast_in_dim3A_304 : vector<16xi1>, vector<16xi32>
      %select_n3A_320 = arith.select %gt3A_318, %select_n3A_319, %select_n3A_315 : vector<16xi1>, vector<16xi32>
      %gt3A_321 = arith.constant 4.000000e+00 : f32
      %gt3A_322 = vector.broadcast %gt3A_321 : f32 to vector<16xf32>
      %gt3A_323 = arith.cmpf ogt, %abs3A_298, %gt3A_322 : vector<16xf32>
      %gt3A_324 = arith.cmpf ogt, %gather3A_296, %gather3A_292 : vector<16xf32>
      %select_n3A_325 = arith.select %gt3A_324, %broadcast_in_dim3A_308, %broadcast_in_dim3A_306 : vector<16xi1>, vector<16xi32>
      %select_n3A_326 = arith.select %gt3A_323, %select_n3A_325, %select_n3A_320 : vector<16xi1>, vector<16xi32>
      %lt3A_327 = arith.constant 3.500000e+01 : f32
      %lt3A_328 = vector.broadcast %lt3A_327 : f32 to vector<16xf32>
      %lt3A_329 = arith.cmpf olt, %gather3A, %lt3A_328 : vector<16xf32>
      %and3A_330 = arith.andi %lt3A_329, %gt3A_299 : vector<16xi1>
      %gt3A_331 = arith.constant 1.150000e+02 : f32
      %gt3A_332 = vector.broadcast %gt3A_331 : f32 to vector<16xf32>
      %gt3A_333 = arith.cmpf ogt, %gather3A, %gt3A_332 : vector<16xf32>
      %and3A_334 = arith.andi %gt3A_333, %lt3A_300 : vector<16xi1>
      %or3A = arith.ori %and3A_330, %and3A_334 : vector<16xi1>
      %lt3A_335 = arith.constant 3.500000e+01 : f32
      %lt3A_336 = vector.broadcast %lt3A_335 : f32 to vector<16xf32>
      %lt3A_337 = arith.cmpf olt, %abs3A, %lt3A_336 : vector<16xf32>
      %and3A_338 = arith.andi %or3A, %lt3A_337 : vector<16xi1>
      %lt3A_339 = arith.constant 5.000000e+01 : f32
      %lt3A_340 = vector.broadcast %lt3A_339 : f32 to vector<16xf32>
      %lt3A_341 = arith.cmpf olt, %gather3A_292, %lt3A_340 : vector<16xf32>
      %select_n3A_342 = arith.select %lt3A_341, %broadcast_in_dim3A_308, %broadcast_in_dim3A_306 : vector<16xi1>, vector<16xi32>
      %le3A = arith.constant 1.500000e+01 : f32
      %le3A_343 = vector.broadcast %le3A : f32 to vector<16xf32>
      %le3A_344 = arith.cmpf ole, %abs3A_298, %le3A_343 : vector<16xf32>
      %select_n3A_345 = arith.select %and3A_330, %broadcast_in_dim3A_302, %broadcast_in_dim3A_304 : vector<16xi1>, vector<16xi32>
      %select_n3A_346 = arith.select %le3A_344, %select_n3A_342, %select_n3A_345 : vector<16xi1>, vector<16xi32>
      %select_n3A_347 = arith.select %and3A_338, %select_n3A_346, %select_n3A_326 : vector<16xi1>, vector<16xi32>
      %mul3A_348 = arith.constant 5 : i32
      %mul3A_349 = vector.broadcast %mul3A_348 : i32 to vector<16xi32>
      %mul3A_350 = arith.muli %mul3A_349, %select_n3A_347 : vector<16xi32>
      %shift_left3A = arith.constant 1 : i32
      %shift_left3A_351 = vector.broadcast %shift_left3A : i32 to vector<16xi32>
      %shift_left3A_352 = arith.shli %shift_left3A_351, %mul3A_350 : vector<16xi32>
      %or3A_353 = arith.ori %scan3A_278, %shift_left3A_352 : vector<16xi32>
      scf.yield %or3A_353 : vector<16xi32>
    }
    %scan3A_130 = arith.constant 32 : i32
    %add3A_131 = arith.constant 5120 : i32
    %add3A_132 = arith.addi %mul3A_2, %add3A_131 : i32
    %dma_start3A_133 = arith.constant 32 : i32
    %dma_start3A_134 = tpu.memref_slice %arg2[%add3A_132, %dma_start3A_133] : memref<262144x128xf32, #tpu.memory_space<hbm>> -> memref<512x16xf32, #tpu.memory_space<hbm>>
    %dma_start3A_135 = arith.constant 32 : i32
    %dma_start3A_136 = tpu.memref_slice %arg2[%add3A_132, %dma_start3A_135] : memref<262144x128xf32, #tpu.memory_space<hbm>> -> memref<512x16xf32, #tpu.memory_space<hbm>>
    tpu.enqueue_dma source(%dma_start3A_136 : memref<512x16xf32, #tpu.memory_space<hbm>>) target(%arg6 : memref<512x16xf32, #tpu.memory_space<vmem>>) target_semaphore(%arg11 : memref<!tpu.dma_semaphore, #tpu.memory_space<semaphore_mem>>)
    %dma_wait3A_137 = arith.constant 32 : i32
    %dma_wait3A_138 = tpu.memref_slice %arg2[%add3A_84, %dma_wait3A_137] : memref<262144x128xf32, #tpu.memory_space<hbm>> -> memref<512x16xf32, #tpu.memory_space<hbm>>
    %dma_wait3A_139 = arith.constant 32 : i32
    %dma_wait3A_140 = tpu.memref_slice %arg2[%add3A_84, %dma_wait3A_139] : memref<262144x128xf32, #tpu.memory_space<hbm>> -> memref<512x16xf32, #tpu.memory_space<hbm>>
    tpu.wait_dma2 semaphore(%arg12 : memref<!tpu.dma_semaphore, #tpu.memory_space<semaphore_mem>>) src(%dma_wait3A_140 : memref<512x16xf32, #tpu.memory_space<hbm>>) dst(%arg7 : memref<512x16xf32, #tpu.memory_space<vmem>>)
    %scan3A_141 = arith.constant 0 : i32
    %scan3A_142 = arith.constant 32 : i32
    %scan3A_143 = arith.addi %scan3A_141, %scan3A_142 : i32
    %scan3A_144 = arith.constant 1 : i32
    %scan3A_145 = scf.for %scan3A_277 = %scan3A_141 to %scan3A_143 step %scan3A_144 iter_args(%scan3A_278 = %scan3A_129) -> (vector<16xi32>)  : i32 {
      %mul3A_279 = arith.constant 16 : i32
      %mul3A_280 = arith.muli %scan3A_277, %mul3A_279 : i32
      %add3A_281 = vector.broadcast %mul3A_280 : i32 to vector<16xi32>
      %add3A_282 = arith.addi %add3A_281, %iota3A : vector<16xi32>
      %broadcast_in_dim3A_283 = arith.constant 0 : i32
      %broadcast_in_dim3A_284 = vector.broadcast %broadcast_in_dim3A_283 : i32 to vector<16xi32>
      %gather3A = tpu.vector_load_idx %arg7[%add3A_282, %broadcast_in_dim3A_284] : memref<512x16xf32, #tpu.memory_space<vmem>>[vector<16xi32>, vector<16xi32>], vector<16xf32>,
      %add3A_285 = arith.constant 1 : i32
      %add3A_286 = vector.broadcast %add3A_285 : i32 to vector<16xi32>
      %add3A_287 = arith.addi %broadcast_in_dim3A_284, %add3A_286 : vector<16xi32>
      %gather3A_288 = tpu.vector_load_idx %arg7[%add3A_282, %add3A_287] : memref<512x16xf32, #tpu.memory_space<vmem>>[vector<16xi32>, vector<16xi32>], vector<16xf32>,
      %add3A_289 = arith.constant 2 : i32
      %add3A_290 = vector.broadcast %add3A_289 : i32 to vector<16xi32>
      %add3A_291 = arith.addi %broadcast_in_dim3A_284, %add3A_290 : vector<16xi32>
      %gather3A_292 = tpu.vector_load_idx %arg7[%add3A_282, %add3A_291] : memref<512x16xf32, #tpu.memory_space<vmem>>[vector<16xi32>, vector<16xi32>], vector<16xf32>,
      %add3A_293 = arith.constant 3 : i32
      %add3A_294 = vector.broadcast %add3A_293 : i32 to vector<16xi32>
      %add3A_295 = arith.addi %broadcast_in_dim3A_284, %add3A_294 : vector<16xi32>
      %gather3A_296 = tpu.vector_load_idx %arg7[%add3A_282, %add3A_295] : memref<512x16xf32, #tpu.memory_space<vmem>>[vector<16xi32>, vector<16xi32>], vector<16xf32>,
      %sub3A = arith.subf %gather3A_288, %gather3A : vector<16xf32>
      %abs3A = math.absf %sub3A : vector<16xf32>
      %sub3A_297 = arith.subf %gather3A_296, %gather3A_292 : vector<16xf32>
      %abs3A_298 = math.absf %sub3A_297 : vector<16xf32>
      %gt3A_299 = arith.cmpf ogt, %gather3A_288, %gather3A : vector<16xf32>
      %lt3A_300 = arith.cmpf olt, %gather3A_288, %gather3A : vector<16xf32>
      %broadcast_in_dim3A_301 = arith.constant 3 : i32
      %broadcast_in_dim3A_302 = vector.broadcast %broadcast_in_dim3A_301 : i32 to vector<16xi32>
      %broadcast_in_dim3A_303 = arith.constant 4 : i32
      %broadcast_in_dim3A_304 = vector.broadcast %broadcast_in_dim3A_303 : i32 to vector<16xi32>
      %broadcast_in_dim3A_305 = arith.constant 2 : i32
      %broadcast_in_dim3A_306 = vector.broadcast %broadcast_in_dim3A_305 : i32 to vector<16xi32>
      %broadcast_in_dim3A_307 = arith.constant 5 : i32
      %broadcast_in_dim3A_308 = vector.broadcast %broadcast_in_dim3A_307 : i32 to vector<16xi32>
      %broadcast_in_dim3A_309 = arith.constant 1 : i32
      %broadcast_in_dim3A_310 = vector.broadcast %broadcast_in_dim3A_309 : i32 to vector<16xi32>
      %lt3A_311 = arith.constant 2.300000e+01 : f32
      %lt3A_312 = vector.broadcast %lt3A_311 : f32 to vector<16xf32>
      %lt3A_313 = arith.cmpf olt, %abs3A, %lt3A_312 : vector<16xf32>
      %select_n3A_314 = arith.select %gt3A_299, %broadcast_in_dim3A_304, %broadcast_in_dim3A_302 : vector<16xi1>, vector<16xi32>
      %select_n3A_315 = arith.select %lt3A_313, %select_n3A_314, %broadcast_in_dim3A_310 : vector<16xi1>, vector<16xi32>
      %gt3A_316 = arith.constant 2.700000e+01 : f32
      %gt3A_317 = vector.broadcast %gt3A_316 : f32 to vector<16xf32>
      %gt3A_318 = arith.cmpf ogt, %abs3A, %gt3A_317 : vector<16xf32>
      %select_n3A_319 = arith.select %gt3A_299, %broadcast_in_dim3A_302, %broadcast_in_dim3A_304 : vector<16xi1>, vector<16xi32>
      %select_n3A_320 = arith.select %gt3A_318, %select_n3A_319, %select_n3A_315 : vector<16xi1>, vector<16xi32>
      %gt3A_321 = arith.constant 4.000000e+00 : f32
      %gt3A_322 = vector.broadcast %gt3A_321 : f32 to vector<16xf32>
      %gt3A_323 = arith.cmpf ogt, %abs3A_298, %gt3A_322 : vector<16xf32>
      %gt3A_324 = arith.cmpf ogt, %gather3A_296, %gather3A_292 : vector<16xf32>
      %select_n3A_325 = arith.select %gt3A_324, %broadcast_in_dim3A_308, %broadcast_in_dim3A_306 : vector<16xi1>, vector<16xi32>
      %select_n3A_326 = arith.select %gt3A_323, %select_n3A_325, %select_n3A_320 : vector<16xi1>, vector<16xi32>
      %lt3A_327 = arith.constant 3.500000e+01 : f32
      %lt3A_328 = vector.broadcast %lt3A_327 : f32 to vector<16xf32>
      %lt3A_329 = arith.cmpf olt, %gather3A, %lt3A_328 : vector<16xf32>
      %and3A_330 = arith.andi %lt3A_329, %gt3A_299 : vector<16xi1>
      %gt3A_331 = arith.constant 1.150000e+02 : f32
      %gt3A_332 = vector.broadcast %gt3A_331 : f32 to vector<16xf32>
      %gt3A_333 = arith.cmpf ogt, %gather3A, %gt3A_332 : vector<16xf32>
      %and3A_334 = arith.andi %gt3A_333, %lt3A_300 : vector<16xi1>
      %or3A = arith.ori %and3A_330, %and3A_334 : vector<16xi1>
      %lt3A_335 = arith.constant 3.500000e+01 : f32
      %lt3A_336 = vector.broadcast %lt3A_335 : f32 to vector<16xf32>
      %lt3A_337 = arith.cmpf olt, %abs3A, %lt3A_336 : vector<16xf32>
      %and3A_338 = arith.andi %or3A, %lt3A_337 : vector<16xi1>
      %lt3A_339 = arith.constant 5.000000e+01 : f32
      %lt3A_340 = vector.broadcast %lt3A_339 : f32 to vector<16xf32>
      %lt3A_341 = arith.cmpf olt, %gather3A_292, %lt3A_340 : vector<16xf32>
      %select_n3A_342 = arith.select %lt3A_341, %broadcast_in_dim3A_308, %broadcast_in_dim3A_306 : vector<16xi1>, vector<16xi32>
      %le3A = arith.constant 1.500000e+01 : f32
      %le3A_343 = vector.broadcast %le3A : f32 to vector<16xf32>
      %le3A_344 = arith.cmpf ole, %abs3A_298, %le3A_343 : vector<16xf32>
      %select_n3A_345 = arith.select %and3A_330, %broadcast_in_dim3A_302, %broadcast_in_dim3A_304 : vector<16xi1>, vector<16xi32>
      %select_n3A_346 = arith.select %le3A_344, %select_n3A_342, %select_n3A_345 : vector<16xi1>, vector<16xi32>
      %select_n3A_347 = arith.select %and3A_338, %select_n3A_346, %select_n3A_326 : vector<16xi1>, vector<16xi32>
      %mul3A_348 = arith.constant 5 : i32
      %mul3A_349 = vector.broadcast %mul3A_348 : i32 to vector<16xi32>
      %mul3A_350 = arith.muli %mul3A_349, %select_n3A_347 : vector<16xi32>
      %shift_left3A = arith.constant 1 : i32
      %shift_left3A_351 = vector.broadcast %shift_left3A : i32 to vector<16xi32>
      %shift_left3A_352 = arith.shli %shift_left3A_351, %mul3A_350 : vector<16xi32>
      %or3A_353 = arith.ori %scan3A_278, %shift_left3A_352 : vector<16xi32>
      scf.yield %or3A_353 : vector<16xi32>
    }
    %scan3A_146 = arith.constant 32 : i32
    %add3A_147 = arith.constant 5632 : i32
    %add3A_148 = arith.addi %mul3A_2, %add3A_147 : i32
    %dma_start3A_149 = arith.constant 32 : i32
    %dma_start3A_150 = tpu.memref_slice %arg2[%add3A_148, %dma_start3A_149] : memref<262144x128xf32, #tpu.memory_space<hbm>> -> memref<512x16xf32, #tpu.memory_space<hbm>>
    %dma_start3A_151 = arith.constant 32 : i32
    %dma_start3A_152 = tpu.memref_slice %arg2[%add3A_148, %dma_start3A_151] : memref<262144x128xf32, #tpu.memory_space<hbm>> -> memref<512x16xf32, #tpu.memory_space<hbm>>
    tpu.enqueue_dma source(%dma_start3A_152 : memref<512x16xf32, #tpu.memory_space<hbm>>) target(%arg7 : memref<512x16xf32, #tpu.memory_space<vmem>>) target_semaphore(%arg12 : memref<!tpu.dma_semaphore, #tpu.memory_space<semaphore_mem>>)
    %dma_wait3A_153 = arith.constant 32 : i32
    %dma_wait3A_154 = tpu.memref_slice %arg2[%add3A_100, %dma_wait3A_153] : memref<262144x128xf32, #tpu.memory_space<hbm>> -> memref<512x16xf32, #tpu.memory_space<hbm>>
    %dma_wait3A_155 = arith.constant 32 : i32
    %dma_wait3A_156 = tpu.memref_slice %arg2[%add3A_100, %dma_wait3A_155] : memref<262144x128xf32, #tpu.memory_space<hbm>> -> memref<512x16xf32, #tpu.memory_space<hbm>>
    tpu.wait_dma2 semaphore(%arg9 : memref<!tpu.dma_semaphore, #tpu.memory_space<semaphore_mem>>) src(%dma_wait3A_156 : memref<512x16xf32, #tpu.memory_space<hbm>>) dst(%arg4 : memref<512x16xf32, #tpu.memory_space<vmem>>)
    %scan3A_157 = arith.constant 0 : i32
    %scan3A_158 = arith.constant 32 : i32
    %scan3A_159 = arith.addi %scan3A_157, %scan3A_158 : i32
    %scan3A_160 = arith.constant 1 : i32
    %scan3A_161 = scf.for %scan3A_277 = %scan3A_157 to %scan3A_159 step %scan3A_160 iter_args(%scan3A_278 = %scan3A_145) -> (vector<16xi32>)  : i32 {
      %mul3A_279 = arith.constant 16 : i32
      %mul3A_280 = arith.muli %scan3A_277, %mul3A_279 : i32
      %add3A_281 = vector.broadcast %mul3A_280 : i32 to vector<16xi32>
      %add3A_282 = arith.addi %add3A_281, %iota3A : vector<16xi32>
      %broadcast_in_dim3A_283 = arith.constant 0 : i32
      %broadcast_in_dim3A_284 = vector.broadcast %broadcast_in_dim3A_283 : i32 to vector<16xi32>
      %gather3A = tpu.vector_load_idx %arg4[%add3A_282, %broadcast_in_dim3A_284] : memref<512x16xf32, #tpu.memory_space<vmem>>[vector<16xi32>, vector<16xi32>], vector<16xf32>,
      %add3A_285 = arith.constant 1 : i32
      %add3A_286 = vector.broadcast %add3A_285 : i32 to vector<16xi32>
      %add3A_287 = arith.addi %broadcast_in_dim3A_284, %add3A_286 : vector<16xi32>
      %gather3A_288 = tpu.vector_load_idx %arg4[%add3A_282, %add3A_287] : memref<512x16xf32, #tpu.memory_space<vmem>>[vector<16xi32>, vector<16xi32>], vector<16xf32>,
      %add3A_289 = arith.constant 2 : i32
      %add3A_290 = vector.broadcast %add3A_289 : i32 to vector<16xi32>
      %add3A_291 = arith.addi %broadcast_in_dim3A_284, %add3A_290 : vector<16xi32>
      %gather3A_292 = tpu.vector_load_idx %arg4[%add3A_282, %add3A_291] : memref<512x16xf32, #tpu.memory_space<vmem>>[vector<16xi32>, vector<16xi32>], vector<16xf32>,
      %add3A_293 = arith.constant 3 : i32
      %add3A_294 = vector.broadcast %add3A_293 : i32 to vector<16xi32>
      %add3A_295 = arith.addi %broadcast_in_dim3A_284, %add3A_294 : vector<16xi32>
      %gather3A_296 = tpu.vector_load_idx %arg4[%add3A_282, %add3A_295] : memref<512x16xf32, #tpu.memory_space<vmem>>[vector<16xi32>, vector<16xi32>], vector<16xf32>,
      %sub3A = arith.subf %gather3A_288, %gather3A : vector<16xf32>
      %abs3A = math.absf %sub3A : vector<16xf32>
      %sub3A_297 = arith.subf %gather3A_296, %gather3A_292 : vector<16xf32>
      %abs3A_298 = math.absf %sub3A_297 : vector<16xf32>
      %gt3A_299 = arith.cmpf ogt, %gather3A_288, %gather3A : vector<16xf32>
      %lt3A_300 = arith.cmpf olt, %gather3A_288, %gather3A : vector<16xf32>
      %broadcast_in_dim3A_301 = arith.constant 3 : i32
      %broadcast_in_dim3A_302 = vector.broadcast %broadcast_in_dim3A_301 : i32 to vector<16xi32>
      %broadcast_in_dim3A_303 = arith.constant 4 : i32
      %broadcast_in_dim3A_304 = vector.broadcast %broadcast_in_dim3A_303 : i32 to vector<16xi32>
      %broadcast_in_dim3A_305 = arith.constant 2 : i32
      %broadcast_in_dim3A_306 = vector.broadcast %broadcast_in_dim3A_305 : i32 to vector<16xi32>
      %broadcast_in_dim3A_307 = arith.constant 5 : i32
      %broadcast_in_dim3A_308 = vector.broadcast %broadcast_in_dim3A_307 : i32 to vector<16xi32>
      %broadcast_in_dim3A_309 = arith.constant 1 : i32
      %broadcast_in_dim3A_310 = vector.broadcast %broadcast_in_dim3A_309 : i32 to vector<16xi32>
      %lt3A_311 = arith.constant 2.300000e+01 : f32
      %lt3A_312 = vector.broadcast %lt3A_311 : f32 to vector<16xf32>
      %lt3A_313 = arith.cmpf olt, %abs3A, %lt3A_312 : vector<16xf32>
      %select_n3A_314 = arith.select %gt3A_299, %broadcast_in_dim3A_304, %broadcast_in_dim3A_302 : vector<16xi1>, vector<16xi32>
      %select_n3A_315 = arith.select %lt3A_313, %select_n3A_314, %broadcast_in_dim3A_310 : vector<16xi1>, vector<16xi32>
      %gt3A_316 = arith.constant 2.700000e+01 : f32
      %gt3A_317 = vector.broadcast %gt3A_316 : f32 to vector<16xf32>
      %gt3A_318 = arith.cmpf ogt, %abs3A, %gt3A_317 : vector<16xf32>
      %select_n3A_319 = arith.select %gt3A_299, %broadcast_in_dim3A_302, %broadcast_in_dim3A_304 : vector<16xi1>, vector<16xi32>
      %select_n3A_320 = arith.select %gt3A_318, %select_n3A_319, %select_n3A_315 : vector<16xi1>, vector<16xi32>
      %gt3A_321 = arith.constant 4.000000e+00 : f32
      %gt3A_322 = vector.broadcast %gt3A_321 : f32 to vector<16xf32>
      %gt3A_323 = arith.cmpf ogt, %abs3A_298, %gt3A_322 : vector<16xf32>
      %gt3A_324 = arith.cmpf ogt, %gather3A_296, %gather3A_292 : vector<16xf32>
      %select_n3A_325 = arith.select %gt3A_324, %broadcast_in_dim3A_308, %broadcast_in_dim3A_306 : vector<16xi1>, vector<16xi32>
      %select_n3A_326 = arith.select %gt3A_323, %select_n3A_325, %select_n3A_320 : vector<16xi1>, vector<16xi32>
      %lt3A_327 = arith.constant 3.500000e+01 : f32
      %lt3A_328 = vector.broadcast %lt3A_327 : f32 to vector<16xf32>
      %lt3A_329 = arith.cmpf olt, %gather3A, %lt3A_328 : vector<16xf32>
      %and3A_330 = arith.andi %lt3A_329, %gt3A_299 : vector<16xi1>
      %gt3A_331 = arith.constant 1.150000e+02 : f32
      %gt3A_332 = vector.broadcast %gt3A_331 : f32 to vector<16xf32>
      %gt3A_333 = arith.cmpf ogt, %gather3A, %gt3A_332 : vector<16xf32>
      %and3A_334 = arith.andi %gt3A_333, %lt3A_300 : vector<16xi1>
      %or3A = arith.ori %and3A_330, %and3A_334 : vector<16xi1>
      %lt3A_335 = arith.constant 3.500000e+01 : f32
      %lt3A_336 = vector.broadcast %lt3A_335 : f32 to vector<16xf32>
      %lt3A_337 = arith.cmpf olt, %abs3A, %lt3A_336 : vector<16xf32>
      %and3A_338 = arith.andi %or3A, %lt3A_337 : vector<16xi1>
      %lt3A_339 = arith.constant 5.000000e+01 : f32
      %lt3A_340 = vector.broadcast %lt3A_339 : f32 to vector<16xf32>
      %lt3A_341 = arith.cmpf olt, %gather3A_292, %lt3A_340 : vector<16xf32>
      %select_n3A_342 = arith.select %lt3A_341, %broadcast_in_dim3A_308, %broadcast_in_dim3A_306 : vector<16xi1>, vector<16xi32>
      %le3A = arith.constant 1.500000e+01 : f32
      %le3A_343 = vector.broadcast %le3A : f32 to vector<16xf32>
      %le3A_344 = arith.cmpf ole, %abs3A_298, %le3A_343 : vector<16xf32>
      %select_n3A_345 = arith.select %and3A_330, %broadcast_in_dim3A_302, %broadcast_in_dim3A_304 : vector<16xi1>, vector<16xi32>
      %select_n3A_346 = arith.select %le3A_344, %select_n3A_342, %select_n3A_345 : vector<16xi1>, vector<16xi32>
      %select_n3A_347 = arith.select %and3A_338, %select_n3A_346, %select_n3A_326 : vector<16xi1>, vector<16xi32>
      %mul3A_348 = arith.constant 5 : i32
      %mul3A_349 = vector.broadcast %mul3A_348 : i32 to vector<16xi32>
      %mul3A_350 = arith.muli %mul3A_349, %select_n3A_347 : vector<16xi32>
      %shift_left3A = arith.constant 1 : i32
      %shift_left3A_351 = vector.broadcast %shift_left3A : i32 to vector<16xi32>
      %shift_left3A_352 = arith.shli %shift_left3A_351, %mul3A_350 : vector<16xi32>
      %or3A_353 = arith.ori %scan3A_278, %shift_left3A_352 : vector<16xi32>
      scf.yield %or3A_353 : vector<16xi32>
    }
    %scan3A_162 = arith.constant 32 : i32
    %add3A_163 = arith.constant 6144 : i32
    %add3A_164 = arith.addi %mul3A_2, %add3A_163 : i32
    %dma_start3A_165 = arith.constant 32 : i32
    %dma_start3A_166 = tpu.memref_slice %arg2[%add3A_164, %dma_start3A_165] : memref<262144x128xf32, #tpu.memory_space<hbm>> -> memref<512x16xf32, #tpu.memory_space<hbm>>
    %dma_start3A_167 = arith.constant 32 : i32
    %dma_start3A_168 = tpu.memref_slice %arg2[%add3A_164, %dma_start3A_167] : memref<262144x128xf32, #tpu.memory_space<hbm>> -> memref<512x16xf32, #tpu.memory_space<hbm>>
    tpu.enqueue_dma source(%dma_start3A_168 : memref<512x16xf32, #tpu.memory_space<hbm>>) target(%arg4 : memref<512x16xf32, #tpu.memory_space<vmem>>) target_semaphore(%arg9 : memref<!tpu.dma_semaphore, #tpu.memory_space<semaphore_mem>>)
    %dma_wait3A_169 = arith.constant 32 : i32
    %dma_wait3A_170 = tpu.memref_slice %arg2[%add3A_116, %dma_wait3A_169] : memref<262144x128xf32, #tpu.memory_space<hbm>> -> memref<512x16xf32, #tpu.memory_space<hbm>>
    %dma_wait3A_171 = arith.constant 32 : i32
    %dma_wait3A_172 = tpu.memref_slice %arg2[%add3A_116, %dma_wait3A_171] : memref<262144x128xf32, #tpu.memory_space<hbm>> -> memref<512x16xf32, #tpu.memory_space<hbm>>
    tpu.wait_dma2 semaphore(%arg10 : memref<!tpu.dma_semaphore, #tpu.memory_space<semaphore_mem>>) src(%dma_wait3A_172 : memref<512x16xf32, #tpu.memory_space<hbm>>) dst(%arg5 : memref<512x16xf32, #tpu.memory_space<vmem>>)
    %scan3A_173 = arith.constant 0 : i32
    %scan3A_174 = arith.constant 32 : i32
    %scan3A_175 = arith.addi %scan3A_173, %scan3A_174 : i32
    %scan3A_176 = arith.constant 1 : i32
    %scan3A_177 = scf.for %scan3A_277 = %scan3A_173 to %scan3A_175 step %scan3A_176 iter_args(%scan3A_278 = %scan3A_161) -> (vector<16xi32>)  : i32 {
      %mul3A_279 = arith.constant 16 : i32
      %mul3A_280 = arith.muli %scan3A_277, %mul3A_279 : i32
      %add3A_281 = vector.broadcast %mul3A_280 : i32 to vector<16xi32>
      %add3A_282 = arith.addi %add3A_281, %iota3A : vector<16xi32>
      %broadcast_in_dim3A_283 = arith.constant 0 : i32
      %broadcast_in_dim3A_284 = vector.broadcast %broadcast_in_dim3A_283 : i32 to vector<16xi32>
      %gather3A = tpu.vector_load_idx %arg5[%add3A_282, %broadcast_in_dim3A_284] : memref<512x16xf32, #tpu.memory_space<vmem>>[vector<16xi32>, vector<16xi32>], vector<16xf32>,
      %add3A_285 = arith.constant 1 : i32
      %add3A_286 = vector.broadcast %add3A_285 : i32 to vector<16xi32>
      %add3A_287 = arith.addi %broadcast_in_dim3A_284, %add3A_286 : vector<16xi32>
      %gather3A_288 = tpu.vector_load_idx %arg5[%add3A_282, %add3A_287] : memref<512x16xf32, #tpu.memory_space<vmem>>[vector<16xi32>, vector<16xi32>], vector<16xf32>,
      %add3A_289 = arith.constant 2 : i32
      %add3A_290 = vector.broadcast %add3A_289 : i32 to vector<16xi32>
      %add3A_291 = arith.addi %broadcast_in_dim3A_284, %add3A_290 : vector<16xi32>
      %gather3A_292 = tpu.vector_load_idx %arg5[%add3A_282, %add3A_291] : memref<512x16xf32, #tpu.memory_space<vmem>>[vector<16xi32>, vector<16xi32>], vector<16xf32>,
      %add3A_293 = arith.constant 3 : i32
      %add3A_294 = vector.broadcast %add3A_293 : i32 to vector<16xi32>
      %add3A_295 = arith.addi %broadcast_in_dim3A_284, %add3A_294 : vector<16xi32>
      %gather3A_296 = tpu.vector_load_idx %arg5[%add3A_282, %add3A_295] : memref<512x16xf32, #tpu.memory_space<vmem>>[vector<16xi32>, vector<16xi32>], vector<16xf32>,
      %sub3A = arith.subf %gather3A_288, %gather3A : vector<16xf32>
      %abs3A = math.absf %sub3A : vector<16xf32>
      %sub3A_297 = arith.subf %gather3A_296, %gather3A_292 : vector<16xf32>
      %abs3A_298 = math.absf %sub3A_297 : vector<16xf32>
      %gt3A_299 = arith.cmpf ogt, %gather3A_288, %gather3A : vector<16xf32>
      %lt3A_300 = arith.cmpf olt, %gather3A_288, %gather3A : vector<16xf32>
      %broadcast_in_dim3A_301 = arith.constant 3 : i32
      %broadcast_in_dim3A_302 = vector.broadcast %broadcast_in_dim3A_301 : i32 to vector<16xi32>
      %broadcast_in_dim3A_303 = arith.constant 4 : i32
      %broadcast_in_dim3A_304 = vector.broadcast %broadcast_in_dim3A_303 : i32 to vector<16xi32>
      %broadcast_in_dim3A_305 = arith.constant 2 : i32
      %broadcast_in_dim3A_306 = vector.broadcast %broadcast_in_dim3A_305 : i32 to vector<16xi32>
      %broadcast_in_dim3A_307 = arith.constant 5 : i32
      %broadcast_in_dim3A_308 = vector.broadcast %broadcast_in_dim3A_307 : i32 to vector<16xi32>
      %broadcast_in_dim3A_309 = arith.constant 1 : i32
      %broadcast_in_dim3A_310 = vector.broadcast %broadcast_in_dim3A_309 : i32 to vector<16xi32>
      %lt3A_311 = arith.constant 2.300000e+01 : f32
      %lt3A_312 = vector.broadcast %lt3A_311 : f32 to vector<16xf32>
      %lt3A_313 = arith.cmpf olt, %abs3A, %lt3A_312 : vector<16xf32>
      %select_n3A_314 = arith.select %gt3A_299, %broadcast_in_dim3A_304, %broadcast_in_dim3A_302 : vector<16xi1>, vector<16xi32>
      %select_n3A_315 = arith.select %lt3A_313, %select_n3A_314, %broadcast_in_dim3A_310 : vector<16xi1>, vector<16xi32>
      %gt3A_316 = arith.constant 2.700000e+01 : f32
      %gt3A_317 = vector.broadcast %gt3A_316 : f32 to vector<16xf32>
      %gt3A_318 = arith.cmpf ogt, %abs3A, %gt3A_317 : vector<16xf32>
      %select_n3A_319 = arith.select %gt3A_299, %broadcast_in_dim3A_302, %broadcast_in_dim3A_304 : vector<16xi1>, vector<16xi32>
      %select_n3A_320 = arith.select %gt3A_318, %select_n3A_319, %select_n3A_315 : vector<16xi1>, vector<16xi32>
      %gt3A_321 = arith.constant 4.000000e+00 : f32
      %gt3A_322 = vector.broadcast %gt3A_321 : f32 to vector<16xf32>
      %gt3A_323 = arith.cmpf ogt, %abs3A_298, %gt3A_322 : vector<16xf32>
      %gt3A_324 = arith.cmpf ogt, %gather3A_296, %gather3A_292 : vector<16xf32>
      %select_n3A_325 = arith.select %gt3A_324, %broadcast_in_dim3A_308, %broadcast_in_dim3A_306 : vector<16xi1>, vector<16xi32>
      %select_n3A_326 = arith.select %gt3A_323, %select_n3A_325, %select_n3A_320 : vector<16xi1>, vector<16xi32>
      %lt3A_327 = arith.constant 3.500000e+01 : f32
      %lt3A_328 = vector.broadcast %lt3A_327 : f32 to vector<16xf32>
      %lt3A_329 = arith.cmpf olt, %gather3A, %lt3A_328 : vector<16xf32>
      %and3A_330 = arith.andi %lt3A_329, %gt3A_299 : vector<16xi1>
      %gt3A_331 = arith.constant 1.150000e+02 : f32
      %gt3A_332 = vector.broadcast %gt3A_331 : f32 to vector<16xf32>
      %gt3A_333 = arith.cmpf ogt, %gather3A, %gt3A_332 : vector<16xf32>
      %and3A_334 = arith.andi %gt3A_333, %lt3A_300 : vector<16xi1>
      %or3A = arith.ori %and3A_330, %and3A_334 : vector<16xi1>
      %lt3A_335 = arith.constant 3.500000e+01 : f32
      %lt3A_336 = vector.broadcast %lt3A_335 : f32 to vector<16xf32>
      %lt3A_337 = arith.cmpf olt, %abs3A, %lt3A_336 : vector<16xf32>
      %and3A_338 = arith.andi %or3A, %lt3A_337 : vector<16xi1>
      %lt3A_339 = arith.constant 5.000000e+01 : f32
      %lt3A_340 = vector.broadcast %lt3A_339 : f32 to vector<16xf32>
      %lt3A_341 = arith.cmpf olt, %gather3A_292, %lt3A_340 : vector<16xf32>
      %select_n3A_342 = arith.select %lt3A_341, %broadcast_in_dim3A_308, %broadcast_in_dim3A_306 : vector<16xi1>, vector<16xi32>
      %le3A = arith.constant 1.500000e+01 : f32
      %le3A_343 = vector.broadcast %le3A : f32 to vector<16xf32>
      %le3A_344 = arith.cmpf ole, %abs3A_298, %le3A_343 : vector<16xf32>
      %select_n3A_345 = arith.select %and3A_330, %broadcast_in_dim3A_302, %broadcast_in_dim3A_304 : vector<16xi1>, vector<16xi32>
      %select_n3A_346 = arith.select %le3A_344, %select_n3A_342, %select_n3A_345 : vector<16xi1>, vector<16xi32>
      %select_n3A_347 = arith.select %and3A_338, %select_n3A_346, %select_n3A_326 : vector<16xi1>, vector<16xi32>
      %mul3A_348 = arith.constant 5 : i32
      %mul3A_349 = vector.broadcast %mul3A_348 : i32 to vector<16xi32>
      %mul3A_350 = arith.muli %mul3A_349, %select_n3A_347 : vector<16xi32>
      %shift_left3A = arith.constant 1 : i32
      %shift_left3A_351 = vector.broadcast %shift_left3A : i32 to vector<16xi32>
      %shift_left3A_352 = arith.shli %shift_left3A_351, %mul3A_350 : vector<16xi32>
      %or3A_353 = arith.ori %scan3A_278, %shift_left3A_352 : vector<16xi32>
      scf.yield %or3A_353 : vector<16xi32>
    }
    %scan3A_178 = arith.constant 32 : i32
    %add3A_179 = arith.constant 6656 : i32
    %add3A_180 = arith.addi %mul3A_2, %add3A_179 : i32
    %dma_start3A_181 = arith.constant 32 : i32
    %dma_start3A_182 = tpu.memref_slice %arg2[%add3A_180, %dma_start3A_181] : memref<262144x128xf32, #tpu.memory_space<hbm>> -> memref<512x16xf32, #tpu.memory_space<hbm>>
    %dma_start3A_183 = arith.constant 32 : i32
    %dma_start3A_184 = tpu.memref_slice %arg2[%add3A_180, %dma_start3A_183] : memref<262144x128xf32, #tpu.memory_space<hbm>> -> memref<512x16xf32, #tpu.memory_space<hbm>>
    tpu.enqueue_dma source(%dma_start3A_184 : memref<512x16xf32, #tpu.memory_space<hbm>>) target(%arg5 : memref<512x16xf32, #tpu.memory_space<vmem>>) target_semaphore(%arg10 : memref<!tpu.dma_semaphore, #tpu.memory_space<semaphore_mem>>)
    %dma_wait3A_185 = arith.constant 32 : i32
    %dma_wait3A_186 = tpu.memref_slice %arg2[%add3A_132, %dma_wait3A_185] : memref<262144x128xf32, #tpu.memory_space<hbm>> -> memref<512x16xf32, #tpu.memory_space<hbm>>
    %dma_wait3A_187 = arith.constant 32 : i32
    %dma_wait3A_188 = tpu.memref_slice %arg2[%add3A_132, %dma_wait3A_187] : memref<262144x128xf32, #tpu.memory_space<hbm>> -> memref<512x16xf32, #tpu.memory_space<hbm>>
    tpu.wait_dma2 semaphore(%arg11 : memref<!tpu.dma_semaphore, #tpu.memory_space<semaphore_mem>>) src(%dma_wait3A_188 : memref<512x16xf32, #tpu.memory_space<hbm>>) dst(%arg6 : memref<512x16xf32, #tpu.memory_space<vmem>>)
    %scan3A_189 = arith.constant 0 : i32
    %scan3A_190 = arith.constant 32 : i32
    %scan3A_191 = arith.addi %scan3A_189, %scan3A_190 : i32
    %scan3A_192 = arith.constant 1 : i32
    %scan3A_193 = scf.for %scan3A_277 = %scan3A_189 to %scan3A_191 step %scan3A_192 iter_args(%scan3A_278 = %scan3A_177) -> (vector<16xi32>)  : i32 {
      %mul3A_279 = arith.constant 16 : i32
      %mul3A_280 = arith.muli %scan3A_277, %mul3A_279 : i32
      %add3A_281 = vector.broadcast %mul3A_280 : i32 to vector<16xi32>
      %add3A_282 = arith.addi %add3A_281, %iota3A : vector<16xi32>
      %broadcast_in_dim3A_283 = arith.constant 0 : i32
      %broadcast_in_dim3A_284 = vector.broadcast %broadcast_in_dim3A_283 : i32 to vector<16xi32>
      %gather3A = tpu.vector_load_idx %arg6[%add3A_282, %broadcast_in_dim3A_284] : memref<512x16xf32, #tpu.memory_space<vmem>>[vector<16xi32>, vector<16xi32>], vector<16xf32>,
      %add3A_285 = arith.constant 1 : i32
      %add3A_286 = vector.broadcast %add3A_285 : i32 to vector<16xi32>
      %add3A_287 = arith.addi %broadcast_in_dim3A_284, %add3A_286 : vector<16xi32>
      %gather3A_288 = tpu.vector_load_idx %arg6[%add3A_282, %add3A_287] : memref<512x16xf32, #tpu.memory_space<vmem>>[vector<16xi32>, vector<16xi32>], vector<16xf32>,
      %add3A_289 = arith.constant 2 : i32
      %add3A_290 = vector.broadcast %add3A_289 : i32 to vector<16xi32>
      %add3A_291 = arith.addi %broadcast_in_dim3A_284, %add3A_290 : vector<16xi32>
      %gather3A_292 = tpu.vector_load_idx %arg6[%add3A_282, %add3A_291] : memref<512x16xf32, #tpu.memory_space<vmem>>[vector<16xi32>, vector<16xi32>], vector<16xf32>,
      %add3A_293 = arith.constant 3 : i32
      %add3A_294 = vector.broadcast %add3A_293 : i32 to vector<16xi32>
      %add3A_295 = arith.addi %broadcast_in_dim3A_284, %add3A_294 : vector<16xi32>
      %gather3A_296 = tpu.vector_load_idx %arg6[%add3A_282, %add3A_295] : memref<512x16xf32, #tpu.memory_space<vmem>>[vector<16xi32>, vector<16xi32>], vector<16xf32>,
      %sub3A = arith.subf %gather3A_288, %gather3A : vector<16xf32>
      %abs3A = math.absf %sub3A : vector<16xf32>
      %sub3A_297 = arith.subf %gather3A_296, %gather3A_292 : vector<16xf32>
      %abs3A_298 = math.absf %sub3A_297 : vector<16xf32>
      %gt3A_299 = arith.cmpf ogt, %gather3A_288, %gather3A : vector<16xf32>
      %lt3A_300 = arith.cmpf olt, %gather3A_288, %gather3A : vector<16xf32>
      %broadcast_in_dim3A_301 = arith.constant 3 : i32
      %broadcast_in_dim3A_302 = vector.broadcast %broadcast_in_dim3A_301 : i32 to vector<16xi32>
      %broadcast_in_dim3A_303 = arith.constant 4 : i32
      %broadcast_in_dim3A_304 = vector.broadcast %broadcast_in_dim3A_303 : i32 to vector<16xi32>
      %broadcast_in_dim3A_305 = arith.constant 2 : i32
      %broadcast_in_dim3A_306 = vector.broadcast %broadcast_in_dim3A_305 : i32 to vector<16xi32>
      %broadcast_in_dim3A_307 = arith.constant 5 : i32
      %broadcast_in_dim3A_308 = vector.broadcast %broadcast_in_dim3A_307 : i32 to vector<16xi32>
      %broadcast_in_dim3A_309 = arith.constant 1 : i32
      %broadcast_in_dim3A_310 = vector.broadcast %broadcast_in_dim3A_309 : i32 to vector<16xi32>
      %lt3A_311 = arith.constant 2.300000e+01 : f32
      %lt3A_312 = vector.broadcast %lt3A_311 : f32 to vector<16xf32>
      %lt3A_313 = arith.cmpf olt, %abs3A, %lt3A_312 : vector<16xf32>
      %select_n3A_314 = arith.select %gt3A_299, %broadcast_in_dim3A_304, %broadcast_in_dim3A_302 : vector<16xi1>, vector<16xi32>
      %select_n3A_315 = arith.select %lt3A_313, %select_n3A_314, %broadcast_in_dim3A_310 : vector<16xi1>, vector<16xi32>
      %gt3A_316 = arith.constant 2.700000e+01 : f32
      %gt3A_317 = vector.broadcast %gt3A_316 : f32 to vector<16xf32>
      %gt3A_318 = arith.cmpf ogt, %abs3A, %gt3A_317 : vector<16xf32>
      %select_n3A_319 = arith.select %gt3A_299, %broadcast_in_dim3A_302, %broadcast_in_dim3A_304 : vector<16xi1>, vector<16xi32>
      %select_n3A_320 = arith.select %gt3A_318, %select_n3A_319, %select_n3A_315 : vector<16xi1>, vector<16xi32>
      %gt3A_321 = arith.constant 4.000000e+00 : f32
      %gt3A_322 = vector.broadcast %gt3A_321 : f32 to vector<16xf32>
      %gt3A_323 = arith.cmpf ogt, %abs3A_298, %gt3A_322 : vector<16xf32>
      %gt3A_324 = arith.cmpf ogt, %gather3A_296, %gather3A_292 : vector<16xf32>
      %select_n3A_325 = arith.select %gt3A_324, %broadcast_in_dim3A_308, %broadcast_in_dim3A_306 : vector<16xi1>, vector<16xi32>
      %select_n3A_326 = arith.select %gt3A_323, %select_n3A_325, %select_n3A_320 : vector<16xi1>, vector<16xi32>
      %lt3A_327 = arith.constant 3.500000e+01 : f32
      %lt3A_328 = vector.broadcast %lt3A_327 : f32 to vector<16xf32>
      %lt3A_329 = arith.cmpf olt, %gather3A, %lt3A_328 : vector<16xf32>
      %and3A_330 = arith.andi %lt3A_329, %gt3A_299 : vector<16xi1>
      %gt3A_331 = arith.constant 1.150000e+02 : f32
      %gt3A_332 = vector.broadcast %gt3A_331 : f32 to vector<16xf32>
      %gt3A_333 = arith.cmpf ogt, %gather3A, %gt3A_332 : vector<16xf32>
      %and3A_334 = arith.andi %gt3A_333, %lt3A_300 : vector<16xi1>
      %or3A = arith.ori %and3A_330, %and3A_334 : vector<16xi1>
      %lt3A_335 = arith.constant 3.500000e+01 : f32
      %lt3A_336 = vector.broadcast %lt3A_335 : f32 to vector<16xf32>
      %lt3A_337 = arith.cmpf olt, %abs3A, %lt3A_336 : vector<16xf32>
      %and3A_338 = arith.andi %or3A, %lt3A_337 : vector<16xi1>
      %lt3A_339 = arith.constant 5.000000e+01 : f32
      %lt3A_340 = vector.broadcast %lt3A_339 : f32 to vector<16xf32>
      %lt3A_341 = arith.cmpf olt, %gather3A_292, %lt3A_340 : vector<16xf32>
      %select_n3A_342 = arith.select %lt3A_341, %broadcast_in_dim3A_308, %broadcast_in_dim3A_306 : vector<16xi1>, vector<16xi32>
      %le3A = arith.constant 1.500000e+01 : f32
      %le3A_343 = vector.broadcast %le3A : f32 to vector<16xf32>
      %le3A_344 = arith.cmpf ole, %abs3A_298, %le3A_343 : vector<16xf32>
      %select_n3A_345 = arith.select %and3A_330, %broadcast_in_dim3A_302, %broadcast_in_dim3A_304 : vector<16xi1>, vector<16xi32>
      %select_n3A_346 = arith.select %le3A_344, %select_n3A_342, %select_n3A_345 : vector<16xi1>, vector<16xi32>
      %select_n3A_347 = arith.select %and3A_338, %select_n3A_346, %select_n3A_326 : vector<16xi1>, vector<16xi32>
      %mul3A_348 = arith.constant 5 : i32
      %mul3A_349 = vector.broadcast %mul3A_348 : i32 to vector<16xi32>
      %mul3A_350 = arith.muli %mul3A_349, %select_n3A_347 : vector<16xi32>
      %shift_left3A = arith.constant 1 : i32
      %shift_left3A_351 = vector.broadcast %shift_left3A : i32 to vector<16xi32>
      %shift_left3A_352 = arith.shli %shift_left3A_351, %mul3A_350 : vector<16xi32>
      %or3A_353 = arith.ori %scan3A_278, %shift_left3A_352 : vector<16xi32>
      scf.yield %or3A_353 : vector<16xi32>
    }
    %scan3A_194 = arith.constant 32 : i32
    %add3A_195 = arith.constant 7168 : i32
    %add3A_196 = arith.addi %mul3A_2, %add3A_195 : i32
    %dma_start3A_197 = arith.constant 32 : i32
    %dma_start3A_198 = tpu.memref_slice %arg2[%add3A_196, %dma_start3A_197] : memref<262144x128xf32, #tpu.memory_space<hbm>> -> memref<512x16xf32, #tpu.memory_space<hbm>>
    %dma_start3A_199 = arith.constant 32 : i32
    %dma_start3A_200 = tpu.memref_slice %arg2[%add3A_196, %dma_start3A_199] : memref<262144x128xf32, #tpu.memory_space<hbm>> -> memref<512x16xf32, #tpu.memory_space<hbm>>
    tpu.enqueue_dma source(%dma_start3A_200 : memref<512x16xf32, #tpu.memory_space<hbm>>) target(%arg6 : memref<512x16xf32, #tpu.memory_space<vmem>>) target_semaphore(%arg11 : memref<!tpu.dma_semaphore, #tpu.memory_space<semaphore_mem>>)
    %dma_wait3A_201 = arith.constant 32 : i32
    %dma_wait3A_202 = tpu.memref_slice %arg2[%add3A_148, %dma_wait3A_201] : memref<262144x128xf32, #tpu.memory_space<hbm>> -> memref<512x16xf32, #tpu.memory_space<hbm>>
    %dma_wait3A_203 = arith.constant 32 : i32
    %dma_wait3A_204 = tpu.memref_slice %arg2[%add3A_148, %dma_wait3A_203] : memref<262144x128xf32, #tpu.memory_space<hbm>> -> memref<512x16xf32, #tpu.memory_space<hbm>>
    tpu.wait_dma2 semaphore(%arg12 : memref<!tpu.dma_semaphore, #tpu.memory_space<semaphore_mem>>) src(%dma_wait3A_204 : memref<512x16xf32, #tpu.memory_space<hbm>>) dst(%arg7 : memref<512x16xf32, #tpu.memory_space<vmem>>)
    %scan3A_205 = arith.constant 0 : i32
    %scan3A_206 = arith.constant 32 : i32
    %scan3A_207 = arith.addi %scan3A_205, %scan3A_206 : i32
    %scan3A_208 = arith.constant 1 : i32
    %scan3A_209 = scf.for %scan3A_277 = %scan3A_205 to %scan3A_207 step %scan3A_208 iter_args(%scan3A_278 = %scan3A_193) -> (vector<16xi32>)  : i32 {
      %mul3A_279 = arith.constant 16 : i32
      %mul3A_280 = arith.muli %scan3A_277, %mul3A_279 : i32
      %add3A_281 = vector.broadcast %mul3A_280 : i32 to vector<16xi32>
      %add3A_282 = arith.addi %add3A_281, %iota3A : vector<16xi32>
      %broadcast_in_dim3A_283 = arith.constant 0 : i32
      %broadcast_in_dim3A_284 = vector.broadcast %broadcast_in_dim3A_283 : i32 to vector<16xi32>
      %gather3A = tpu.vector_load_idx %arg7[%add3A_282, %broadcast_in_dim3A_284] : memref<512x16xf32, #tpu.memory_space<vmem>>[vector<16xi32>, vector<16xi32>], vector<16xf32>,
      %add3A_285 = arith.constant 1 : i32
      %add3A_286 = vector.broadcast %add3A_285 : i32 to vector<16xi32>
      %add3A_287 = arith.addi %broadcast_in_dim3A_284, %add3A_286 : vector<16xi32>
      %gather3A_288 = tpu.vector_load_idx %arg7[%add3A_282, %add3A_287] : memref<512x16xf32, #tpu.memory_space<vmem>>[vector<16xi32>, vector<16xi32>], vector<16xf32>,
      %add3A_289 = arith.constant 2 : i32
      %add3A_290 = vector.broadcast %add3A_289 : i32 to vector<16xi32>
      %add3A_291 = arith.addi %broadcast_in_dim3A_284, %add3A_290 : vector<16xi32>
      %gather3A_292 = tpu.vector_load_idx %arg7[%add3A_282, %add3A_291] : memref<512x16xf32, #tpu.memory_space<vmem>>[vector<16xi32>, vector<16xi32>], vector<16xf32>,
      %add3A_293 = arith.constant 3 : i32
      %add3A_294 = vector.broadcast %add3A_293 : i32 to vector<16xi32>
      %add3A_295 = arith.addi %broadcast_in_dim3A_284, %add3A_294 : vector<16xi32>
      %gather3A_296 = tpu.vector_load_idx %arg7[%add3A_282, %add3A_295] : memref<512x16xf32, #tpu.memory_space<vmem>>[vector<16xi32>, vector<16xi32>], vector<16xf32>,
      %sub3A = arith.subf %gather3A_288, %gather3A : vector<16xf32>
      %abs3A = math.absf %sub3A : vector<16xf32>
      %sub3A_297 = arith.subf %gather3A_296, %gather3A_292 : vector<16xf32>
      %abs3A_298 = math.absf %sub3A_297 : vector<16xf32>
      %gt3A_299 = arith.cmpf ogt, %gather3A_288, %gather3A : vector<16xf32>
      %lt3A_300 = arith.cmpf olt, %gather3A_288, %gather3A : vector<16xf32>
      %broadcast_in_dim3A_301 = arith.constant 3 : i32
      %broadcast_in_dim3A_302 = vector.broadcast %broadcast_in_dim3A_301 : i32 to vector<16xi32>
      %broadcast_in_dim3A_303 = arith.constant 4 : i32
      %broadcast_in_dim3A_304 = vector.broadcast %broadcast_in_dim3A_303 : i32 to vector<16xi32>
      %broadcast_in_dim3A_305 = arith.constant 2 : i32
      %broadcast_in_dim3A_306 = vector.broadcast %broadcast_in_dim3A_305 : i32 to vector<16xi32>
      %broadcast_in_dim3A_307 = arith.constant 5 : i32
      %broadcast_in_dim3A_308 = vector.broadcast %broadcast_in_dim3A_307 : i32 to vector<16xi32>
      %broadcast_in_dim3A_309 = arith.constant 1 : i32
      %broadcast_in_dim3A_310 = vector.broadcast %broadcast_in_dim3A_309 : i32 to vector<16xi32>
      %lt3A_311 = arith.constant 2.300000e+01 : f32
      %lt3A_312 = vector.broadcast %lt3A_311 : f32 to vector<16xf32>
      %lt3A_313 = arith.cmpf olt, %abs3A, %lt3A_312 : vector<16xf32>
      %select_n3A_314 = arith.select %gt3A_299, %broadcast_in_dim3A_304, %broadcast_in_dim3A_302 : vector<16xi1>, vector<16xi32>
      %select_n3A_315 = arith.select %lt3A_313, %select_n3A_314, %broadcast_in_dim3A_310 : vector<16xi1>, vector<16xi32>
      %gt3A_316 = arith.constant 2.700000e+01 : f32
      %gt3A_317 = vector.broadcast %gt3A_316 : f32 to vector<16xf32>
      %gt3A_318 = arith.cmpf ogt, %abs3A, %gt3A_317 : vector<16xf32>
      %select_n3A_319 = arith.select %gt3A_299, %broadcast_in_dim3A_302, %broadcast_in_dim3A_304 : vector<16xi1>, vector<16xi32>
      %select_n3A_320 = arith.select %gt3A_318, %select_n3A_319, %select_n3A_315 : vector<16xi1>, vector<16xi32>
      %gt3A_321 = arith.constant 4.000000e+00 : f32
      %gt3A_322 = vector.broadcast %gt3A_321 : f32 to vector<16xf32>
      %gt3A_323 = arith.cmpf ogt, %abs3A_298, %gt3A_322 : vector<16xf32>
      %gt3A_324 = arith.cmpf ogt, %gather3A_296, %gather3A_292 : vector<16xf32>
      %select_n3A_325 = arith.select %gt3A_324, %broadcast_in_dim3A_308, %broadcast_in_dim3A_306 : vector<16xi1>, vector<16xi32>
      %select_n3A_326 = arith.select %gt3A_323, %select_n3A_325, %select_n3A_320 : vector<16xi1>, vector<16xi32>
      %lt3A_327 = arith.constant 3.500000e+01 : f32
      %lt3A_328 = vector.broadcast %lt3A_327 : f32 to vector<16xf32>
      %lt3A_329 = arith.cmpf olt, %gather3A, %lt3A_328 : vector<16xf32>
      %and3A_330 = arith.andi %lt3A_329, %gt3A_299 : vector<16xi1>
      %gt3A_331 = arith.constant 1.150000e+02 : f32
      %gt3A_332 = vector.broadcast %gt3A_331 : f32 to vector<16xf32>
      %gt3A_333 = arith.cmpf ogt, %gather3A, %gt3A_332 : vector<16xf32>
      %and3A_334 = arith.andi %gt3A_333, %lt3A_300 : vector<16xi1>
      %or3A = arith.ori %and3A_330, %and3A_334 : vector<16xi1>
      %lt3A_335 = arith.constant 3.500000e+01 : f32
      %lt3A_336 = vector.broadcast %lt3A_335 : f32 to vector<16xf32>
      %lt3A_337 = arith.cmpf olt, %abs3A, %lt3A_336 : vector<16xf32>
      %and3A_338 = arith.andi %or3A, %lt3A_337 : vector<16xi1>
      %lt3A_339 = arith.constant 5.000000e+01 : f32
      %lt3A_340 = vector.broadcast %lt3A_339 : f32 to vector<16xf32>
      %lt3A_341 = arith.cmpf olt, %gather3A_292, %lt3A_340 : vector<16xf32>
      %select_n3A_342 = arith.select %lt3A_341, %broadcast_in_dim3A_308, %broadcast_in_dim3A_306 : vector<16xi1>, vector<16xi32>
      %le3A = arith.constant 1.500000e+01 : f32
      %le3A_343 = vector.broadcast %le3A : f32 to vector<16xf32>
      %le3A_344 = arith.cmpf ole, %abs3A_298, %le3A_343 : vector<16xf32>
      %select_n3A_345 = arith.select %and3A_330, %broadcast_in_dim3A_302, %broadcast_in_dim3A_304 : vector<16xi1>, vector<16xi32>
      %select_n3A_346 = arith.select %le3A_344, %select_n3A_342, %select_n3A_345 : vector<16xi1>, vector<16xi32>
      %select_n3A_347 = arith.select %and3A_338, %select_n3A_346, %select_n3A_326 : vector<16xi1>, vector<16xi32>
      %mul3A_348 = arith.constant 5 : i32
      %mul3A_349 = vector.broadcast %mul3A_348 : i32 to vector<16xi32>
      %mul3A_350 = arith.muli %mul3A_349, %select_n3A_347 : vector<16xi32>
      %shift_left3A = arith.constant 1 : i32
      %shift_left3A_351 = vector.broadcast %shift_left3A : i32 to vector<16xi32>
      %shift_left3A_352 = arith.shli %shift_left3A_351, %mul3A_350 : vector<16xi32>
      %or3A_353 = arith.ori %scan3A_278, %shift_left3A_352 : vector<16xi32>
      scf.yield %or3A_353 : vector<16xi32>
    }
    %scan3A_210 = arith.constant 32 : i32
    %add3A_211 = arith.constant 7680 : i32
    %add3A_212 = arith.addi %mul3A_2, %add3A_211 : i32
    %dma_start3A_213 = arith.constant 32 : i32
    %dma_start3A_214 = tpu.memref_slice %arg2[%add3A_212, %dma_start3A_213] : memref<262144x128xf32, #tpu.memory_space<hbm>> -> memref<512x16xf32, #tpu.memory_space<hbm>>
    %dma_start3A_215 = arith.constant 32 : i32
    %dma_start3A_216 = tpu.memref_slice %arg2[%add3A_212, %dma_start3A_215] : memref<262144x128xf32, #tpu.memory_space<hbm>> -> memref<512x16xf32, #tpu.memory_space<hbm>>
    tpu.enqueue_dma source(%dma_start3A_216 : memref<512x16xf32, #tpu.memory_space<hbm>>) target(%arg7 : memref<512x16xf32, #tpu.memory_space<vmem>>) target_semaphore(%arg12 : memref<!tpu.dma_semaphore, #tpu.memory_space<semaphore_mem>>)
    %dma_wait3A_217 = arith.constant 32 : i32
    %dma_wait3A_218 = tpu.memref_slice %arg2[%add3A_164, %dma_wait3A_217] : memref<262144x128xf32, #tpu.memory_space<hbm>> -> memref<512x16xf32, #tpu.memory_space<hbm>>
    %dma_wait3A_219 = arith.constant 32 : i32
    %dma_wait3A_220 = tpu.memref_slice %arg2[%add3A_164, %dma_wait3A_219] : memref<262144x128xf32, #tpu.memory_space<hbm>> -> memref<512x16xf32, #tpu.memory_space<hbm>>
    tpu.wait_dma2 semaphore(%arg9 : memref<!tpu.dma_semaphore, #tpu.memory_space<semaphore_mem>>) src(%dma_wait3A_220 : memref<512x16xf32, #tpu.memory_space<hbm>>) dst(%arg4 : memref<512x16xf32, #tpu.memory_space<vmem>>)
    %scan3A_221 = arith.constant 0 : i32
    %scan3A_222 = arith.constant 32 : i32
    %scan3A_223 = arith.addi %scan3A_221, %scan3A_222 : i32
    %scan3A_224 = arith.constant 1 : i32
    %scan3A_225 = scf.for %scan3A_277 = %scan3A_221 to %scan3A_223 step %scan3A_224 iter_args(%scan3A_278 = %scan3A_209) -> (vector<16xi32>)  : i32 {
      %mul3A_279 = arith.constant 16 : i32
      %mul3A_280 = arith.muli %scan3A_277, %mul3A_279 : i32
      %add3A_281 = vector.broadcast %mul3A_280 : i32 to vector<16xi32>
      %add3A_282 = arith.addi %add3A_281, %iota3A : vector<16xi32>
      %broadcast_in_dim3A_283 = arith.constant 0 : i32
      %broadcast_in_dim3A_284 = vector.broadcast %broadcast_in_dim3A_283 : i32 to vector<16xi32>
      %gather3A = tpu.vector_load_idx %arg4[%add3A_282, %broadcast_in_dim3A_284] : memref<512x16xf32, #tpu.memory_space<vmem>>[vector<16xi32>, vector<16xi32>], vector<16xf32>,
      %add3A_285 = arith.constant 1 : i32
      %add3A_286 = vector.broadcast %add3A_285 : i32 to vector<16xi32>
      %add3A_287 = arith.addi %broadcast_in_dim3A_284, %add3A_286 : vector<16xi32>
      %gather3A_288 = tpu.vector_load_idx %arg4[%add3A_282, %add3A_287] : memref<512x16xf32, #tpu.memory_space<vmem>>[vector<16xi32>, vector<16xi32>], vector<16xf32>,
      %add3A_289 = arith.constant 2 : i32
      %add3A_290 = vector.broadcast %add3A_289 : i32 to vector<16xi32>
      %add3A_291 = arith.addi %broadcast_in_dim3A_284, %add3A_290 : vector<16xi32>
      %gather3A_292 = tpu.vector_load_idx %arg4[%add3A_282, %add3A_291] : memref<512x16xf32, #tpu.memory_space<vmem>>[vector<16xi32>, vector<16xi32>], vector<16xf32>,
      %add3A_293 = arith.constant 3 : i32
      %add3A_294 = vector.broadcast %add3A_293 : i32 to vector<16xi32>
      %add3A_295 = arith.addi %broadcast_in_dim3A_284, %add3A_294 : vector<16xi32>
      %gather3A_296 = tpu.vector_load_idx %arg4[%add3A_282, %add3A_295] : memref<512x16xf32, #tpu.memory_space<vmem>>[vector<16xi32>, vector<16xi32>], vector<16xf32>,
      %sub3A = arith.subf %gather3A_288, %gather3A : vector<16xf32>
      %abs3A = math.absf %sub3A : vector<16xf32>
      %sub3A_297 = arith.subf %gather3A_296, %gather3A_292 : vector<16xf32>
      %abs3A_298 = math.absf %sub3A_297 : vector<16xf32>
      %gt3A_299 = arith.cmpf ogt, %gather3A_288, %gather3A : vector<16xf32>
      %lt3A_300 = arith.cmpf olt, %gather3A_288, %gather3A : vector<16xf32>
      %broadcast_in_dim3A_301 = arith.constant 3 : i32
      %broadcast_in_dim3A_302 = vector.broadcast %broadcast_in_dim3A_301 : i32 to vector<16xi32>
      %broadcast_in_dim3A_303 = arith.constant 4 : i32
      %broadcast_in_dim3A_304 = vector.broadcast %broadcast_in_dim3A_303 : i32 to vector<16xi32>
      %broadcast_in_dim3A_305 = arith.constant 2 : i32
      %broadcast_in_dim3A_306 = vector.broadcast %broadcast_in_dim3A_305 : i32 to vector<16xi32>
      %broadcast_in_dim3A_307 = arith.constant 5 : i32
      %broadcast_in_dim3A_308 = vector.broadcast %broadcast_in_dim3A_307 : i32 to vector<16xi32>
      %broadcast_in_dim3A_309 = arith.constant 1 : i32
      %broadcast_in_dim3A_310 = vector.broadcast %broadcast_in_dim3A_309 : i32 to vector<16xi32>
      %lt3A_311 = arith.constant 2.300000e+01 : f32
      %lt3A_312 = vector.broadcast %lt3A_311 : f32 to vector<16xf32>
      %lt3A_313 = arith.cmpf olt, %abs3A, %lt3A_312 : vector<16xf32>
      %select_n3A_314 = arith.select %gt3A_299, %broadcast_in_dim3A_304, %broadcast_in_dim3A_302 : vector<16xi1>, vector<16xi32>
      %select_n3A_315 = arith.select %lt3A_313, %select_n3A_314, %broadcast_in_dim3A_310 : vector<16xi1>, vector<16xi32>
      %gt3A_316 = arith.constant 2.700000e+01 : f32
      %gt3A_317 = vector.broadcast %gt3A_316 : f32 to vector<16xf32>
      %gt3A_318 = arith.cmpf ogt, %abs3A, %gt3A_317 : vector<16xf32>
      %select_n3A_319 = arith.select %gt3A_299, %broadcast_in_dim3A_302, %broadcast_in_dim3A_304 : vector<16xi1>, vector<16xi32>
      %select_n3A_320 = arith.select %gt3A_318, %select_n3A_319, %select_n3A_315 : vector<16xi1>, vector<16xi32>
      %gt3A_321 = arith.constant 4.000000e+00 : f32
      %gt3A_322 = vector.broadcast %gt3A_321 : f32 to vector<16xf32>
      %gt3A_323 = arith.cmpf ogt, %abs3A_298, %gt3A_322 : vector<16xf32>
      %gt3A_324 = arith.cmpf ogt, %gather3A_296, %gather3A_292 : vector<16xf32>
      %select_n3A_325 = arith.select %gt3A_324, %broadcast_in_dim3A_308, %broadcast_in_dim3A_306 : vector<16xi1>, vector<16xi32>
      %select_n3A_326 = arith.select %gt3A_323, %select_n3A_325, %select_n3A_320 : vector<16xi1>, vector<16xi32>
      %lt3A_327 = arith.constant 3.500000e+01 : f32
      %lt3A_328 = vector.broadcast %lt3A_327 : f32 to vector<16xf32>
      %lt3A_329 = arith.cmpf olt, %gather3A, %lt3A_328 : vector<16xf32>
      %and3A_330 = arith.andi %lt3A_329, %gt3A_299 : vector<16xi1>
      %gt3A_331 = arith.constant 1.150000e+02 : f32
      %gt3A_332 = vector.broadcast %gt3A_331 : f32 to vector<16xf32>
      %gt3A_333 = arith.cmpf ogt, %gather3A, %gt3A_332 : vector<16xf32>
      %and3A_334 = arith.andi %gt3A_333, %lt3A_300 : vector<16xi1>
      %or3A = arith.ori %and3A_330, %and3A_334 : vector<16xi1>
      %lt3A_335 = arith.constant 3.500000e+01 : f32
      %lt3A_336 = vector.broadcast %lt3A_335 : f32 to vector<16xf32>
      %lt3A_337 = arith.cmpf olt, %abs3A, %lt3A_336 : vector<16xf32>
      %and3A_338 = arith.andi %or3A, %lt3A_337 : vector<16xi1>
      %lt3A_339 = arith.constant 5.000000e+01 : f32
      %lt3A_340 = vector.broadcast %lt3A_339 : f32 to vector<16xf32>
      %lt3A_341 = arith.cmpf olt, %gather3A_292, %lt3A_340 : vector<16xf32>
      %select_n3A_342 = arith.select %lt3A_341, %broadcast_in_dim3A_308, %broadcast_in_dim3A_306 : vector<16xi1>, vector<16xi32>
      %le3A = arith.constant 1.500000e+01 : f32
      %le3A_343 = vector.broadcast %le3A : f32 to vector<16xf32>
      %le3A_344 = arith.cmpf ole, %abs3A_298, %le3A_343 : vector<16xf32>
      %select_n3A_345 = arith.select %and3A_330, %broadcast_in_dim3A_302, %broadcast_in_dim3A_304 : vector<16xi1>, vector<16xi32>
      %select_n3A_346 = arith.select %le3A_344, %select_n3A_342, %select_n3A_345 : vector<16xi1>, vector<16xi32>
      %select_n3A_347 = arith.select %and3A_338, %select_n3A_346, %select_n3A_326 : vector<16xi1>, vector<16xi32>
      %mul3A_348 = arith.constant 5 : i32
      %mul3A_349 = vector.broadcast %mul3A_348 : i32 to vector<16xi32>
      %mul3A_350 = arith.muli %mul3A_349, %select_n3A_347 : vector<16xi32>
      %shift_left3A = arith.constant 1 : i32
      %shift_left3A_351 = vector.broadcast %shift_left3A : i32 to vector<16xi32>
      %shift_left3A_352 = arith.shli %shift_left3A_351, %mul3A_350 : vector<16xi32>
      %or3A_353 = arith.ori %scan3A_278, %shift_left3A_352 : vector<16xi32>
      scf.yield %or3A_353 : vector<16xi32>
    }
    %scan3A_226 = arith.constant 32 : i32
    %dma_wait3A_227 = arith.constant 32 : i32
    %dma_wait3A_228 = tpu.memref_slice %arg2[%add3A_180, %dma_wait3A_227] : memref<262144x128xf32, #tpu.memory_space<hbm>> -> memref<512x16xf32, #tpu.memory_space<hbm>>
    %dma_wait3A_229 = arith.constant 32 : i32
    %dma_wait3A_230 = tpu.memref_slice %arg2[%add3A_180, %dma_wait3A_229] : memref<262144x128xf32, #tpu.memory_space<hbm>> -> memref<512x16xf32, #tpu.memory_space<hbm>>
    tpu.wait_dma2 semaphore(%arg10 : memref<!tpu.dma_semaphore, #tpu.memory_space<semaphore_mem>>) src(%dma_wait3A_230 : memref<512x16xf32, #tpu.memory_space<hbm>>) dst(%arg5 : memref<512x16xf32, #tpu.memory_space<vmem>>)
    %scan3A_231 = arith.constant 0 : i32
    %scan3A_232 = arith.constant 32 : i32
    %scan3A_233 = arith.addi %scan3A_231, %scan3A_232 : i32
    %scan3A_234 = arith.constant 1 : i32
    %scan3A_235 = scf.for %scan3A_277 = %scan3A_231 to %scan3A_233 step %scan3A_234 iter_args(%scan3A_278 = %scan3A_225) -> (vector<16xi32>)  : i32 {
      %mul3A_279 = arith.constant 16 : i32
      %mul3A_280 = arith.muli %scan3A_277, %mul3A_279 : i32
      %add3A_281 = vector.broadcast %mul3A_280 : i32 to vector<16xi32>
      %add3A_282 = arith.addi %add3A_281, %iota3A : vector<16xi32>
      %broadcast_in_dim3A_283 = arith.constant 0 : i32
      %broadcast_in_dim3A_284 = vector.broadcast %broadcast_in_dim3A_283 : i32 to vector<16xi32>
      %gather3A = tpu.vector_load_idx %arg5[%add3A_282, %broadcast_in_dim3A_284] : memref<512x16xf32, #tpu.memory_space<vmem>>[vector<16xi32>, vector<16xi32>], vector<16xf32>,
      %add3A_285 = arith.constant 1 : i32
      %add3A_286 = vector.broadcast %add3A_285 : i32 to vector<16xi32>
      %add3A_287 = arith.addi %broadcast_in_dim3A_284, %add3A_286 : vector<16xi32>
      %gather3A_288 = tpu.vector_load_idx %arg5[%add3A_282, %add3A_287] : memref<512x16xf32, #tpu.memory_space<vmem>>[vector<16xi32>, vector<16xi32>], vector<16xf32>,
      %add3A_289 = arith.constant 2 : i32
      %add3A_290 = vector.broadcast %add3A_289 : i32 to vector<16xi32>
      %add3A_291 = arith.addi %broadcast_in_dim3A_284, %add3A_290 : vector<16xi32>
      %gather3A_292 = tpu.vector_load_idx %arg5[%add3A_282, %add3A_291] : memref<512x16xf32, #tpu.memory_space<vmem>>[vector<16xi32>, vector<16xi32>], vector<16xf32>,
      %add3A_293 = arith.constant 3 : i32
      %add3A_294 = vector.broadcast %add3A_293 : i32 to vector<16xi32>
      %add3A_295 = arith.addi %broadcast_in_dim3A_284, %add3A_294 : vector<16xi32>
      %gather3A_296 = tpu.vector_load_idx %arg5[%add3A_282, %add3A_295] : memref<512x16xf32, #tpu.memory_space<vmem>>[vector<16xi32>, vector<16xi32>], vector<16xf32>,
      %sub3A = arith.subf %gather3A_288, %gather3A : vector<16xf32>
      %abs3A = math.absf %sub3A : vector<16xf32>
      %sub3A_297 = arith.subf %gather3A_296, %gather3A_292 : vector<16xf32>
      %abs3A_298 = math.absf %sub3A_297 : vector<16xf32>
      %gt3A_299 = arith.cmpf ogt, %gather3A_288, %gather3A : vector<16xf32>
      %lt3A_300 = arith.cmpf olt, %gather3A_288, %gather3A : vector<16xf32>
      %broadcast_in_dim3A_301 = arith.constant 3 : i32
      %broadcast_in_dim3A_302 = vector.broadcast %broadcast_in_dim3A_301 : i32 to vector<16xi32>
      %broadcast_in_dim3A_303 = arith.constant 4 : i32
      %broadcast_in_dim3A_304 = vector.broadcast %broadcast_in_dim3A_303 : i32 to vector<16xi32>
      %broadcast_in_dim3A_305 = arith.constant 2 : i32
      %broadcast_in_dim3A_306 = vector.broadcast %broadcast_in_dim3A_305 : i32 to vector<16xi32>
      %broadcast_in_dim3A_307 = arith.constant 5 : i32
      %broadcast_in_dim3A_308 = vector.broadcast %broadcast_in_dim3A_307 : i32 to vector<16xi32>
      %broadcast_in_dim3A_309 = arith.constant 1 : i32
      %broadcast_in_dim3A_310 = vector.broadcast %broadcast_in_dim3A_309 : i32 to vector<16xi32>
      %lt3A_311 = arith.constant 2.300000e+01 : f32
      %lt3A_312 = vector.broadcast %lt3A_311 : f32 to vector<16xf32>
      %lt3A_313 = arith.cmpf olt, %abs3A, %lt3A_312 : vector<16xf32>
      %select_n3A_314 = arith.select %gt3A_299, %broadcast_in_dim3A_304, %broadcast_in_dim3A_302 : vector<16xi1>, vector<16xi32>
      %select_n3A_315 = arith.select %lt3A_313, %select_n3A_314, %broadcast_in_dim3A_310 : vector<16xi1>, vector<16xi32>
      %gt3A_316 = arith.constant 2.700000e+01 : f32
      %gt3A_317 = vector.broadcast %gt3A_316 : f32 to vector<16xf32>
      %gt3A_318 = arith.cmpf ogt, %abs3A, %gt3A_317 : vector<16xf32>
      %select_n3A_319 = arith.select %gt3A_299, %broadcast_in_dim3A_302, %broadcast_in_dim3A_304 : vector<16xi1>, vector<16xi32>
      %select_n3A_320 = arith.select %gt3A_318, %select_n3A_319, %select_n3A_315 : vector<16xi1>, vector<16xi32>
      %gt3A_321 = arith.constant 4.000000e+00 : f32
      %gt3A_322 = vector.broadcast %gt3A_321 : f32 to vector<16xf32>
      %gt3A_323 = arith.cmpf ogt, %abs3A_298, %gt3A_322 : vector<16xf32>
      %gt3A_324 = arith.cmpf ogt, %gather3A_296, %gather3A_292 : vector<16xf32>
      %select_n3A_325 = arith.select %gt3A_324, %broadcast_in_dim3A_308, %broadcast_in_dim3A_306 : vector<16xi1>, vector<16xi32>
      %select_n3A_326 = arith.select %gt3A_323, %select_n3A_325, %select_n3A_320 : vector<16xi1>, vector<16xi32>
      %lt3A_327 = arith.constant 3.500000e+01 : f32
      %lt3A_328 = vector.broadcast %lt3A_327 : f32 to vector<16xf32>
      %lt3A_329 = arith.cmpf olt, %gather3A, %lt3A_328 : vector<16xf32>
      %and3A_330 = arith.andi %lt3A_329, %gt3A_299 : vector<16xi1>
      %gt3A_331 = arith.constant 1.150000e+02 : f32
      %gt3A_332 = vector.broadcast %gt3A_331 : f32 to vector<16xf32>
      %gt3A_333 = arith.cmpf ogt, %gather3A, %gt3A_332 : vector<16xf32>
      %and3A_334 = arith.andi %gt3A_333, %lt3A_300 : vector<16xi1>
      %or3A = arith.ori %and3A_330, %and3A_334 : vector<16xi1>
      %lt3A_335 = arith.constant 3.500000e+01 : f32
      %lt3A_336 = vector.broadcast %lt3A_335 : f32 to vector<16xf32>
      %lt3A_337 = arith.cmpf olt, %abs3A, %lt3A_336 : vector<16xf32>
      %and3A_338 = arith.andi %or3A, %lt3A_337 : vector<16xi1>
      %lt3A_339 = arith.constant 5.000000e+01 : f32
      %lt3A_340 = vector.broadcast %lt3A_339 : f32 to vector<16xf32>
      %lt3A_341 = arith.cmpf olt, %gather3A_292, %lt3A_340 : vector<16xf32>
      %select_n3A_342 = arith.select %lt3A_341, %broadcast_in_dim3A_308, %broadcast_in_dim3A_306 : vector<16xi1>, vector<16xi32>
      %le3A = arith.constant 1.500000e+01 : f32
      %le3A_343 = vector.broadcast %le3A : f32 to vector<16xf32>
      %le3A_344 = arith.cmpf ole, %abs3A_298, %le3A_343 : vector<16xf32>
      %select_n3A_345 = arith.select %and3A_330, %broadcast_in_dim3A_302, %broadcast_in_dim3A_304 : vector<16xi1>, vector<16xi32>
      %select_n3A_346 = arith.select %le3A_344, %select_n3A_342, %select_n3A_345 : vector<16xi1>, vector<16xi32>
      %select_n3A_347 = arith.select %and3A_338, %select_n3A_346, %select_n3A_326 : vector<16xi1>, vector<16xi32>
      %mul3A_348 = arith.constant 5 : i32
      %mul3A_349 = vector.broadcast %mul3A_348 : i32 to vector<16xi32>
      %mul3A_350 = arith.muli %mul3A_349, %select_n3A_347 : vector<16xi32>
      %shift_left3A = arith.constant 1 : i32
      %shift_left3A_351 = vector.broadcast %shift_left3A : i32 to vector<16xi32>
      %shift_left3A_352 = arith.shli %shift_left3A_351, %mul3A_350 : vector<16xi32>
      %or3A_353 = arith.ori %scan3A_278, %shift_left3A_352 : vector<16xi32>
      scf.yield %or3A_353 : vector<16xi32>
    }
    %scan3A_236 = arith.constant 32 : i32
    %dma_wait3A_237 = arith.constant 32 : i32
    %dma_wait3A_238 = tpu.memref_slice %arg2[%add3A_196, %dma_wait3A_237] : memref<262144x128xf32, #tpu.memory_space<hbm>> -> memref<512x16xf32, #tpu.memory_space<hbm>>
    %dma_wait3A_239 = arith.constant 32 : i32
    %dma_wait3A_240 = tpu.memref_slice %arg2[%add3A_196, %dma_wait3A_239] : memref<262144x128xf32, #tpu.memory_space<hbm>> -> memref<512x16xf32, #tpu.memory_space<hbm>>
    tpu.wait_dma2 semaphore(%arg11 : memref<!tpu.dma_semaphore, #tpu.memory_space<semaphore_mem>>) src(%dma_wait3A_240 : memref<512x16xf32, #tpu.memory_space<hbm>>) dst(%arg6 : memref<512x16xf32, #tpu.memory_space<vmem>>)
    %scan3A_241 = arith.constant 0 : i32
    %scan3A_242 = arith.constant 32 : i32
    %scan3A_243 = arith.addi %scan3A_241, %scan3A_242 : i32
    %scan3A_244 = arith.constant 1 : i32
    %scan3A_245 = scf.for %scan3A_277 = %scan3A_241 to %scan3A_243 step %scan3A_244 iter_args(%scan3A_278 = %scan3A_235) -> (vector<16xi32>)  : i32 {
      %mul3A_279 = arith.constant 16 : i32
      %mul3A_280 = arith.muli %scan3A_277, %mul3A_279 : i32
      %add3A_281 = vector.broadcast %mul3A_280 : i32 to vector<16xi32>
      %add3A_282 = arith.addi %add3A_281, %iota3A : vector<16xi32>
      %broadcast_in_dim3A_283 = arith.constant 0 : i32
      %broadcast_in_dim3A_284 = vector.broadcast %broadcast_in_dim3A_283 : i32 to vector<16xi32>
      %gather3A = tpu.vector_load_idx %arg6[%add3A_282, %broadcast_in_dim3A_284] : memref<512x16xf32, #tpu.memory_space<vmem>>[vector<16xi32>, vector<16xi32>], vector<16xf32>,
      %add3A_285 = arith.constant 1 : i32
      %add3A_286 = vector.broadcast %add3A_285 : i32 to vector<16xi32>
      %add3A_287 = arith.addi %broadcast_in_dim3A_284, %add3A_286 : vector<16xi32>
      %gather3A_288 = tpu.vector_load_idx %arg6[%add3A_282, %add3A_287] : memref<512x16xf32, #tpu.memory_space<vmem>>[vector<16xi32>, vector<16xi32>], vector<16xf32>,
      %add3A_289 = arith.constant 2 : i32
      %add3A_290 = vector.broadcast %add3A_289 : i32 to vector<16xi32>
      %add3A_291 = arith.addi %broadcast_in_dim3A_284, %add3A_290 : vector<16xi32>
      %gather3A_292 = tpu.vector_load_idx %arg6[%add3A_282, %add3A_291] : memref<512x16xf32, #tpu.memory_space<vmem>>[vector<16xi32>, vector<16xi32>], vector<16xf32>,
      %add3A_293 = arith.constant 3 : i32
      %add3A_294 = vector.broadcast %add3A_293 : i32 to vector<16xi32>
      %add3A_295 = arith.addi %broadcast_in_dim3A_284, %add3A_294 : vector<16xi32>
      %gather3A_296 = tpu.vector_load_idx %arg6[%add3A_282, %add3A_295] : memref<512x16xf32, #tpu.memory_space<vmem>>[vector<16xi32>, vector<16xi32>], vector<16xf32>,
      %sub3A = arith.subf %gather3A_288, %gather3A : vector<16xf32>
      %abs3A = math.absf %sub3A : vector<16xf32>
      %sub3A_297 = arith.subf %gather3A_296, %gather3A_292 : vector<16xf32>
      %abs3A_298 = math.absf %sub3A_297 : vector<16xf32>
      %gt3A_299 = arith.cmpf ogt, %gather3A_288, %gather3A : vector<16xf32>
      %lt3A_300 = arith.cmpf olt, %gather3A_288, %gather3A : vector<16xf32>
      %broadcast_in_dim3A_301 = arith.constant 3 : i32
      %broadcast_in_dim3A_302 = vector.broadcast %broadcast_in_dim3A_301 : i32 to vector<16xi32>
      %broadcast_in_dim3A_303 = arith.constant 4 : i32
      %broadcast_in_dim3A_304 = vector.broadcast %broadcast_in_dim3A_303 : i32 to vector<16xi32>
      %broadcast_in_dim3A_305 = arith.constant 2 : i32
      %broadcast_in_dim3A_306 = vector.broadcast %broadcast_in_dim3A_305 : i32 to vector<16xi32>
      %broadcast_in_dim3A_307 = arith.constant 5 : i32
      %broadcast_in_dim3A_308 = vector.broadcast %broadcast_in_dim3A_307 : i32 to vector<16xi32>
      %broadcast_in_dim3A_309 = arith.constant 1 : i32
      %broadcast_in_dim3A_310 = vector.broadcast %broadcast_in_dim3A_309 : i32 to vector<16xi32>
      %lt3A_311 = arith.constant 2.300000e+01 : f32
      %lt3A_312 = vector.broadcast %lt3A_311 : f32 to vector<16xf32>
      %lt3A_313 = arith.cmpf olt, %abs3A, %lt3A_312 : vector<16xf32>
      %select_n3A_314 = arith.select %gt3A_299, %broadcast_in_dim3A_304, %broadcast_in_dim3A_302 : vector<16xi1>, vector<16xi32>
      %select_n3A_315 = arith.select %lt3A_313, %select_n3A_314, %broadcast_in_dim3A_310 : vector<16xi1>, vector<16xi32>
      %gt3A_316 = arith.constant 2.700000e+01 : f32
      %gt3A_317 = vector.broadcast %gt3A_316 : f32 to vector<16xf32>
      %gt3A_318 = arith.cmpf ogt, %abs3A, %gt3A_317 : vector<16xf32>
      %select_n3A_319 = arith.select %gt3A_299, %broadcast_in_dim3A_302, %broadcast_in_dim3A_304 : vector<16xi1>, vector<16xi32>
      %select_n3A_320 = arith.select %gt3A_318, %select_n3A_319, %select_n3A_315 : vector<16xi1>, vector<16xi32>
      %gt3A_321 = arith.constant 4.000000e+00 : f32
      %gt3A_322 = vector.broadcast %gt3A_321 : f32 to vector<16xf32>
      %gt3A_323 = arith.cmpf ogt, %abs3A_298, %gt3A_322 : vector<16xf32>
      %gt3A_324 = arith.cmpf ogt, %gather3A_296, %gather3A_292 : vector<16xf32>
      %select_n3A_325 = arith.select %gt3A_324, %broadcast_in_dim3A_308, %broadcast_in_dim3A_306 : vector<16xi1>, vector<16xi32>
      %select_n3A_326 = arith.select %gt3A_323, %select_n3A_325, %select_n3A_320 : vector<16xi1>, vector<16xi32>
      %lt3A_327 = arith.constant 3.500000e+01 : f32
      %lt3A_328 = vector.broadcast %lt3A_327 : f32 to vector<16xf32>
      %lt3A_329 = arith.cmpf olt, %gather3A, %lt3A_328 : vector<16xf32>
      %and3A_330 = arith.andi %lt3A_329, %gt3A_299 : vector<16xi1>
      %gt3A_331 = arith.constant 1.150000e+02 : f32
      %gt3A_332 = vector.broadcast %gt3A_331 : f32 to vector<16xf32>
      %gt3A_333 = arith.cmpf ogt, %gather3A, %gt3A_332 : vector<16xf32>
      %and3A_334 = arith.andi %gt3A_333, %lt3A_300 : vector<16xi1>
      %or3A = arith.ori %and3A_330, %and3A_334 : vector<16xi1>
      %lt3A_335 = arith.constant 3.500000e+01 : f32
      %lt3A_336 = vector.broadcast %lt3A_335 : f32 to vector<16xf32>
      %lt3A_337 = arith.cmpf olt, %abs3A, %lt3A_336 : vector<16xf32>
      %and3A_338 = arith.andi %or3A, %lt3A_337 : vector<16xi1>
      %lt3A_339 = arith.constant 5.000000e+01 : f32
      %lt3A_340 = vector.broadcast %lt3A_339 : f32 to vector<16xf32>
      %lt3A_341 = arith.cmpf olt, %gather3A_292, %lt3A_340 : vector<16xf32>
      %select_n3A_342 = arith.select %lt3A_341, %broadcast_in_dim3A_308, %broadcast_in_dim3A_306 : vector<16xi1>, vector<16xi32>
      %le3A = arith.constant 1.500000e+01 : f32
      %le3A_343 = vector.broadcast %le3A : f32 to vector<16xf32>
      %le3A_344 = arith.cmpf ole, %abs3A_298, %le3A_343 : vector<16xf32>
      %select_n3A_345 = arith.select %and3A_330, %broadcast_in_dim3A_302, %broadcast_in_dim3A_304 : vector<16xi1>, vector<16xi32>
      %select_n3A_346 = arith.select %le3A_344, %select_n3A_342, %select_n3A_345 : vector<16xi1>, vector<16xi32>
      %select_n3A_347 = arith.select %and3A_338, %select_n3A_346, %select_n3A_326 : vector<16xi1>, vector<16xi32>
      %mul3A_348 = arith.constant 5 : i32
      %mul3A_349 = vector.broadcast %mul3A_348 : i32 to vector<16xi32>
      %mul3A_350 = arith.muli %mul3A_349, %select_n3A_347 : vector<16xi32>
      %shift_left3A = arith.constant 1 : i32
      %shift_left3A_351 = vector.broadcast %shift_left3A : i32 to vector<16xi32>
      %shift_left3A_352 = arith.shli %shift_left3A_351, %mul3A_350 : vector<16xi32>
      %or3A_353 = arith.ori %scan3A_278, %shift_left3A_352 : vector<16xi32>
      scf.yield %or3A_353 : vector<16xi32>
    }
    %scan3A_246 = arith.constant 32 : i32
    %dma_wait3A_247 = arith.constant 32 : i32
    %dma_wait3A_248 = tpu.memref_slice %arg2[%add3A_212, %dma_wait3A_247] : memref<262144x128xf32, #tpu.memory_space<hbm>> -> memref<512x16xf32, #tpu.memory_space<hbm>>
    %dma_wait3A_249 = arith.constant 32 : i32
    %dma_wait3A_250 = tpu.memref_slice %arg2[%add3A_212, %dma_wait3A_249] : memref<262144x128xf32, #tpu.memory_space<hbm>> -> memref<512x16xf32, #tpu.memory_space<hbm>>
    tpu.wait_dma2 semaphore(%arg12 : memref<!tpu.dma_semaphore, #tpu.memory_space<semaphore_mem>>) src(%dma_wait3A_250 : memref<512x16xf32, #tpu.memory_space<hbm>>) dst(%arg7 : memref<512x16xf32, #tpu.memory_space<vmem>>)
    %scan3A_251 = arith.constant 0 : i32
    %scan3A_252 = arith.constant 32 : i32
    %scan3A_253 = arith.addi %scan3A_251, %scan3A_252 : i32
    %scan3A_254 = arith.constant 1 : i32
    %scan3A_255 = scf.for %scan3A_277 = %scan3A_251 to %scan3A_253 step %scan3A_254 iter_args(%scan3A_278 = %scan3A_245) -> (vector<16xi32>)  : i32 {
      %mul3A_279 = arith.constant 16 : i32
      %mul3A_280 = arith.muli %scan3A_277, %mul3A_279 : i32
      %add3A_281 = vector.broadcast %mul3A_280 : i32 to vector<16xi32>
      %add3A_282 = arith.addi %add3A_281, %iota3A : vector<16xi32>
      %broadcast_in_dim3A_283 = arith.constant 0 : i32
      %broadcast_in_dim3A_284 = vector.broadcast %broadcast_in_dim3A_283 : i32 to vector<16xi32>
      %gather3A = tpu.vector_load_idx %arg7[%add3A_282, %broadcast_in_dim3A_284] : memref<512x16xf32, #tpu.memory_space<vmem>>[vector<16xi32>, vector<16xi32>], vector<16xf32>,
      %add3A_285 = arith.constant 1 : i32
      %add3A_286 = vector.broadcast %add3A_285 : i32 to vector<16xi32>
      %add3A_287 = arith.addi %broadcast_in_dim3A_284, %add3A_286 : vector<16xi32>
      %gather3A_288 = tpu.vector_load_idx %arg7[%add3A_282, %add3A_287] : memref<512x16xf32, #tpu.memory_space<vmem>>[vector<16xi32>, vector<16xi32>], vector<16xf32>,
      %add3A_289 = arith.constant 2 : i32
      %add3A_290 = vector.broadcast %add3A_289 : i32 to vector<16xi32>
      %add3A_291 = arith.addi %broadcast_in_dim3A_284, %add3A_290 : vector<16xi32>
      %gather3A_292 = tpu.vector_load_idx %arg7[%add3A_282, %add3A_291] : memref<512x16xf32, #tpu.memory_space<vmem>>[vector<16xi32>, vector<16xi32>], vector<16xf32>,
      %add3A_293 = arith.constant 3 : i32
      %add3A_294 = vector.broadcast %add3A_293 : i32 to vector<16xi32>
      %add3A_295 = arith.addi %broadcast_in_dim3A_284, %add3A_294 : vector<16xi32>
      %gather3A_296 = tpu.vector_load_idx %arg7[%add3A_282, %add3A_295] : memref<512x16xf32, #tpu.memory_space<vmem>>[vector<16xi32>, vector<16xi32>], vector<16xf32>,
      %sub3A = arith.subf %gather3A_288, %gather3A : vector<16xf32>
      %abs3A = math.absf %sub3A : vector<16xf32>
      %sub3A_297 = arith.subf %gather3A_296, %gather3A_292 : vector<16xf32>
      %abs3A_298 = math.absf %sub3A_297 : vector<16xf32>
      %gt3A_299 = arith.cmpf ogt, %gather3A_288, %gather3A : vector<16xf32>
      %lt3A_300 = arith.cmpf olt, %gather3A_288, %gather3A : vector<16xf32>
      %broadcast_in_dim3A_301 = arith.constant 3 : i32
      %broadcast_in_dim3A_302 = vector.broadcast %broadcast_in_dim3A_301 : i32 to vector<16xi32>
      %broadcast_in_dim3A_303 = arith.constant 4 : i32
      %broadcast_in_dim3A_304 = vector.broadcast %broadcast_in_dim3A_303 : i32 to vector<16xi32>
      %broadcast_in_dim3A_305 = arith.constant 2 : i32
      %broadcast_in_dim3A_306 = vector.broadcast %broadcast_in_dim3A_305 : i32 to vector<16xi32>
      %broadcast_in_dim3A_307 = arith.constant 5 : i32
      %broadcast_in_dim3A_308 = vector.broadcast %broadcast_in_dim3A_307 : i32 to vector<16xi32>
      %broadcast_in_dim3A_309 = arith.constant 1 : i32
      %broadcast_in_dim3A_310 = vector.broadcast %broadcast_in_dim3A_309 : i32 to vector<16xi32>
      %lt3A_311 = arith.constant 2.300000e+01 : f32
      %lt3A_312 = vector.broadcast %lt3A_311 : f32 to vector<16xf32>
      %lt3A_313 = arith.cmpf olt, %abs3A, %lt3A_312 : vector<16xf32>
      %select_n3A_314 = arith.select %gt3A_299, %broadcast_in_dim3A_304, %broadcast_in_dim3A_302 : vector<16xi1>, vector<16xi32>
      %select_n3A_315 = arith.select %lt3A_313, %select_n3A_314, %broadcast_in_dim3A_310 : vector<16xi1>, vector<16xi32>
      %gt3A_316 = arith.constant 2.700000e+01 : f32
      %gt3A_317 = vector.broadcast %gt3A_316 : f32 to vector<16xf32>
      %gt3A_318 = arith.cmpf ogt, %abs3A, %gt3A_317 : vector<16xf32>
      %select_n3A_319 = arith.select %gt3A_299, %broadcast_in_dim3A_302, %broadcast_in_dim3A_304 : vector<16xi1>, vector<16xi32>
      %select_n3A_320 = arith.select %gt3A_318, %select_n3A_319, %select_n3A_315 : vector<16xi1>, vector<16xi32>
      %gt3A_321 = arith.constant 4.000000e+00 : f32
      %gt3A_322 = vector.broadcast %gt3A_321 : f32 to vector<16xf32>
      %gt3A_323 = arith.cmpf ogt, %abs3A_298, %gt3A_322 : vector<16xf32>
      %gt3A_324 = arith.cmpf ogt, %gather3A_296, %gather3A_292 : vector<16xf32>
      %select_n3A_325 = arith.select %gt3A_324, %broadcast_in_dim3A_308, %broadcast_in_dim3A_306 : vector<16xi1>, vector<16xi32>
      %select_n3A_326 = arith.select %gt3A_323, %select_n3A_325, %select_n3A_320 : vector<16xi1>, vector<16xi32>
      %lt3A_327 = arith.constant 3.500000e+01 : f32
      %lt3A_328 = vector.broadcast %lt3A_327 : f32 to vector<16xf32>
      %lt3A_329 = arith.cmpf olt, %gather3A, %lt3A_328 : vector<16xf32>
      %and3A_330 = arith.andi %lt3A_329, %gt3A_299 : vector<16xi1>
      %gt3A_331 = arith.constant 1.150000e+02 : f32
      %gt3A_332 = vector.broadcast %gt3A_331 : f32 to vector<16xf32>
      %gt3A_333 = arith.cmpf ogt, %gather3A, %gt3A_332 : vector<16xf32>
      %and3A_334 = arith.andi %gt3A_333, %lt3A_300 : vector<16xi1>
      %or3A = arith.ori %and3A_330, %and3A_334 : vector<16xi1>
      %lt3A_335 = arith.constant 3.500000e+01 : f32
      %lt3A_336 = vector.broadcast %lt3A_335 : f32 to vector<16xf32>
      %lt3A_337 = arith.cmpf olt, %abs3A, %lt3A_336 : vector<16xf32>
      %and3A_338 = arith.andi %or3A, %lt3A_337 : vector<16xi1>
      %lt3A_339 = arith.constant 5.000000e+01 : f32
      %lt3A_340 = vector.broadcast %lt3A_339 : f32 to vector<16xf32>
      %lt3A_341 = arith.cmpf olt, %gather3A_292, %lt3A_340 : vector<16xf32>
      %select_n3A_342 = arith.select %lt3A_341, %broadcast_in_dim3A_308, %broadcast_in_dim3A_306 : vector<16xi1>, vector<16xi32>
      %le3A = arith.constant 1.500000e+01 : f32
      %le3A_343 = vector.broadcast %le3A : f32 to vector<16xf32>
      %le3A_344 = arith.cmpf ole, %abs3A_298, %le3A_343 : vector<16xf32>
      %select_n3A_345 = arith.select %and3A_330, %broadcast_in_dim3A_302, %broadcast_in_dim3A_304 : vector<16xi1>, vector<16xi32>
      %select_n3A_346 = arith.select %le3A_344, %select_n3A_342, %select_n3A_345 : vector<16xi1>, vector<16xi32>
      %select_n3A_347 = arith.select %and3A_338, %select_n3A_346, %select_n3A_326 : vector<16xi1>, vector<16xi32>
      %mul3A_348 = arith.constant 5 : i32
      %mul3A_349 = vector.broadcast %mul3A_348 : i32 to vector<16xi32>
      %mul3A_350 = arith.muli %mul3A_349, %select_n3A_347 : vector<16xi32>
      %shift_left3A = arith.constant 1 : i32
      %shift_left3A_351 = vector.broadcast %shift_left3A : i32 to vector<16xi32>
      %shift_left3A_352 = arith.shli %shift_left3A_351, %mul3A_350 : vector<16xi32>
      %or3A_353 = arith.ori %scan3A_278, %shift_left3A_352 : vector<16xi32>
      scf.yield %or3A_353 : vector<16xi32>
    }
    %scan3A_256 = arith.constant 32 : i32
    %reduce_sum3A = arith.constant true
    %reduce_sum3A_257 = vector.broadcast %reduce_sum3A : i1 to vector<16xi1>
    %reduce_sum3A_258 = tpu.scan <sum>, %scan3A_255 masked %reduce_sum3A_257 : vector<16xi32>, vector<16xi1> -> vector<16xi32>
    %reduce_sum3A_259 = vector.extract %reduce_sum3A_258[15] : i32 from vector<16xi32>
    %mul3A_260 = arith.constant 5 : i32
    %mul3A_261 = vector.broadcast %mul3A_260 : i32 to vector<16xi32>
    %mul3A_262 = arith.muli %mul3A_261, %iota3A : vector<16xi32>
    %min3A = arith.constant 31 : i32
    %min3A_263 = vector.broadcast %min3A : i32 to vector<16xi32>
    %min3A_264 = arith.minsi %mul3A_262, %min3A_263 : vector<16xi32>
    %broadcast_in_dim3A_265 = vector.broadcast %reduce_sum3A_259 : i32 to vector<16xi32>
    %shift_right_arithmetic3A = arith.shrsi %broadcast_in_dim3A_265, %min3A_264 : vector<16xi32>
    %and3A = arith.constant 31 : i32
    %and3A_266 = vector.broadcast %and3A : i32 to vector<16xi32>
    %and3A_267 = arith.andi %shift_right_arithmetic3A, %and3A_266 : vector<16xi32>
    %lt3A = arith.constant 6 : i32
    %lt3A_268 = vector.broadcast %lt3A : i32 to vector<16xi32>
    %lt3A_269 = arith.cmpi slt, %iota3A, %lt3A_268 : vector<16xi32>
    %gt3A = arith.constant 0 : i32
    %gt3A_270 = vector.broadcast %gt3A : i32 to vector<16xi32>
    %gt3A_271 = arith.cmpi sgt, %and3A_267, %gt3A_270 : vector<16xi32>
    %and3A_272 = arith.andi %lt3A_269, %gt3A_271 : vector<16xi1>
    %jit3A = arith.constant 1.000000e+00 : f32
    %jit3A_273 = arith.constant 0.000000e+00 : f32
    %broadcast_in_dim3A_274 = vector.broadcast %jit3A : f32 to vector<16xf32>
    %broadcast_in_dim3A_275 = vector.broadcast %jit3A_273 : f32 to vector<16xf32>
    %select_n3A = arith.select %and3A_272, %broadcast_in_dim3A_274, %broadcast_in_dim3A_275 : vector<16xi1>, vector<16xf32>
    %swap3A = arith.constant 0 : index
    %swap3A_276 = tpu.vector_load %arg8[%swap3A] {strides = array<i32>} : memref<16xf32, #tpu.memory_space<vmem>>, vector<16xf32>,
    tpu.vector_store %arg8[%swap3A], %select_n3A {strides = array<i32>} : memref<16xf32, #tpu.memory_space<vmem>>, vector<16xf32>,
    "tpu.region"() ({
      %run_scoped3A = tpu.sem_alloc : memref<!tpu.dma_semaphore, #tpu.memory_space<semaphore_mem>>
      %dma_start3A_277 = arith.constant 0 : i32
      %dma_start3A_278 = tpu.memref_slice %arg3[%add3A, %dma_start3A_277] : memref<32x128xf32, #tpu.memory_space<hbm>> -> memref<1x16xf32, #tpu.memory_space<hbm>>
      %dma_start3A_279 = tpu.memref_squeeze %dma_start3A_278 : memref<1x16xf32, #tpu.memory_space<hbm>> -> memref<16xf32, #tpu.memory_space<hbm>>
      %dma_start3A_280 = arith.constant 0 : i32
      %dma_start3A_281 = tpu.memref_slice %arg3[%add3A, %dma_start3A_280] : memref<32x128xf32, #tpu.memory_space<hbm>> -> memref<1x16xf32, #tpu.memory_space<hbm>>
      %dma_start3A_282 = tpu.memref_squeeze %dma_start3A_281 : memref<1x16xf32, #tpu.memory_space<hbm>> -> memref<16xf32, #tpu.memory_space<hbm>>
      tpu.enqueue_dma source(%arg8 : memref<16xf32, #tpu.memory_space<vmem>>) target(%dma_start3A_282 : memref<16xf32, #tpu.memory_space<hbm>>) target_semaphore(%run_scoped3A : memref<!tpu.dma_semaphore, #tpu.memory_space<semaphore_mem>>)
      %dma_wait3A_283 = arith.constant 0 : i32
      %dma_wait3A_284 = tpu.memref_slice %arg3[%add3A, %dma_wait3A_283] : memref<32x128xf32, #tpu.memory_space<hbm>> -> memref<1x16xf32, #tpu.memory_space<hbm>>
      %dma_wait3A_285 = tpu.memref_squeeze %dma_wait3A_284 : memref<1x16xf32, #tpu.memory_space<hbm>> -> memref<16xf32, #tpu.memory_space<hbm>>
      %dma_wait3A_286 = arith.constant 0 : i32
      %dma_wait3A_287 = tpu.memref_slice %arg3[%add3A, %dma_wait3A_286] : memref<32x128xf32, #tpu.memory_space<hbm>> -> memref<1x16xf32, #tpu.memory_space<hbm>>
      %dma_wait3A_288 = tpu.memref_squeeze %dma_wait3A_287 : memref<1x16xf32, #tpu.memory_space<hbm>> -> memref<16xf32, #tpu.memory_space<hbm>>
      tpu.wait_dma2 semaphore(%run_scoped3A : memref<!tpu.dma_semaphore, #tpu.memory_space<semaphore_mem>>) src(%arg8 : memref<16xf32, #tpu.memory_space<vmem>>) dst(%dma_wait3A_288 : memref<16xf32, #tpu.memory_space<hbm>>)
      tpu.yield
    }) : () -> ()
    return
  }
}

module attributes {stable_mosaic.version = 14 : i64} {
  func.func @merge_body(%arg0: memref<32x128xf32, #tpu.memory_space<vmem>>, %arg1: memref<1x6xf32, #tpu.memory_space<vmem>>) attributes {dimension_semantics = [], scalar_prefetch = 0 : i64, scratch_operands = 0 : i64, tpu.core_type = #tpu.core_type<tc>} {
    %get3A = arith.constant 0 : index
    %get3A_0 = arith.constant 0 : index
    %get3A_1 = vector.load %arg0[%get3A, %get3A_0] : memref<32x128xf32, #tpu.memory_space<vmem>>, vector<32x128xf32>
    %slice3A = vector.extract_strided_slice %get3A_1 {offsets = [0, 0], sizes = [32, 16], strides = [1, 1]} : vector<32x128xf32> to vector<32x16xf32>
    %reduce_max3A = arith.constant dense<0xFF800000> : vector<16xf32>
    %reduce_max3A_2 = vector.multi_reduction <maximumf>, %slice3A, %reduce_max3A [0] : vector<32x16xf32> to vector<16xf32>
    %broadcast_in_dim3A = vector.shape_cast %reduce_max3A_2 : vector<16xf32> to vector<1x16xf32>
    %slice3A_3 = vector.extract_strided_slice %broadcast_in_dim3A {offsets = [0, 0], sizes = [1, 6], strides = [1, 1]} : vector<1x16xf32> to vector<1x6xf32>
    %swap3A = arith.constant 0 : index
    %swap3A_4 = arith.constant 0 : index
    %swap3A_5 = vector.load %arg1[%swap3A, %swap3A_4] : memref<1x6xf32, #tpu.memory_space<vmem>>, vector<1x6xf32>
    tpu.vector_store %arg1[%swap3A, %swap3A_4], %slice3A_3 {strides = array<i32>} : memref<1x6xf32, #tpu.memory_space<vmem>>, vector<1x6xf32>,
    return
  }
}

</mosaic_0001>

<sc_bundles>
// kernel: kernel.4.cloned.1.call-start
scs
__scs_entry_jumppad:
0x0: {  	(pc) =	sbr.rel $0x88, $3  }
0x1: {  	(tag) =	ssettag $0x0;
	lr =	simm.s32 $0x1  }
0x2: {  	[smem:$0x3FA0] =	sst lr;
	_ =	strace $0xD0000000  }
0x3: {  	_ = 	snop  }
0x4: {  	_ = 	snop  }
0x5: {  	_ = 	snop  }
0x6: {  	_ = 	snop  }
0x7: {  	_ = 	snop  }
__scs_overlays_trampoline_lowered:
0x8: {  	[smem:$0x3FAF] =	sst s0  }
0x9: {  	[smem:$0x3FB0] =	sst s1  }
0xa: {  	[smem:$0x3FB1] =	sst s2  }
0xb: {  	[smem:$0x3FB2] =	sst s3  }
0xc: {  	[smem:$0x3FB3] =	sst s4  }
0xd: {  	[smem:$0x3FB4] =	sst s5  }
0xe: {  	[smem:$0x3FB5] =	sst s6  }
0xf: {  	[smem:$0x3FB6] =	sst s7  }
0x10: {  	[smem:$0x3FB7] =	sst s8  }
0x11: {  	[smem:$0x3FB8] =	sst s9;
	s0 =	simm.s32 @!p0 $0x0  }
0x12: {  	s1 =	sld [smem:$0x3F9E];
	s0 =	simm.s32 @p0 $0x1  }
0x13: {  	[smem:$0x3FB9] =	sst s0;
	s0 =	simm.s32 @!p1 $0x0  }
0x14: {  	s2 =	sld [smem:$0x3F9D];
	s0 =	simm.s32 @p1 $0x1  }
0x15: {  	[smem:$0x3FBA] =	sst s0;
	s0 =	simm.s32 @!p2 $0x0  }
0x16: {  	s3 =	sld [smem:$0x3FDB];
	s0 =	simm.s32 @p2 $0x1  }
0x17: {  	s4 =	simm.s32 $0x1BF5;
	[smem:$0x3FBC] =	sst s0  }
0x18: {  	s0 =	sld [smem:$0x3F9F];
	_ =	swait.ge [sflag:s4], $0x0  }
0x19: {  	s7 =	sld [smem:$0x3FA0]  }
0x1a: {  	s8 =	sadd.s32 $0xFFFFE003, lr  }
0x1b: {  	s9 =	sadd.s32 $0xFFFFFEF7, lr;
	s5 =	simm.s32 $0xFFFFFFFF;
	p2 =	slt.u32 s8, $0xFFFFF086  }
0x1c: {  	p1 =	slt.u32 s9, $0xF7A;
	s5 =	simm.s32 @!p2 $0x0  }
0x1d: {  	s5 =	simm.s32 @p1 $0x1;
	p0 =	seq.s32 s7, s2  }
0x1e: {  	s7 =	smul.u32 @!p0 $0xF7A, s2;
	p2 =	seq.s32 @!p0 s5, $0x0  }
0x1f: {  	s9 =	smul.u32 $0xF7A, s1;
	s8 =	simm.s32 @!p0 $0x1BF5;
	p2 =	por !p2, p0  }
0x20: {  	[sflag:s8] =	ssyncset.s32 @!p0 $0xFFFFF086;
	s6 =	sadd.s32 @!p0 s3, s7;
	s7 =	simm.s32 @!p0 $0x108  }
0x21: {  	s3 =	sadd.s32 s3, s9;
	s6 =	sadd.s32 @!p0 $0x88, s6;
	s7 =	simm.s32 @p2 $0x1082  }
0x22: {  	[simem:s7], [sflag:s8] =	dma.local @!p0 [hbm:s6], $0xF7A  }
0x23: {  	s9 =	sor.u32 $0xD0000000, s2;
	s6 =	simm.s32 $0x108;
	_ =	swait.ge @!p0 [sflag:s8], $0x0  }
0x24: {  	s3 =	sadd.s32 $0x88, s3;
	s6 =	simm.s32 @!p1 $0x1082;
	[sflag:s4] =	ssyncset.s32 $0xFFFFF086  }
0x25: {  	[simem:s6], [sflag:s4] =	dma.local [hbm:s3], $0xF7A  }
0x26: {  	[smem:$0x3FA0] =	sst s1;
	(tag) =	ssettag s2;
	_ =	strace s9  }
0x27: {  	s1 =	sld [smem:$0x3FB0]  }
0x28: {  	s2 =	sld [smem:$0x3FB1]  }
0x29: {  	s4 =	sld [smem:$0x3FB3]  }
0x2a: {  	p0 =	seq.s32 s5, $0x0;
	s5 =	sld [smem:$0x3FB4]  }
0x2b: {  	s6 =	sld [smem:$0x3FB5]  }
0x2c: {  	s7 =	sld [smem:$0x3FB6]  }
0x2d: {  	s3 =	simm.s32 $0x108;
	s8 =	sld [smem:$0x3FB7]  }
0x2e: {  	s3 =	simm.s32 @!p0 $0x1082;
	s9 =	sld [smem:$0x3FB8]  }
0x2f: {  	lr =	sadd.s32 s0, s3;
	s0 =	sld [smem:$0x3FAF]  }
0x30: {  	s3 =	sld [smem:$0x3FB2]  }
0x31: {  	[smem:$0x3FBB] =	sst s10  }
0x32: {  	s10 =	sld [smem:$0x3FB9];
	_ =	sdelay $0x3  }
0x33: {  	p0 =	seq.s32 s10, $0x1;
	s10 =	sld [smem:$0x3FBB];
	_ =	sdelay $0x3  }
0x34: {  	[smem:$0x3FBB] =	sst s10  }
0x35: {  	s10 =	sld [smem:$0x3FBA];
	_ =	sdelay $0x3  }
0x36: {  	p1 =	seq.s32 s10, $0x1;
	s10 =	sld [smem:$0x3FBB];
	_ =	sdelay $0x3  }
0x37: {  	[smem:$0x3FBB] =	sst s10  }
0x38: {  	s10 =	sld [smem:$0x3FBC]  }
0x39: {  	_ = 	snop;
	(pc) =	sbr.ind lr, $3  }
0x3a: {  	_ = 	snop  }
0x3b: {  	_ = 	snop  }
0x3c: {  	p2 =	seq.s32 s10, $0x1;
	s10 =	sld [smem:$0x3FBB]  }
0x3d: {  	_ =	shalt  }
0x3e: {  	_ =	shalt  }
0x3f: {  	_ =	shalt  }
0x40: {  	_ =	shalt  }
0x41: {  	_ =	shalt  }
0x42: {  	_ =	shalt  }
0x43: {  	_ =	shalt  }
0x44: {  	_ =	shalt  }
0x45: {  	_ =	shalt  }
0x46: {  	_ =	shalt  }
0x47: {  	_ =	shalt  }
0x48: {  	_ =	shalt  }
0x49: {  	_ =	shalt  }
0x4a: {  	_ =	shalt  }
0x4b: {  	_ =	shalt  }
0x4c: {  	_ =	shalt  }
0x4d: {  	_ =	shalt  }
0x4e: {  	_ =	shalt  }
0x4f: {  	_ =	shalt  }
0x50: {  	_ =	shalt  }
0x51: {  	_ =	shalt  }
0x52: {  	_ =	shalt  }
0x53: {  	_ =	shalt  }
0x54: {  	_ =	shalt  }
0x55: {  	_ =	shalt  }
0x56: {  	_ =	shalt  }
0x57: {  	_ =	shalt  }
0x58: {  	_ =	shalt  }
0x59: {  	_ =	shalt  }
0x5a: {  	_ =	shalt  }
0x5b: {  	_ =	shalt  }
0x5c: {  	_ =	shalt  }
0x5d: {  	_ =	shalt  }
0x5e: {  	_ =	shalt  }
0x5f: {  	_ =	shalt  }
0x60: {  	_ =	shalt  }
0x61: {  	_ =	shalt  }
0x62: {  	_ =	shalt  }
0x63: {  	_ =	shalt  }
0x64: {  	_ =	shalt  }
0x65: {  	_ =	shalt  }
0x66: {  	_ =	shalt  }
0x67: {  	_ =	shalt  }
0x68: {  	_ =	shalt  }
0x69: {  	_ =	shalt  }
0x6a: {  	_ =	shalt  }
0x6b: {  	_ =	shalt  }
0x6c: {  	_ =	shalt  }
0x6d: {  	_ =	shalt  }
0x6e: {  	_ =	shalt  }
0x6f: {  	_ =	shalt  }
0x70: {  	_ =	shalt  }
0x71: {  	_ =	shalt  }
0x72: {  	_ =	shalt  }
0x73: {  	_ =	shalt  }
0x74: {  	_ =	shalt  }
0x75: {  	_ =	shalt  }
0x76: {  	_ =	shalt  }
0x77: {  	_ =	shalt  }
0x78: {  	_ =	shalt  }
0x79: {  	_ =	shalt  }
0x7a: {  	_ =	shalt  }
0x7b: {  	_ =	shalt  }
0x7c: {  	_ =	shalt  }
0x7d: {  	_ =	shalt  }
0x7e: {  	_ =	shalt  }
0x7f: {  	_ =	shalt  }
0x80: {  	_ =	shalt  }
0x81: {  	_ =	shalt  }
0x82: {  	_ =	shalt  }
0x83: {  	_ =	shalt  }
0x84: {  	_ =	shalt  }
0x85: {  	_ =	shalt  }
0x86: {  	_ =	shalt  }
0x87: {  	_ =	shalt  }
.Lfunc_end0:
.L_simem_size_0:
called_computation_lowered:
.L_overlay_start_0:
0x88: {  	s2 =	sld [smem:$0x3FD9]  }
0x89: {  	s3 =	sld [smem:$0x3FFE];
	_ =	sdelay $0x1  }
0x8a: {  	s1 =	srdreg.scid  }
0x8b: {  	s0 =	sand.u32 $0x1, s1  }
0x8c: {  	s17 =	sshll.u32 s0, $0xA;
	s2 =	sadd.s32 s3, s2  }
0x8d: {  	s2 =	sadd.s32 s2, s17  }
0x8e: {  	[smem:$0x3FC7] =	sst s2  }
0x8f: {  	_ = 	snop  }
0x90: {  	s2 =	sld [smem:$0x3FC9];
	(tm) =	ssettm $0x1  }
0x91: {  	s18 =	sld [smem:$0x3FFB];
	_ =	sdelay $0x3  }
0x92: {  	_ =	strace s18  }
0x93: {  	s3 =	sld [smem:$0x3FFC];
	_ =	sdelay $0x3  }
0x94: {  	_ =	strace s3  }
0x95: {  	s3 =	sld [smem:$0x3FFD];
	_ =	sdelay $0x3  }
0x96: {  	_ =	strace s3  }
0x97: {  	_ =	strace $0x8FFFFFFF  }
0x98: {  	s19 =	sld [smem:$0x3FDB];
	_ =	sdelay $0x1  }
0x99: {  	s4 =	simm.s32 $_scs_section_size  }
0x9a: {  	s5 =	simm.s32 $_size__tile_overlayer_lowered;
	s6 =	simm.s32 $_tile_overlayer_lowered  }
0x9b: {  	s22 =	simm.s32 $0x1BFF;
	s21 =	sshll.u32 s6, $0x1;
	s3 =	sadd.s32 s4, s19  }
0x9c: {  	s7 =	simm.s32 $0x0;
	s20 =	sshll.u32 s5, $0x1;
	s5 =	sadd.s32 s21, s3  }
0x9d: {  	[timem:s7], [sflag:s22] =	dma.local [hbm:s5], s20  }
0x9e: {  	_ =	swait.ge [sflag:s22], s20  }
0x9f: {  	s4 =	ssub.s32 $0x0, s20;
	[sflag:s22] =	ssyncset.done $0x0  }
0xa0: {  	[sflag:s22] =	ssyncadd.s32 s4;
	_ =	sdelay $0x1  }
0xa1: {  	s23 =	simm.s32 $0x1B8B  }
0xa2: {  	_ =	swait.ge [sflag:s23], $0x1  }
0xa3: {  	[sflag:s23] =	ssyncset.done $0x0  }
0xa4: {  	s25 =	simm.s32 $0x1B8E;
	s24 =	sld [smem:$0x3FFE];
	[sflag:s23] =	ssyncadd.s32 $0xFFFFFFFF  }
0xa5: {  	s26 =	simm.s32 $execute0_lowered;
	[smem:$0x3FD2] =	sst s25  }
0xa6: {  	s5 =	sshll.u32 s26, $0x1;
	_ =	strace $0x80000046;
	[dreg:$0x1] =	wrdreg $0xFFFFFFFF  }
0xa7: {  	s28 =	simm.s32 $_size_execute0_lowered;
	s3 =	sadd.s32 s3, s5;
	[dreg:$0x0] =	wrdreg $0x0  }
0xa8: {  	s5 =	sshll.u32 s28, $0x1;
	[dreg:$0x2] =	wrdreg s3  }
0xa9: {  	[dreg:$0x3] =	wrdreg s5  }
0xaa: {  	[dreg:$0x4] =	wrdreg $0xC0  }
0xab: {  	_ =	task [dreg:s7], $0x5FFFF  }
0xac: {  	[dreg:$0x1] =	wrdreg $0xFFFFFFFF  }
0xad: {  	[dreg:$0x0] =	wrdreg $0x60  }
0xae: {  	[dreg:$0x2] =	wrdreg s2  }
0xaf: {  	[dreg:$0x3] =	wrdreg s24  }
0xb0: {  	[dreg:$0x4] =	wrdreg $0x9  }
0xb1: {  	_ =	task.clear_ibuf [dreg:s7], $0x5FFFF;
	_ =	strace $0x90000046  }
0xb2: {  	s29 =	simm.s32 $0x9;
	_ =	strace $0x80000048  }
0xb3: {  	_ =	swait.ge [sflag:s29], $0x1  }
0xb4: {  	[sflag:s29] =	ssyncadd.s32 $0xFFFFFFFF  }
0xb5: {  	_ =	strace $0x90000048  }
0xb6: {  	_ =	sfence  }
0xb7: {  	s30 =	sld [smem:$0x0];
	_ =	sdelay $0x2  }
0xb8: {  	s31 =	sshll.u32 s1, $0xD;
	s1 =	sshrl.u32 s1, $0x2  }
0xb9: {  	s3 =	sand.u32 $0x4000, s31;
	s1 =	sadd.s32 s1, s30  }
0xba: {  	s0 =	sor.u32 s3, s0;
	s1 =	sshll.u32 s1, $0x11  }
0xbb: {  	s0 =	sor.u32 s1, s0  }
0xbc: {  	s0 =	sadd.s32 $0x8F2B, s0  }
0xbd: {  	[sflag:s0] =	ssyncadd.remote.s32 $0x1  }
0xbe: {  	_ =	sfence.sel $0xFFFF  }
0xbf: {  	[dreg:$0x0] =	wrdreg $0xFFFFFFFF;
	(pc) =	sbr.abs _section_cstart, $3  }
0xc0: {  	[dreg:$0x1] =	wrdreg $0xFFFFFFFF  }
0xc1: {  	_ =	task.clear_ibuf [dreg:s7], $0x2FFFF;
	_ =	strace $0x9FFFFFFF  }
0xc2: {  	(tm) =	ssettm $0x7FFFFFFF  }
0xc3: {  	_ =	shalt  }
tec
execute0_lowered:
.L_overlay_start_1:
0x0: {  	(tag) =	ssettag $0x1  }
0x1: {  	s0 =	rddreg [dreg:$0x0]  }
0x2: {  	s1 =	rddreg [dreg:$0x1]  }
0x3: {  	s2 =	simm.s32 $0x0;
	s3 =	srdreg.scid;
	s4 =	stileid.u32  }
0x4: {  	s21 =	simm.s32 $0x10;
	s22 =	simm.s32 $0x80;
	s23 =	simm.s32 $0x2000  }
0x5: {  	s24 =	simm.s32 $0x4000;
	s25 =	simm.s32 $0x6000;
	s26 =	simm.s32 $0x1  }
0x6: {  	s28 =	simm.s32 $0x2;
	s29 =	simm.s32 $0x3;
	s30 =	simm.s32 $0x4  }
0x7: {  	[smem:$0x7FF] =	sst s2;
	s3 =	sand.u32 $0x1, s3;
	s4 =	sshll.u32 s4, $0x1  }
0x8: {  	_ =	strace $0x80000047;
	s4 =	sor.u32 s3, s4;
	s3 =	ssub.s32 $0x2, s3  }
0x9: {  	s5 =	sshll.u32 s4, $0x4;
	s6 =	sshrl.u32 s3, $0x1;
	s4 =	sshll.u32 s4, $0x11  }
0xa: {  	s1 =	sadd.s32 s5, s1;
	s20 =	ssub.s32 s3, s6;
	s0 =	sadd.s32 s4, s0  }
0xb: {  	v1 =	vimm.s32 $0xF0A0500;
	s31 =	sadd.s32 $0x4, s0;
	s4 =	sadd.s32 $0x2004, s0;
	s5 =	sadd.s32 $0x4004, s0  }
0xc: {  	v2 =	vimm.s32 $0x1F1E1914;
	s6 =	sadd.s32 $0x6004, s0;
	s7 =	sadd.s32 $0x8004, s0;
	s8 =	sadd.s32 $0xA004, s0  }
0xd: {  	v0 =	vlaneseq.u32;
	vm0 =	vcmask $0xF00;
	vm14 =	vcmask $0x1F10;
	s9 =	sadd.s32 $0xC004, s0;
	s10 =	sadd.s32 $0xE004, s0;
	s11 =	sadd.s32 $0x10004, s0  }
0xe: {  	v6 =	vimm.f32 $0.0e+00;
	vm15 =	vcmask $0x1700;
	v3 =	vunpack.c.0.s8.s32 v1;
	s12 =	sadd.s32 $0x12004, s0;
	s13 =	sadd.s32 $0x14004, s0;
	s14 =	sadd.s32 $0x16004, s0  }
0xf: {  	v5 =	vimm.s32 $0x3;
	v0 =	vmul.u32 $0x10, v0;
	v4 =	vunpack.c.0.s8.s32 v2;
	s15 =	sadd.s32 $0x18004, s0;
	s16 =	sadd.s32 $0x1A004, s0;
	s17 =	sadd.s32 $0x1C004, s0  }
0x10: {  	v1 =	vimm.s32 $0x4;
	v2 =	vimm.s32 $0x1;
	v3 =	vnsel vm0, $0x1F, v3;
	s18 =	sadd.s32 $0x1E004, s0;
	s19 =	sadd.s32 $0x600, s1;
	s20 =	smax.u32 s20, $0x1  }
0x11: {  	v6 =	vsel vm15, $0x3F800000, v6;
	v3 =	vsel vm14, v4, v3;
	v4 =	vimm.s32 $0x2;
	s0 =	simm.s32 $0x5;
	s1 =	simm.s32 $0x0;
	[dreg:$0x3] =	wrdreg s31  }
.LBB2_1:
0x12: {  	s3 =	rddreg [dreg:$0x3]  }
0x13: {  	[tilespmem:s2], [sflag:$0x1] =	stream.strided.gather [hbm4b:s3+s21], $0x2000, s22, s21, $0x38;
	[tilespmem:$0x8010] =	vst v63  }
0x14: {  	_ = 	snop  }
0x15: {  	[tilespmem:s23], [sflag:$0x2] =	stream.strided.gather [hbm4b:s4+s21], $0x2000, s22, s21, $0x38;
	[tilespmem:$0x8010] =	vst v63  }
0x16: {  	v7 =	vmov s2  }
0x17: {  	v7 =	vshll.u32 v7, $0x4;
	[tilespmem:s24], [sflag:$0x3] =	stream.strided.gather [hbm4b:s5+s21], $0x2000, s22, s21, $0x38;
	[tilespmem:$0x8010] =	vst v63  }
0x18: {  	v7 =	vor.u32 v0, v7  }
0x19: {  	v8 =	vor.u32 $0x1, v7;
	[tilespmem:s25], [sflag:$0x4] =	stream.strided.gather [hbm4b:s6+s21], $0x2000, s22, s21, $0x38;
	[tilespmem:$0x8010] =	vst v63  }
0x1a: {  	v9 =	vor.u32 $0x3, v7;
	_ =	swait.ge [sflag:s26], $0x2000  }
0x1b: {  	v10 =	vor.u32 $0x2, v7;
	[sflag:s26] =	ssyncset.done $0x0  }
0x1c: {  	[sflag:s26] =	ssyncadd.s32 $0xFFFFE000  }
0x1d: {  	v11 =	vld.idx.msk [tilespmem:v7+s2+$0x0], $0xffff  }
0x1e: {  	s31 =	simm.s32 $0x10;
	v8 =	vld.idx.msk [tilespmem:v8+s2+$0x0], $0xffff  }
0x1f: {  	v12 =	vmov s31;
	v9 =	vld.idx.msk [tilespmem:v9+s2+$0x0], $0xffff  }
0x20: {  	v14 =	vld.idx.msk [tilespmem:v10+s2+$0x0], $0xffff;
	v10 =	vshll.u32 v12, $0x4  }
0x21: {  	v10 =	vor.u32 v0, v10  }
0x22: {  	v7 =	vimm.s32 $0x0;
	v15 =	vor.u32 $0x1, v10;
	v16 =	vor.u32 $0x2, v10  }
0x23: {  	v17 =	vor.u32 $0x3, v10;
	vm0 =	vgt.f32 v11, $1.150000000e+02;
	v12 =	vsub.f32 v8, v11  }
0x24: {  	vm1 =	vgt.f32 v8, v11;
	vm2 =	vlt.f32 v11, $3.500000000e+01;
	vm3 =	vlt.f32 v8, v11  }
0x25: {  	vm6 =	vgt.f32 v9, v14;
	v19 =	vsub.f32 v9, v14;
	v8 =	vsel vm1, $0x4, v5  }
0x26: {  	v11 =	vsel vm1, $0x3, v1;
	vm1 =	vmand vm2, vm1;
	v18 =	vand.u32 $0x7FFFFFFF, v12  }
0x27: {  	vm0 =	vmand vm0, vm3;
	v10 =	vld.idx.msk [tilespmem:v10+s2+$0x0], $0xffff;
	v13 =	vsel vm6, $0x5, v4;
	vm4 =	vlt.f32 v18, $2.300000000e+01  }
0x28: {  	vm3 =	vlt.f32 v14, $5.000000000e+01;
	v9 =	vld.idx.msk [tilespmem:v17+s2+$0x0], $0xffff;
	vm5 =	vgt.f32 v18, $2.700000000e+01;
	v8 =	vnsel vm4, $0x1, v8  }
0x29: {  	vm0 =	vmor vm1, vm0;
	v17 =	vand.u32 $0x7FFFFFFF, v19;
	v12 =	vsel vm5, v11, v8;
	v11 =	vld.idx.msk [tilespmem:v15+s2+$0x0], $0xffff  }
0x2a: {  	v14 =	vsel vm1, $0x3, v1;
	vm2 =	vlt.f32 v18, $3.500000000e+01;
	vm1 =	vgt.f32 v17, $4.000000000e+00  }
0x2b: {  	s31 =	simm.s32 $0x20;
	vm0 =	vmand vm0, vm2;
	vm2 =	vle.f32 v17, $1.500000000e+01;
	v8 =	vld.idx.msk [tilespmem:v16+s2+$0x0], $0xffff;
	v15 =	vsel vm3, $0x5, v4  }
.LBB2_2:
0x2c: {  	p0 =	sne.s32 s31, $0x1F0;
	v12 =	vsel vm1, v13, v12;
	v13 =	vsel vm2, v15, v14;
	s3 =	smov.u32 s31;
	s31 =	sadd.s32 $0x10, s31  }
0x2d: {  	vm1 =	vgt.f32 v10, $1.150000000e+02;
	v14 =	vmov s3;
	v12 =	vsel vm0, v13, v12  }
0x2e: {  	v13 =	vshll.u32 v14, $0x4;
	v14 =	vsub.f32 v11, v10;
	v12 =	vmul.u32 $0x5, v12  }
0x2f: {  	vm2 =	vlt.f32 v10, $3.500000000e+01;
	vm0 =	vgt.f32 v11, v10;
	v13 =	vor.u32 v0, v13  }
0x30: {  	v15 =	vor.u32 $0x1, v13;
	v16 =	vor.u32 $0x2, v13;
	v12 =	vshll.u32 v2, v12  }
0x31: {  	vm3 =	vlt.f32 v11, v10;
	v17 =	vor.u32 $0x3, v13;
	v14 =	vand.u32 $0x7FFFFFFF, v14  }
0x32: {  	vm4 =	vlt.f32 v14, $2.300000000e+01;
	vm5 =	vgt.f32 v14, $2.700000000e+01;
	v7 =	vor.u32 v7, v12  }
0x33: {  	v11 =	vsel vm0, $0x4, v5;
	vm6 =	vgt.f32 v9, v8;
	v12 =	vsel vm0, $0x3, v1  }
.Ltmp0:
0x34: {  	vm2 =	vmand vm2, vm0;
	vm0 =	vmand vm1, vm3;
	v10 =	vld.idx.msk [tilespmem:v13+s2+$0x0], $0xffff;
	v13 =	vnsel vm4, $0x1, v11;
	(pc) =	sbr.rel @p0 .LBB2_2-.Ltmp0, $4  }
0x35: {  	v11 =	vld.idx.msk [tilespmem:v15+s2+$0x0], $0xffff;
	v15 =	vsub.f32 v9, v8;
	v12 =	vsel vm5, v12, v13;
	v13 =	vsel vm6, $0x5, v4  }
0x36: {  	vm1 =	vlt.f32 v14, $3.500000000e+01;
	vm3 =	vlt.f32 v8, $5.000000000e+01;
	vm0 =	vmor vm2, vm0;
	v9 =	vld.idx.msk [tilespmem:v17+s2+$0x0], $0xffff  }
0x37: {  	v14 =	vsel vm2, $0x3, v1;
	vm0 =	vmand vm0, vm1;
	v8 =	vld.idx.msk [tilespmem:v16+s2+$0x0], $0xffff;
	v16 =	vand.u32 $0x7FFFFFFF, v15  }
0x38: {  	v15 =	vsel vm3, $0x5, v4;
	vm1 =	vgt.f32 v16, $4.000000000e+00;
	vm2 =	vle.f32 v16, $1.500000000e+01  }
0x39: {  	v12 =	vsel vm1, v13, v12  }
0x3a: {  	v13 =	vsel vm2, v15, v14;
	vm1 =	vgt.f32 v10, $1.150000000e+02;
	vm2 =	vlt.f32 v10, $3.500000000e+01  }
0x3b: {  	s3 =	simm.s32 $0x0;
	v16 =	vsub.f32 v11, v10;
	v12 =	vsel vm0, v13, v12;
	vm0 =	vgt.f32 v11, v10  }
0x3c: {  	vm3 =	vlt.f32 v11, v10;
	v14 =	vmov s3;
	v10 =	vsel vm0, $0x4, v5  }
0x3d: {  	v11 =	vsel vm0, $0x3, v1;
	vm0 =	vmand vm2, vm0;
	vm1 =	vmand vm1, vm3  }
0x3e: {  	v14 =	vshll.u32 v14, $0x4;
	v13 =	vand.u32 $0x7FFFFFFF, v16;
	vm6 =	vgt.f32 v9, v8  }
0x3f: {  	v9 =	vsub.f32 v9, v8;
	vm1 =	vmor vm0, vm1;
	vm3 =	vlt.f32 v8, $5.000000000e+01  }
0x40: {  	vm4 =	vlt.f32 v13, $2.300000000e+01;
	vm5 =	vgt.f32 v13, $2.700000000e+01;
	vm2 =	vlt.f32 v13, $3.500000000e+01  }
0x41: {  	v13 =	vsel vm3, $0x5, v4;
	v10 =	vnsel vm4, $0x1, v10;
	v8 =	vand.u32 $0x7FFFFFFF, v9  }
0x42: {  	vm1 =	vmand vm1, vm2;
	v10 =	vsel vm5, v11, v10;
	v11 =	vor.u32 v0, v14  }
0x43: {  	[tilespmem:s3], [sflag:$0x1] =	stream.strided.gather [hbm4b:s7+s21], $0x2000, s22, s21, $0x38;
	v9 =	vsel vm0, $0x3, v1;
	v14 =	vsel vm6, $0x5, v4;
	v15 =	vor.u32 $0x1, v11;
	[tilespmem:$0x8010] =	vst v63  }
0x44: {  	_ =	swait.ge [sflag:s28], $0x2000;
	vm0 =	vgt.f32 v8, $4.000000000e+00;
	vm2 =	vle.f32 v8, $1.500000000e+01;
	v8 =	vor.u32 $0x3, v11  }
0x45: {  	[sflag:s28] =	ssyncset.done $0x0;
	v10 =	vsel vm0, v14, v10;
	v9 =	vsel vm2, v13, v9;
	v13 =	vor.u32 $0x2, v11  }
0x46: {  	v12 =	vmul.u32 $0x5, v12;
	[sflag:s28] =	ssyncadd.s32 $0xFFFFE000;
	v9 =	vsel vm1, v9, v10  }
0x47: {  	v9 =	vmul.u32 $0x5, v9;
	v11 =	vld.idx.msk [tilespmem:v11+s23+$0x0], $0xffff  }
0x48: {  	s3 =	simm.s32 $0x10;
	v12 =	vshll.u32 v2, v12;
	v10 =	vld.idx.msk [tilespmem:v15+s23+$0x0], $0xffff  }
0x49: {  	v7 =	vor.u32 v7, v12;
	v12 =	vmov s3;
	v9 =	vshll.u32 v2, v9;
	v8 =	vld.idx.msk [tilespmem:v8+s23+$0x0], $0xffff  }
0x4a: {  	v12 =	vshll.u32 v12, $0x4;
	v7 =	vor.u32 v7, v9;
	v9 =	vld.idx.msk [tilespmem:v13+s23+$0x0], $0xffff  }
0x4b: {  	v12 =	vor.u32 v0, v12  }
0x4c: {  	v14 =	vor.u32 $0x1, v12;
	v16 =	vor.u32 $0x3, v12  }
0x4d: {  	v15 =	vor.u32 $0x2, v12;
	vm0 =	vgt.f32 v11, $1.150000000e+02;
	vm2 =	vlt.f32 v11, $3.500000000e+01  }
0x4e: {  	v13 =	vsub.f32 v10, v11;
	vm1 =	vgt.f32 v10, v11;
	vm3 =	vlt.f32 v10, v11  }
0x4f: {  	vm15 =	vgt.f32 v8, v9;
	v8 =	vsub.f32 v8, v9;
	v10 =	vsel vm1, $0x4, v5  }
0x50: {  	v11 =	vsel vm1, $0x3, v1;
	vm1 =	vmand vm2, vm1;
	v17 =	vand.u32 $0x7FFFFFFF, v13  }
0x51: {  	vm0 =	vmand vm0, vm3;
	vm3 =	vlt.f32 v9, $5.000000000e+01;
	v9 =	vld.idx.msk [tilespmem:v16+s23+$0x0], $0xffff;
	vm13 =	vlt.f32 v17, $2.300000000e+01  }
0x52: {  	vm0 =	vmor vm1, vm0;
	vm14 =	vgt.f32 v17, $2.700000000e+01;
	v13 =	vnsel vm13, $0x1, v10;
	v10 =	vld.idx.msk [tilespmem:v12+s23+$0x0], $0xffff  }
0x53: {  	v16 =	vand.u32 $0x7FFFFFFF, v8;
	vm2 =	vlt.f32 v17, $3.500000000e+01;
	v12 =	vsel vm14, v11, v13;
	v11 =	vld.idx.msk [tilespmem:v14+s23+$0x0], $0xffff  }
0x54: {  	v8 =	vld.idx.msk [tilespmem:v15+s23+$0x0], $0xffff;
	v15 =	vsel vm3, $0x5, v4;
	vm0 =	vmand vm0, vm2;
	vm2 =	vle.f32 v16, $1.500000000e+01  }
0x55: {  	s31 =	simm.s32 $0x20;
	v13 =	vsel vm15, $0x5, v4;
	v14 =	vsel vm1, $0x3, v1;
	vm1 =	vgt.f32 v16, $4.000000000e+00  }
.LBB2_4:
0x56: {  	p0 =	sne.s32 s31, $0x1F0;
	v12 =	vsel vm1, v13, v12;
	v13 =	vsel vm2, v15, v14;
	s3 =	smov.u32 s31;
	s31 =	sadd.s32 $0x10, s31  }
0x57: {  	vm1 =	vgt.f32 v10, $1.150000000e+02;
	v14 =	vmov s3;
	v12 =	vsel vm0, v13, v12  }
0x58: {  	v13 =	vshll.u32 v14, $0x4;
	v14 =	vsub.f32 v11, v10;
	v12 =	vmul.u32 $0x5, v12  }
0x59: {  	vm2 =	vlt.f32 v10, $3.500000000e+01;
	vm0 =	vgt.f32 v11, v10;
	v13 =	vor.u32 v0, v13  }
0x5a: {  	v15 =	vor.u32 $0x1, v13;
	v16 =	vor.u32 $0x2, v13;
	v12 =	vshll.u32 v2, v12  }
0x5b: {  	vm3 =	vlt.f32 v11, v10;
	v17 =	vor.u32 $0x3, v13;
	v14 =	vand.u32 $0x7FFFFFFF, v14  }
0x5c: {  	vm4 =	vlt.f32 v14, $2.300000000e+01;
	vm5 =	vgt.f32 v14, $2.700000000e+01;
	v7 =	vor.u32 v7, v12  }
0x5d: {  	v11 =	vsel vm0, $0x4, v5;
	vm6 =	vgt.f32 v9, v8;
	v12 =	vsel vm0, $0x3, v1  }
.Ltmp1:
0x5e: {  	vm2 =	vmand vm2, vm0;
	vm0 =	vmand vm1, vm3;
	v10 =	vld.idx.msk [tilespmem:v13+s23+$0x0], $0xffff;
	v13 =	vnsel vm4, $0x1, v11;
	(pc) =	sbr.rel @p0 .LBB2_4-.Ltmp1, $4  }
0x5f: {  	v11 =	vld.idx.msk [tilespmem:v15+s23+$0x0], $0xffff;
	v15 =	vsub.f32 v9, v8;
	v12 =	vsel vm5, v12, v13;
	v13 =	vsel vm6, $0x5, v4  }
0x60: {  	vm1 =	vlt.f32 v14, $3.500000000e+01;
	vm3 =	vlt.f32 v8, $5.000000000e+01;
	vm0 =	vmor vm2, vm0;
	v9 =	vld.idx.msk [tilespmem:v17+s23+$0x0], $0xffff  }
0x61: {  	v14 =	vsel vm2, $0x3, v1;
	vm0 =	vmand vm0, vm1;
	v8 =	vld.idx.msk [tilespmem:v16+s23+$0x0], $0xffff;
	v16 =	vand.u32 $0x7FFFFFFF, v15  }
0x62: {  	v15 =	vsel vm3, $0x5, v4;
	vm1 =	vgt.f32 v16, $4.000000000e+00;
	vm2 =	vle.f32 v16, $1.500000000e+01  }
0x63: {  	v12 =	vsel vm1, v13, v12  }
0x64: {  	v13 =	vsel vm2, v15, v14;
	vm1 =	vgt.f32 v10, $1.150000000e+02;
	vm2 =	vlt.f32 v10, $3.500000000e+01  }
0x65: {  	s3 =	simm.s32 $0x0;
	v16 =	vsub.f32 v11, v10;
	v12 =	vsel vm0, v13, v12;
	vm0 =	vgt.f32 v11, v10  }
0x66: {  	vm3 =	vlt.f32 v11, v10;
	v14 =	vmov s3;
	v10 =	vsel vm0, $0x4, v5  }
0x67: {  	v11 =	vsel vm0, $0x3, v1;
	vm0 =	vmand vm2, vm0;
	vm1 =	vmand vm1, vm3  }
0x68: {  	v14 =	vshll.u32 v14, $0x4;
	v13 =	vand.u32 $0x7FFFFFFF, v16;
	vm6 =	vgt.f32 v9, v8  }
0x69: {  	v9 =	vsub.f32 v9, v8;
	vm1 =	vmor vm0, vm1;
	vm3 =	vlt.f32 v8, $5.000000000e+01  }
0x6a: {  	vm4 =	vlt.f32 v13, $2.300000000e+01;
	vm5 =	vgt.f32 v13, $2.700000000e+01;
	vm2 =	vlt.f32 v13, $3.500000000e+01  }
0x6b: {  	v13 =	vsel vm3, $0x5, v4;
	v10 =	vnsel vm4, $0x1, v10;
	v8 =	vand.u32 $0x7FFFFFFF, v9  }
0x6c: {  	vm1 =	vmand vm1, vm2;
	v10 =	vsel vm5, v11, v10;
	v11 =	vor.u32 v0, v14  }
0x6d: {  	[tilespmem:s23], [sflag:$0x2] =	stream.strided.gather [hbm4b:s8+s21], $0x2000, s22, s21, $0x38;
	v9 =	vsel vm0, $0x3, v1;
	v14 =	vsel vm6, $0x5, v4;
	v15 =	vor.u32 $0x1, v11;
	[tilespmem:$0x8010] =	vst v63  }
0x6e: {  	_ =	swait.ge [sflag:s29], $0x2000;
	vm0 =	vgt.f32 v8, $4.000000000e+00;
	vm2 =	vle.f32 v8, $1.500000000e+01;
	v8 =	vor.u32 $0x3, v11  }
0x6f: {  	[sflag:s29] =	ssyncset.done $0x0;
	v10 =	vsel vm0, v14, v10;
	v9 =	vsel vm2, v13, v9;
	v13 =	vor.u32 $0x2, v11  }
0x70: {  	v12 =	vmul.u32 $0x5, v12;
	[sflag:s29] =	ssyncadd.s32 $0xFFFFE000;
	v9 =	vsel vm1, v9, v10  }
0x71: {  	v9 =	vmul.u32 $0x5, v9;
	v11 =	vld.idx.msk [tilespmem:v11+s24+$0x0], $0xffff  }
0x72: {  	s3 =	simm.s32 $0x10;
	v12 =	vshll.u32 v2, v12;
	v10 =	vld.idx.msk [tilespmem:v15+s24+$0x0], $0xffff  }
0x73: {  	v7 =	vor.u32 v7, v12;
	v12 =	vmov s3;
	v9 =	vshll.u32 v2, v9;
	v8 =	vld.idx.msk [tilespmem:v8+s24+$0x0], $0xffff  }
0x74: {  	v12 =	vshll.u32 v12, $0x4;
	v7 =	vor.u32 v7, v9;
	v9 =	vld.idx.msk [tilespmem:v13+s24+$0x0], $0xffff  }
0x75: {  	v12 =	vor.u32 v0, v12  }
0x76: {  	v14 =	vor.u32 $0x1, v12;
	v16 =	vor.u32 $0x3, v12  }
0x77: {  	v15 =	vor.u32 $0x2, v12;
	vm0 =	vgt.f32 v11, $1.150000000e+02;
	vm2 =	vlt.f32 v11, $3.500000000e+01  }
0x78: {  	v13 =	vsub.f32 v10, v11;
	vm1 =	vgt.f32 v10, v11;
	vm3 =	vlt.f32 v10, v11  }
0x79: {  	vm15 =	vgt.f32 v8, v9;
	v8 =	vsub.f32 v8, v9;
	v10 =	vsel vm1, $0x4, v5  }
0x7a: {  	v11 =	vsel vm1, $0x3, v1;
	vm1 =	vmand vm2, vm1;
	v17 =	vand.u32 $0x7FFFFFFF, v13  }
0x7b: {  	vm0 =	vmand vm0, vm3;
	vm3 =	vlt.f32 v9, $5.000000000e+01;
	v9 =	vld.idx.msk [tilespmem:v16+s24+$0x0], $0xffff;
	vm13 =	vlt.f32 v17, $2.300000000e+01  }
0x7c: {  	vm0 =	vmor vm1, vm0;
	vm14 =	vgt.f32 v17, $2.700000000e+01;
	v13 =	vnsel vm13, $0x1, v10;
	v10 =	vld.idx.msk [tilespmem:v12+s24+$0x0], $0xffff  }
0x7d: {  	v16 =	vand.u32 $0x7FFFFFFF, v8;
	vm2 =	vlt.f32 v17, $3.500000000e+01;
	v12 =	vsel vm14, v11, v13;
	v11 =	vld.idx.msk [tilespmem:v14+s24+$0x0], $0xffff  }
0x7e: {  	v8 =	vld.idx.msk [tilespmem:v15+s24+$0x0], $0xffff;
	v15 =	vsel vm3, $0x5, v4;
	vm0 =	vmand vm0, vm2;
	vm2 =	vle.f32 v16, $1.500000000e+01  }
0x7f: {  	s31 =	simm.s32 $0x20;
	v13 =	vsel vm15, $0x5, v4;
	v14 =	vsel vm1, $0x3, v1;
	vm1 =	vgt.f32 v16, $4.000000000e+00  }
.LBB2_6:
0x80: {  	p0 =	sne.s32 s31, $0x1F0;
	v12 =	vsel vm1, v13, v12;
	v13 =	vsel vm2, v15, v14;
	s3 =	smov.u32 s31;
	s31 =	sadd.s32 $0x10, s31  }
0x81: {  	vm1 =	vgt.f32 v10, $1.150000000e+02;
	v14 =	vmov s3;
	v12 =	vsel vm0, v13, v12  }
0x82: {  	v13 =	vshll.u32 v14, $0x4;
	v14 =	vsub.f32 v11, v10;
	v12 =	vmul.u32 $0x5, v12  }
0x83: {  	vm2 =	vlt.f32 v10, $3.500000000e+01;
	vm0 =	vgt.f32 v11, v10;
	v13 =	vor.u32 v0, v13  }
0x84: {  	v15 =	vor.u32 $0x1, v13;
	v16 =	vor.u32 $0x2, v13;
	v12 =	vshll.u32 v2, v12  }
0x85: {  	vm3 =	vlt.f32 v11, v10;
	v17 =	vor.u32 $0x3, v13;
	v14 =	vand.u32 $0x7FFFFFFF, v14  }
0x86: {  	vm4 =	vlt.f32 v14, $2.300000000e+01;
	vm5 =	vgt.f32 v14, $2.700000000e+01;
	v7 =	vor.u32 v7, v12  }
0x87: {  	v11 =	vsel vm0, $0x4, v5;
	vm6 =	vgt.f32 v9, v8;
	v12 =	vsel vm0, $0x3, v1  }
.Ltmp2:
0x88: {  	vm2 =	vmand vm2, vm0;
	vm0 =	vmand vm1, vm3;
	v10 =	vld.idx.msk [tilespmem:v13+s24+$0x0], $0xffff;
	v13 =	vnsel vm4, $0x1, v11;
	(pc) =	sbr.rel @p0 .LBB2_6-.Ltmp2, $4  }
0x89: {  	v11 =	vld.idx.msk [tilespmem:v15+s24+$0x0], $0xffff;
	v15 =	vsub.f32 v9, v8;
	v12 =	vsel vm5, v12, v13;
	v13 =	vsel vm6, $0x5, v4  }
0x8a: {  	vm1 =	vlt.f32 v14, $3.500000000e+01;
	vm3 =	vlt.f32 v8, $5.000000000e+01;
	vm0 =	vmor vm2, vm0;
	v9 =	vld.idx.msk [tilespmem:v17+s24+$0x0], $0xffff  }
0x8b: {  	v14 =	vsel vm2, $0x3, v1;
	vm0 =	vmand vm0, vm1;
	v8 =	vld.idx.msk [tilespmem:v16+s24+$0x0], $0xffff;
	v16 =	vand.u32 $0x7FFFFFFF, v15  }
0x8c: {  	v15 =	vsel vm3, $0x5, v4;
	vm1 =	vgt.f32 v16, $4.000000000e+00;
	vm2 =	vle.f32 v16, $1.500000000e+01  }
0x8d: {  	v12 =	vsel vm1, v13, v12  }
0x8e: {  	v13 =	vsel vm2, v15, v14;
	vm1 =	vgt.f32 v10, $1.150000000e+02;
	vm2 =	vlt.f32 v10, $3.500000000e+01  }
0x8f: {  	s3 =	simm.s32 $0x0;
	v16 =	vsub.f32 v11, v10;
	v12 =	vsel vm0, v13, v12;
	vm0 =	vgt.f32 v11, v10  }
0x90: {  	vm3 =	vlt.f32 v11, v10;
	v14 =	vmov s3;
	v10 =	vsel vm0, $0x4, v5  }
0x91: {  	v11 =	vsel vm0, $0x3, v1;
	vm0 =	vmand vm2, vm0;
	vm1 =	vmand vm1, vm3  }
0x92: {  	v14 =	vshll.u32 v14, $0x4;
	v13 =	vand.u32 $0x7FFFFFFF, v16;
	vm6 =	vgt.f32 v9, v8  }
0x93: {  	v9 =	vsub.f32 v9, v8;
	vm1 =	vmor vm0, vm1;
	vm3 =	vlt.f32 v8, $5.000000000e+01  }
0x94: {  	vm4 =	vlt.f32 v13, $2.300000000e+01;
	vm5 =	vgt.f32 v13, $2.700000000e+01;
	vm2 =	vlt.f32 v13, $3.500000000e+01  }
0x95: {  	v13 =	vsel vm3, $0x5, v4;
	v10 =	vnsel vm4, $0x1, v10;
	v8 =	vand.u32 $0x7FFFFFFF, v9  }
0x96: {  	vm1 =	vmand vm1, vm2;
	v10 =	vsel vm5, v11, v10;
	v11 =	vor.u32 v0, v14  }
0x97: {  	[tilespmem:s24], [sflag:$0x3] =	stream.strided.gather [hbm4b:s9+s21], $0x2000, s22, s21, $0x38;
	v9 =	vsel vm0, $0x3, v1;
	v14 =	vsel vm6, $0x5, v4;
	v15 =	vor.u32 $0x1, v11;
	[tilespmem:$0x8010] =	vst v63  }
0x98: {  	_ =	swait.ge [sflag:s30], $0x2000;
	vm0 =	vgt.f32 v8, $4.000000000e+00;
	vm2 =	vle.f32 v8, $1.500000000e+01;
	v8 =	vor.u32 $0x3, v11  }
0x99: {  	[sflag:s30] =	ssyncset.done $0x0;
	v10 =	vsel vm0, v14, v10;
	v9 =	vsel vm2, v13, v9;
	v13 =	vor.u32 $0x2, v11  }
0x9a: {  	v12 =	vmul.u32 $0x5, v12;
	[sflag:s30] =	ssyncadd.s32 $0xFFFFE000;
	v9 =	vsel vm1, v9, v10  }
0x9b: {  	v9 =	vmul.u32 $0x5, v9;
	v11 =	vld.idx.msk [tilespmem:v11+s25+$0x0], $0xffff  }
0x9c: {  	s3 =	simm.s32 $0x10;
	v12 =	vshll.u32 v2, v12;
	v10 =	vld.idx.msk [tilespmem:v15+s25+$0x0], $0xffff  }
0x9d: {  	v7 =	vor.u32 v7, v12;
	v12 =	vmov s3;
	v9 =	vshll.u32 v2, v9;
	v8 =	vld.idx.msk [tilespmem:v8+s25+$0x0], $0xffff  }
0x9e: {  	v12 =	vshll.u32 v12, $0x4;
	v7 =	vor.u32 v7, v9;
	v9 =	vld.idx.msk [tilespmem:v13+s25+$0x0], $0xffff  }
0x9f: {  	v12 =	vor.u32 v0, v12  }
0xa0: {  	v14 =	vor.u32 $0x1, v12;
	v16 =	vor.u32 $0x3, v12  }
0xa1: {  	v15 =	vor.u32 $0x2, v12;
	vm0 =	vgt.f32 v11, $1.150000000e+02;
	vm2 =	vlt.f32 v11, $3.500000000e+01  }
0xa2: {  	v13 =	vsub.f32 v10, v11;
	vm1 =	vgt.f32 v10, v11;
	vm3 =	vlt.f32 v10, v11  }
0xa3: {  	vm15 =	vgt.f32 v8, v9;
	v8 =	vsub.f32 v8, v9;
	v10 =	vsel vm1, $0x4, v5  }
0xa4: {  	v11 =	vsel vm1, $0x3, v1;
	vm1 =	vmand vm2, vm1;
	v17 =	vand.u32 $0x7FFFFFFF, v13  }
0xa5: {  	vm0 =	vmand vm0, vm3;
	vm3 =	vlt.f32 v9, $5.000000000e+01;
	v9 =	vld.idx.msk [tilespmem:v16+s25+$0x0], $0xffff;
	vm13 =	vlt.f32 v17, $2.300000000e+01  }
0xa6: {  	vm0 =	vmor vm1, vm0;
	vm14 =	vgt.f32 v17, $2.700000000e+01;
	v13 =	vnsel vm13, $0x1, v10;
	v10 =	vld.idx.msk [tilespmem:v12+s25+$0x0], $0xffff  }
0xa7: {  	v16 =	vand.u32 $0x7FFFFFFF, v8;
	vm2 =	vlt.f32 v17, $3.500000000e+01;
	v12 =	vsel vm14, v11, v13;
	v11 =	vld.idx.msk [tilespmem:v14+s25+$0x0], $0xffff  }
0xa8: {  	v8 =	vld.idx.msk [tilespmem:v15+s25+$0x0], $0xffff;
	v15 =	vsel vm3, $0x5, v4;
	vm0 =	vmand vm0, vm2;
	vm2 =	vle.f32 v16, $1.500000000e+01  }
0xa9: {  	s31 =	simm.s32 $0x20;
	v13 =	vsel vm15, $0x5, v4;
	v14 =	vsel vm1, $0x3, v1;
	vm1 =	vgt.f32 v16, $4.000000000e+00  }
.LBB2_8:
0xaa: {  	p0 =	sne.s32 s31, $0x1F0;
	v12 =	vsel vm1, v13, v12;
	v13 =	vsel vm2, v15, v14;
	s3 =	smov.u32 s31;
	s31 =	sadd.s32 $0x10, s31  }
0xab: {  	vm1 =	vgt.f32 v10, $1.150000000e+02;
	v14 =	vmov s3;
	v12 =	vsel vm0, v13, v12  }
0xac: {  	v13 =	vshll.u32 v14, $0x4;
	v14 =	vsub.f32 v11, v10;
	v12 =	vmul.u32 $0x5, v12  }
0xad: {  	vm2 =	vlt.f32 v10, $3.500000000e+01;
	vm0 =	vgt.f32 v11, v10;
	v13 =	vor.u32 v0, v13  }
0xae: {  	v15 =	vor.u32 $0x1, v13;
	v16 =	vor.u32 $0x2, v13;
	v12 =	vshll.u32 v2, v12  }
0xaf: {  	vm3 =	vlt.f32 v11, v10;
	v17 =	vor.u32 $0x3, v13;
	v14 =	vand.u32 $0x7FFFFFFF, v14  }
0xb0: {  	vm4 =	vlt.f32 v14, $2.300000000e+01;
	vm5 =	vgt.f32 v14, $2.700000000e+01;
	v7 =	vor.u32 v7, v12  }
0xb1: {  	v11 =	vsel vm0, $0x4, v5;
	vm6 =	vgt.f32 v9, v8;
	v12 =	vsel vm0, $0x3, v1  }
.Ltmp3:
0xb2: {  	vm2 =	vmand vm2, vm0;
	vm0 =	vmand vm1, vm3;
	v10 =	vld.idx.msk [tilespmem:v13+s25+$0x0], $0xffff;
	v13 =	vnsel vm4, $0x1, v11;
	(pc) =	sbr.rel @p0 .LBB2_8-.Ltmp3, $4  }
0xb3: {  	v11 =	vld.idx.msk [tilespmem:v15+s25+$0x0], $0xffff;
	v15 =	vsub.f32 v9, v8;
	v12 =	vsel vm5, v12, v13;
	v13 =	vsel vm6, $0x5, v4  }
0xb4: {  	vm1 =	vlt.f32 v14, $3.500000000e+01;
	vm3 =	vlt.f32 v8, $5.000000000e+01;
	vm0 =	vmor vm2, vm0;
	v9 =	vld.idx.msk [tilespmem:v17+s25+$0x0], $0xffff  }
0xb5: {  	v14 =	vsel vm2, $0x3, v1;
	vm0 =	vmand vm0, vm1;
	v8 =	vld.idx.msk [tilespmem:v16+s25+$0x0], $0xffff;
	v16 =	vand.u32 $0x7FFFFFFF, v15  }
0xb6: {  	v15 =	vsel vm3, $0x5, v4;
	vm1 =	vgt.f32 v16, $4.000000000e+00;
	vm2 =	vle.f32 v16, $1.500000000e+01  }
0xb7: {  	v12 =	vsel vm1, v13, v12  }
0xb8: {  	v13 =	vsel vm2, v15, v14;
	vm1 =	vgt.f32 v10, $1.150000000e+02;
	vm2 =	vlt.f32 v10, $3.500000000e+01  }
0xb9: {  	s3 =	simm.s32 $0x0;
	v16 =	vsub.f32 v11, v10;
	v12 =	vsel vm0, v13, v12;
	vm0 =	vgt.f32 v11, v10  }
0xba: {  	vm3 =	vlt.f32 v11, v10;
	v14 =	vmov s3;
	v10 =	vsel vm0, $0x4, v5  }
0xbb: {  	v11 =	vsel vm0, $0x3, v1;
	vm0 =	vmand vm2, vm0;
	vm1 =	vmand vm1, vm3  }
0xbc: {  	v14 =	vshll.u32 v14, $0x4;
	v13 =	vand.u32 $0x7FFFFFFF, v16;
	vm6 =	vgt.f32 v9, v8  }
0xbd: {  	v9 =	vsub.f32 v9, v8;
	vm1 =	vmor vm0, vm1;
	vm3 =	vlt.f32 v8, $5.000000000e+01  }
0xbe: {  	vm4 =	vlt.f32 v13, $2.300000000e+01;
	vm5 =	vgt.f32 v13, $2.700000000e+01;
	vm2 =	vlt.f32 v13, $3.500000000e+01  }
0xbf: {  	v13 =	vsel vm3, $0x5, v4;
	v10 =	vnsel vm4, $0x1, v10;
	v8 =	vand.u32 $0x7FFFFFFF, v9  }
0xc0: {  	vm1 =	vmand vm1, vm2;
	v10 =	vsel vm5, v11, v10;
	v11 =	vor.u32 v0, v14  }
0xc1: {  	[tilespmem:s25], [sflag:$0x4] =	stream.strided.gather [hbm4b:s10+s21], $0x2000, s22, s21, $0x38;
	v9 =	vsel vm0, $0x3, v1;
	v14 =	vsel vm6, $0x5, v4;
	v15 =	vor.u32 $0x1, v11;
	[tilespmem:$0x8010] =	vst v63  }
0xc2: {  	_ =	swait.ge [sflag:s26], $0x2000;
	vm0 =	vgt.f32 v8, $4.000000000e+00;
	vm2 =	vle.f32 v8, $1.500000000e+01;
	v8 =	vor.u32 $0x3, v11  }
0xc3: {  	[sflag:s26] =	ssyncset.done $0x0;
	v10 =	vsel vm0, v14, v10;
	v9 =	vsel vm2, v13, v9;
	v13 =	vor.u32 $0x2, v11  }
0xc4: {  	v12 =	vmul.u32 $0x5, v12;
	[sflag:s26] =	ssyncadd.s32 $0xFFFFE000;
	v9 =	vsel vm1, v9, v10  }
0xc5: {  	v9 =	vmul.u32 $0x5, v9;
	v11 =	vld.idx.msk [tilespmem:v11+s2+$0x0], $0xffff  }
0xc6: {  	s3 =	simm.s32 $0x10;
	v12 =	vshll.u32 v2, v12;
	v10 =	vld.idx.msk [tilespmem:v15+s2+$0x0], $0xffff  }
0xc7: {  	v7 =	vor.u32 v7, v12;
	v12 =	vmov s3;
	v9 =	vshll.u32 v2, v9;
	v8 =	vld.idx.msk [tilespmem:v8+s2+$0x0], $0xffff  }
0xc8: {  	v12 =	vshll.u32 v12, $0x4;
	v7 =	vor.u32 v7, v9;
	v9 =	vld.idx.msk [tilespmem:v13+s2+$0x0], $0xffff  }
0xc9: {  	v12 =	vor.u32 v0, v12  }
0xca: {  	v14 =	vor.u32 $0x1, v12;
	v16 =	vor.u32 $0x3, v12  }
0xcb: {  	v15 =	vor.u32 $0x2, v12;
	vm0 =	vgt.f32 v11, $1.150000000e+02;
	vm2 =	vlt.f32 v11, $3.500000000e+01  }
0xcc: {  	v13 =	vsub.f32 v10, v11;
	vm1 =	vgt.f32 v10, v11;
	vm3 =	vlt.f32 v10, v11  }
0xcd: {  	vm15 =	vgt.f32 v8, v9;
	v8 =	vsub.f32 v8, v9;
	v10 =	vsel vm1, $0x4, v5  }
0xce: {  	v11 =	vsel vm1, $0x3, v1;
	vm1 =	vmand vm2, vm1;
	v17 =	vand.u32 $0x7FFFFFFF, v13  }
0xcf: {  	vm0 =	vmand vm0, vm3;
	vm3 =	vlt.f32 v9, $5.000000000e+01;
	v9 =	vld.idx.msk [tilespmem:v16+s2+$0x0], $0xffff;
	vm13 =	vlt.f32 v17, $2.300000000e+01  }
0xd0: {  	vm0 =	vmor vm1, vm0;
	vm14 =	vgt.f32 v17, $2.700000000e+01;
	v13 =	vnsel vm13, $0x1, v10;
	v10 =	vld.idx.msk [tilespmem:v12+s2+$0x0], $0xffff  }
0xd1: {  	v16 =	vand.u32 $0x7FFFFFFF, v8;
	vm2 =	vlt.f32 v17, $3.500000000e+01;
	v12 =	vsel vm14, v11, v13;
	v11 =	vld.idx.msk [tilespmem:v14+s2+$0x0], $0xffff  }
0xd2: {  	v8 =	vld.idx.msk [tilespmem:v15+s2+$0x0], $0xffff;
	v15 =	vsel vm3, $0x5, v4;
	vm0 =	vmand vm0, vm2;
	vm2 =	vle.f32 v16, $1.500000000e+01  }
0xd3: {  	s31 =	simm.s32 $0x20;
	v13 =	vsel vm15, $0x5, v4;
	v14 =	vsel vm1, $0x3, v1;
	vm1 =	vgt.f32 v16, $4.000000000e+00  }
.LBB2_10:
0xd4: {  	p0 =	sne.s32 s31, $0x1F0;
	v12 =	vsel vm1, v13, v12;
	v13 =	vsel vm2, v15, v14;
	s3 =	smov.u32 s31;
	s31 =	sadd.s32 $0x10, s31  }
0xd5: {  	vm1 =	vgt.f32 v10, $1.150000000e+02;
	v14 =	vmov s3;
	v12 =	vsel vm0, v13, v12  }
0xd6: {  	v13 =	vshll.u32 v14, $0x4;
	v14 =	vsub.f32 v11, v10;
	v12 =	vmul.u32 $0x5, v12  }
0xd7: {  	vm2 =	vlt.f32 v10, $3.500000000e+01;
	vm0 =	vgt.f32 v11, v10;
	v13 =	vor.u32 v0, v13  }
0xd8: {  	v15 =	vor.u32 $0x1, v13;
	v16 =	vor.u32 $0x2, v13;
	v12 =	vshll.u32 v2, v12  }
0xd9: {  	vm3 =	vlt.f32 v11, v10;
	v17 =	vor.u32 $0x3, v13;
	v14 =	vand.u32 $0x7FFFFFFF, v14  }
0xda: {  	vm4 =	vlt.f32 v14, $2.300000000e+01;
	vm5 =	vgt.f32 v14, $2.700000000e+01;
	v7 =	vor.u32 v7, v12  }
0xdb: {  	v11 =	vsel vm0, $0x4, v5;
	vm6 =	vgt.f32 v9, v8;
	v12 =	vsel vm0, $0x3, v1  }
.Ltmp4:
0xdc: {  	vm2 =	vmand vm2, vm0;
	vm0 =	vmand vm1, vm3;
	v10 =	vld.idx.msk [tilespmem:v13+s2+$0x0], $0xffff;
	v13 =	vnsel vm4, $0x1, v11;
	(pc) =	sbr.rel @p0 .LBB2_10-.Ltmp4, $4  }
0xdd: {  	v11 =	vld.idx.msk [tilespmem:v15+s2+$0x0], $0xffff;
	v15 =	vsub.f32 v9, v8;
	v12 =	vsel vm5, v12, v13;
	v13 =	vsel vm6, $0x5, v4  }
0xde: {  	vm1 =	vlt.f32 v14, $3.500000000e+01;
	vm3 =	vlt.f32 v8, $5.000000000e+01;
	vm0 =	vmor vm2, vm0;
	v9 =	vld.idx.msk [tilespmem:v17+s2+$0x0], $0xffff  }
0xdf: {  	v14 =	vsel vm2, $0x3, v1;
	vm0 =	vmand vm0, vm1;
	v8 =	vld.idx.msk [tilespmem:v16+s2+$0x0], $0xffff;
	v16 =	vand.u32 $0x7FFFFFFF, v15  }
0xe0: {  	v15 =	vsel vm3, $0x5, v4;
	vm1 =	vgt.f32 v16, $4.000000000e+00;
	vm2 =	vle.f32 v16, $1.500000000e+01  }
0xe1: {  	v12 =	vsel vm1, v13, v12  }
0xe2: {  	v13 =	vsel vm2, v15, v14;
	vm1 =	vgt.f32 v10, $1.150000000e+02;
	vm2 =	vlt.f32 v10, $3.500000000e+01  }
0xe3: {  	s3 =	simm.s32 $0x0;
	v16 =	vsub.f32 v11, v10;
	v12 =	vsel vm0, v13, v12;
	vm0 =	vgt.f32 v11, v10  }
0xe4: {  	vm3 =	vlt.f32 v11, v10;
	v14 =	vmov s3;
	v10 =	vsel vm0, $0x4, v5  }
0xe5: {  	v11 =	vsel vm0, $0x3, v1;
	vm0 =	vmand vm2, vm0;
	vm1 =	vmand vm1, vm3  }
0xe6: {  	v14 =	vshll.u32 v14, $0x4;
	v13 =	vand.u32 $0x7FFFFFFF, v16;
	vm6 =	vgt.f32 v9, v8  }
0xe7: {  	v9 =	vsub.f32 v9, v8;
	vm1 =	vmor vm0, vm1;
	vm3 =	vlt.f32 v8, $5.000000000e+01  }
0xe8: {  	vm4 =	vlt.f32 v13, $2.300000000e+01;
	vm5 =	vgt.f32 v13, $2.700000000e+01;
	vm2 =	vlt.f32 v13, $3.500000000e+01  }
0xe9: {  	v13 =	vsel vm3, $0x5, v4;
	v10 =	vnsel vm4, $0x1, v10;
	v8 =	vand.u32 $0x7FFFFFFF, v9  }
0xea: {  	vm1 =	vmand vm1, vm2;
	v10 =	vsel vm5, v11, v10;
	v11 =	vor.u32 v0, v14  }
0xeb: {  	[tilespmem:s3], [sflag:$0x1] =	stream.strided.gather [hbm4b:s11+s21], $0x2000, s22, s21, $0x38;
	v9 =	vsel vm0, $0x3, v1;
	v14 =	vsel vm6, $0x5, v4;
	v15 =	vor.u32 $0x1, v11;
	[tilespmem:$0x8010] =	vst v63  }
0xec: {  	_ =	swait.ge [sflag:s28], $0x2000;
	vm0 =	vgt.f32 v8, $4.000000000e+00;
	vm2 =	vle.f32 v8, $1.500000000e+01;
	v8 =	vor.u32 $0x3, v11  }
0xed: {  	[sflag:s28] =	ssyncset.done $0x0;
	v10 =	vsel vm0, v14, v10;
	v9 =	vsel vm2, v13, v9;
	v13 =	vor.u32 $0x2, v11  }
0xee: {  	v12 =	vmul.u32 $0x5, v12;
	[sflag:s28] =	ssyncadd.s32 $0xFFFFE000;
	v9 =	vsel vm1, v9, v10  }
0xef: {  	v9 =	vmul.u32 $0x5, v9;
	v11 =	vld.idx.msk [tilespmem:v11+s23+$0x0], $0xffff  }
0xf0: {  	s3 =	simm.s32 $0x10;
	v12 =	vshll.u32 v2, v12;
	v10 =	vld.idx.msk [tilespmem:v15+s23+$0x0], $0xffff  }
0xf1: {  	v7 =	vor.u32 v7, v12;
	v12 =	vmov s3;
	v9 =	vshll.u32 v2, v9;
	v8 =	vld.idx.msk [tilespmem:v8+s23+$0x0], $0xffff  }
0xf2: {  	v12 =	vshll.u32 v12, $0x4;
	v7 =	vor.u32 v7, v9;
	v9 =	vld.idx.msk [tilespmem:v13+s23+$0x0], $0xffff  }
0xf3: {  	v12 =	vor.u32 v0, v12  }
0xf4: {  	v14 =	vor.u32 $0x1, v12;
	v16 =	vor.u32 $0x3, v12  }
0xf5: {  	v15 =	vor.u32 $0x2, v12;
	vm0 =	vgt.f32 v11, $1.150000000e+02;
	vm2 =	vlt.f32 v11, $3.500000000e+01  }
0xf6: {  	v13 =	vsub.f32 v10, v11;
	vm1 =	vgt.f32 v10, v11;
	vm3 =	vlt.f32 v10, v11  }
0xf7: {  	vm15 =	vgt.f32 v8, v9;
	v8 =	vsub.f32 v8, v9;
	v10 =	vsel vm1, $0x4, v5  }
0xf8: {  	v11 =	vsel vm1, $0x3, v1;
	vm1 =	vmand vm2, vm1;
	v17 =	vand.u32 $0x7FFFFFFF, v13  }
0xf9: {  	vm0 =	vmand vm0, vm3;
	vm3 =	vlt.f32 v9, $5.000000000e+01;
	v9 =	vld.idx.msk [tilespmem:v16+s23+$0x0], $0xffff;
	vm13 =	vlt.f32 v17, $2.300000000e+01  }
0xfa: {  	vm0 =	vmor vm1, vm0;
	vm14 =	vgt.f32 v17, $2.700000000e+01;
	v13 =	vnsel vm13, $0x1, v10;
	v10 =	vld.idx.msk [tilespmem:v12+s23+$0x0], $0xffff  }
0xfb: {  	v16 =	vand.u32 $0x7FFFFFFF, v8;
	vm2 =	vlt.f32 v17, $3.500000000e+01;
	v12 =	vsel vm14, v11, v13;
	v11 =	vld.idx.msk [tilespmem:v14+s23+$0x0], $0xffff  }
0xfc: {  	v8 =	vld.idx.msk [tilespmem:v15+s23+$0x0], $0xffff;
	v15 =	vsel vm3, $0x5, v4;
	vm0 =	vmand vm0, vm2;
	vm2 =	vle.f32 v16, $1.500000000e+01  }
0xfd: {  	s31 =	simm.s32 $0x20;
	v13 =	vsel vm15, $0x5, v4;
	v14 =	vsel vm1, $0x3, v1;
	vm1 =	vgt.f32 v16, $4.000000000e+00  }
.LBB2_12:
0xfe: {  	p0 =	sne.s32 s31, $0x1F0;
	v12 =	vsel vm1, v13, v12;
	v13 =	vsel vm2, v15, v14;
	s3 =	smov.u32 s31;
	s31 =	sadd.s32 $0x10, s31  }
0xff: {  	vm1 =	vgt.f32 v10, $1.150000000e+02;
	v14 =	vmov s3;
	v12 =	vsel vm0, v13, v12  }
0x100: {  	v13 =	vshll.u32 v14, $0x4;
	v14 =	vsub.f32 v11, v10;
	v12 =	vmul.u32 $0x5, v12  }
0x101: {  	vm2 =	vlt.f32 v10, $3.500000000e+01;
	vm0 =	vgt.f32 v11, v10;
	v13 =	vor.u32 v0, v13  }
0x102: {  	v15 =	vor.u32 $0x1, v13;
	v16 =	vor.u32 $0x2, v13;
	v12 =	vshll.u32 v2, v12  }
0x103: {  	vm3 =	vlt.f32 v11, v10;
	v17 =	vor.u32 $0x3, v13;
	v14 =	vand.u32 $0x7FFFFFFF, v14  }
0x104: {  	vm4 =	vlt.f32 v14, $2.300000000e+01;
	vm5 =	vgt.f32 v14, $2.700000000e+01;
	v7 =	vor.u32 v7, v12  }
0x105: {  	v11 =	vsel vm0, $0x4, v5;
	vm6 =	vgt.f32 v9, v8;
	v12 =	vsel vm0, $0x3, v1  }
.Ltmp5:
0x106: {  	vm2 =	vmand vm2, vm0;
	vm0 =	vmand vm1, vm3;
	v10 =	vld.idx.msk [tilespmem:v13+s23+$0x0], $0xffff;
	v13 =	vnsel vm4, $0x1, v11;
	(pc) =	sbr.rel @p0 .LBB2_12-.Ltmp5, $4  }
0x107: {  	v11 =	vld.idx.msk [tilespmem:v15+s23+$0x0], $0xffff;
	v15 =	vsub.f32 v9, v8;
	v12 =	vsel vm5, v12, v13;
	v13 =	vsel vm6, $0x5, v4  }
0x108: {  	vm1 =	vlt.f32 v14, $3.500000000e+01;
	vm3 =	vlt.f32 v8, $5.000000000e+01;
	vm0 =	vmor vm2, vm0;
	v9 =	vld.idx.msk [tilespmem:v17+s23+$0x0], $0xffff  }
0x109: {  	v14 =	vsel vm2, $0x3, v1;
	vm0 =	vmand vm0, vm1;
	v8 =	vld.idx.msk [tilespmem:v16+s23+$0x0], $0xffff;
	v16 =	vand.u32 $0x7FFFFFFF, v15  }
0x10a: {  	v15 =	vsel vm3, $0x5, v4;
	vm1 =	vgt.f32 v16, $4.000000000e+00;
	vm2 =	vle.f32 v16, $1.500000000e+01  }
0x10b: {  	v12 =	vsel vm1, v13, v12  }
0x10c: {  	v13 =	vsel vm2, v15, v14;
	vm1 =	vgt.f32 v10, $1.150000000e+02;
	vm2 =	vlt.f32 v10, $3.500000000e+01  }
0x10d: {  	s3 =	simm.s32 $0x0;
	v16 =	vsub.f32 v11, v10;
	v12 =	vsel vm0, v13, v12;
	vm0 =	vgt.f32 v11, v10  }
0x10e: {  	vm3 =	vlt.f32 v11, v10;
	v14 =	vmov s3;
	v10 =	vsel vm0, $0x4, v5  }
0x10f: {  	v11 =	vsel vm0, $0x3, v1;
	vm0 =	vmand vm2, vm0;
	vm1 =	vmand vm1, vm3  }
0x110: {  	v14 =	vshll.u32 v14, $0x4;
	v13 =	vand.u32 $0x7FFFFFFF, v16;
	vm6 =	vgt.f32 v9, v8  }
0x111: {  	v9 =	vsub.f32 v9, v8;
	vm1 =	vmor vm0, vm1;
	vm3 =	vlt.f32 v8, $5.000000000e+01  }
0x112: {  	vm4 =	vlt.f32 v13, $2.300000000e+01;
	vm5 =	vgt.f32 v13, $2.700000000e+01;
	vm2 =	vlt.f32 v13, $3.500000000e+01  }
0x113: {  	v13 =	vsel vm3, $0x5, v4;
	v10 =	vnsel vm4, $0x1, v10;
	v8 =	vand.u32 $0x7FFFFFFF, v9  }
0x114: {  	vm1 =	vmand vm1, vm2;
	v10 =	vsel vm5, v11, v10;
	v11 =	vor.u32 v0, v14  }
0x115: {  	[tilespmem:s23], [sflag:$0x2] =	stream.strided.gather [hbm4b:s12+s21], $0x2000, s22, s21, $0x38;
	v9 =	vsel vm0, $0x3, v1;
	v14 =	vsel vm6, $0x5, v4;
	v15 =	vor.u32 $0x1, v11;
	[tilespmem:$0x8010] =	vst v63  }
0x116: {  	_ =	swait.ge [sflag:s29], $0x2000;
	vm0 =	vgt.f32 v8, $4.000000000e+00;
	vm2 =	vle.f32 v8, $1.500000000e+01;
	v8 =	vor.u32 $0x3, v11  }
0x117: {  	[sflag:s29] =	ssyncset.done $0x0;
	v10 =	vsel vm0, v14, v10;
	v9 =	vsel vm2, v13, v9;
	v13 =	vor.u32 $0x2, v11  }
0x118: {  	v12 =	vmul.u32 $0x5, v12;
	[sflag:s29] =	ssyncadd.s32 $0xFFFFE000;
	v9 =	vsel vm1, v9, v10  }
0x119: {  	v9 =	vmul.u32 $0x5, v9;
	v11 =	vld.idx.msk [tilespmem:v11+s24+$0x0], $0xffff  }
0x11a: {  	s3 =	simm.s32 $0x10;
	v12 =	vshll.u32 v2, v12;
	v10 =	vld.idx.msk [tilespmem:v15+s24+$0x0], $0xffff  }
0x11b: {  	v7 =	vor.u32 v7, v12;
	v12 =	vmov s3;
	v9 =	vshll.u32 v2, v9;
	v8 =	vld.idx.msk [tilespmem:v8+s24+$0x0], $0xffff  }
0x11c: {  	v12 =	vshll.u32 v12, $0x4;
	v7 =	vor.u32 v7, v9;
	v9 =	vld.idx.msk [tilespmem:v13+s24+$0x0], $0xffff  }
0x11d: {  	v12 =	vor.u32 v0, v12  }
0x11e: {  	v14 =	vor.u32 $0x1, v12;
	v16 =	vor.u32 $0x3, v12  }
0x11f: {  	v15 =	vor.u32 $0x2, v12;
	vm0 =	vgt.f32 v11, $1.150000000e+02;
	vm2 =	vlt.f32 v11, $3.500000000e+01  }
0x120: {  	v13 =	vsub.f32 v10, v11;
	vm1 =	vgt.f32 v10, v11;
	vm3 =	vlt.f32 v10, v11  }
0x121: {  	vm15 =	vgt.f32 v8, v9;
	v8 =	vsub.f32 v8, v9;
	v10 =	vsel vm1, $0x4, v5  }
0x122: {  	v11 =	vsel vm1, $0x3, v1;
	vm1 =	vmand vm2, vm1;
	v17 =	vand.u32 $0x7FFFFFFF, v13  }
0x123: {  	vm0 =	vmand vm0, vm3;
	vm3 =	vlt.f32 v9, $5.000000000e+01;
	v9 =	vld.idx.msk [tilespmem:v16+s24+$0x0], $0xffff;
	vm13 =	vlt.f32 v17, $2.300000000e+01  }
0x124: {  	vm0 =	vmor vm1, vm0;
	vm14 =	vgt.f32 v17, $2.700000000e+01;
	v13 =	vnsel vm13, $0x1, v10;
	v10 =	vld.idx.msk [tilespmem:v12+s24+$0x0], $0xffff  }
0x125: {  	v16 =	vand.u32 $0x7FFFFFFF, v8;
	vm2 =	vlt.f32 v17, $3.500000000e+01;
	v12 =	vsel vm14, v11, v13;
	v11 =	vld.idx.msk [tilespmem:v14+s24+$0x0], $0xffff  }
0x126: {  	v8 =	vld.idx.msk [tilespmem:v15+s24+$0x0], $0xffff;
	v15 =	vsel vm3, $0x5, v4;
	vm0 =	vmand vm0, vm2;
	vm2 =	vle.f32 v16, $1.500000000e+01  }
0x127: {  	s31 =	simm.s32 $0x20;
	v13 =	vsel vm15, $0x5, v4;
	v14 =	vsel vm1, $0x3, v1;
	vm1 =	vgt.f32 v16, $4.000000000e+00  }
.LBB2_14:
0x128: {  	p0 =	sne.s32 s31, $0x1F0;
	v12 =	vsel vm1, v13, v12;
	v13 =	vsel vm2, v15, v14;
	s3 =	smov.u32 s31;
	s31 =	sadd.s32 $0x10, s31  }
0x129: {  	vm1 =	vgt.f32 v10, $1.150000000e+02;
	v14 =	vmov s3;
	v12 =	vsel vm0, v13, v12  }
0x12a: {  	v13 =	vshll.u32 v14, $0x4;
	v14 =	vsub.f32 v11, v10;
	v12 =	vmul.u32 $0x5, v12  }
0x12b: {  	vm2 =	vlt.f32 v10, $3.500000000e+01;
	vm0 =	vgt.f32 v11, v10;
	v13 =	vor.u32 v0, v13  }
0x12c: {  	v15 =	vor.u32 $0x1, v13;
	v16 =	vor.u32 $0x2, v13;
	v12 =	vshll.u32 v2, v12  }
0x12d: {  	vm3 =	vlt.f32 v11, v10;
	v17 =	vor.u32 $0x3, v13;
	v14 =	vand.u32 $0x7FFFFFFF, v14  }
0x12e: {  	vm4 =	vlt.f32 v14, $2.300000000e+01;
	vm5 =	vgt.f32 v14, $2.700000000e+01;
	v7 =	vor.u32 v7, v12  }
0x12f: {  	v11 =	vsel vm0, $0x4, v5;
	vm6 =	vgt.f32 v9, v8;
	v12 =	vsel vm0, $0x3, v1  }
.Ltmp6:
0x130: {  	vm2 =	vmand vm2, vm0;
	vm0 =	vmand vm1, vm3;
	v10 =	vld.idx.msk [tilespmem:v13+s24+$0x0], $0xffff;
	v13 =	vnsel vm4, $0x1, v11;
	(pc) =	sbr.rel @p0 .LBB2_14-.Ltmp6, $4  }
0x131: {  	v11 =	vld.idx.msk [tilespmem:v15+s24+$0x0], $0xffff;
	v15 =	vsub.f32 v9, v8;
	v12 =	vsel vm5, v12, v13;
	v13 =	vsel vm6, $0x5, v4  }
0x132: {  	vm1 =	vlt.f32 v14, $3.500000000e+01;
	vm3 =	vlt.f32 v8, $5.000000000e+01;
	vm0 =	vmor vm2, vm0;
	v9 =	vld.idx.msk [tilespmem:v17+s24+$0x0], $0xffff  }
0x133: {  	v14 =	vsel vm2, $0x3, v1;
	vm0 =	vmand vm0, vm1;
	v8 =	vld.idx.msk [tilespmem:v16+s24+$0x0], $0xffff;
	v16 =	vand.u32 $0x7FFFFFFF, v15  }
0x134: {  	v15 =	vsel vm3, $0x5, v4;
	vm1 =	vgt.f32 v16, $4.000000000e+00;
	vm2 =	vle.f32 v16, $1.500000000e+01  }
0x135: {  	v12 =	vsel vm1, v13, v12  }
0x136: {  	v13 =	vsel vm2, v15, v14;
	vm1 =	vgt.f32 v10, $1.150000000e+02;
	vm2 =	vlt.f32 v10, $3.500000000e+01  }
0x137: {  	s3 =	simm.s32 $0x0;
	v16 =	vsub.f32 v11, v10;
	v12 =	vsel vm0, v13, v12;
	vm0 =	vgt.f32 v11, v10  }
0x138: {  	vm3 =	vlt.f32 v11, v10;
	v14 =	vmov s3;
	v10 =	vsel vm0, $0x4, v5  }
0x139: {  	v11 =	vsel vm0, $0x3, v1;
	vm0 =	vmand vm2, vm0;
	vm1 =	vmand vm1, vm3  }
0x13a: {  	v14 =	vshll.u32 v14, $0x4;
	v13 =	vand.u32 $0x7FFFFFFF, v16;
	vm6 =	vgt.f32 v9, v8  }
0x13b: {  	v9 =	vsub.f32 v9, v8;
	vm1 =	vmor vm0, vm1;
	vm3 =	vlt.f32 v8, $5.000000000e+01  }
0x13c: {  	vm4 =	vlt.f32 v13, $2.300000000e+01;
	vm5 =	vgt.f32 v13, $2.700000000e+01;
	vm2 =	vlt.f32 v13, $3.500000000e+01  }
0x13d: {  	v13 =	vsel vm3, $0x5, v4;
	v10 =	vnsel vm4, $0x1, v10;
	v8 =	vand.u32 $0x7FFFFFFF, v9  }
0x13e: {  	vm1 =	vmand vm1, vm2;
	v10 =	vsel vm5, v11, v10;
	v11 =	vor.u32 v0, v14  }
0x13f: {  	[tilespmem:s24], [sflag:$0x3] =	stream.strided.gather [hbm4b:s13+s21], $0x2000, s22, s21, $0x38;
	v9 =	vsel vm0, $0x3, v1;
	v14 =	vsel vm6, $0x5, v4;
	v15 =	vor.u32 $0x1, v11;
	[tilespmem:$0x8010] =	vst v63  }
0x140: {  	_ =	swait.ge [sflag:s30], $0x2000;
	vm0 =	vgt.f32 v8, $4.000000000e+00;
	vm2 =	vle.f32 v8, $1.500000000e+01;
	v8 =	vor.u32 $0x3, v11  }
0x141: {  	[sflag:s30] =	ssyncset.done $0x0;
	v10 =	vsel vm0, v14, v10;
	v9 =	vsel vm2, v13, v9;
	v13 =	vor.u32 $0x2, v11  }
0x142: {  	v12 =	vmul.u32 $0x5, v12;
	[sflag:s30] =	ssyncadd.s32 $0xFFFFE000;
	v9 =	vsel vm1, v9, v10  }
0x143: {  	v9 =	vmul.u32 $0x5, v9;
	v11 =	vld.idx.msk [tilespmem:v11+s25+$0x0], $0xffff  }
0x144: {  	s3 =	simm.s32 $0x10;
	v12 =	vshll.u32 v2, v12;
	v10 =	vld.idx.msk [tilespmem:v15+s25+$0x0], $0xffff  }
0x145: {  	v7 =	vor.u32 v7, v12;
	v12 =	vmov s3;
	v9 =	vshll.u32 v2, v9;
	v8 =	vld.idx.msk [tilespmem:v8+s25+$0x0], $0xffff  }
0x146: {  	v12 =	vshll.u32 v12, $0x4;
	v7 =	vor.u32 v7, v9;
	v9 =	vld.idx.msk [tilespmem:v13+s25+$0x0], $0xffff  }
0x147: {  	v12 =	vor.u32 v0, v12  }
0x148: {  	v14 =	vor.u32 $0x1, v12;
	v16 =	vor.u32 $0x3, v12  }
0x149: {  	v15 =	vor.u32 $0x2, v12;
	vm0 =	vgt.f32 v11, $1.150000000e+02;
	vm2 =	vlt.f32 v11, $3.500000000e+01  }
0x14a: {  	v13 =	vsub.f32 v10, v11;
	vm1 =	vgt.f32 v10, v11;
	vm3 =	vlt.f32 v10, v11  }
0x14b: {  	vm15 =	vgt.f32 v8, v9;
	v8 =	vsub.f32 v8, v9;
	v10 =	vsel vm1, $0x4, v5  }
0x14c: {  	v11 =	vsel vm1, $0x3, v1;
	vm1 =	vmand vm2, vm1;
	v17 =	vand.u32 $0x7FFFFFFF, v13  }
0x14d: {  	vm0 =	vmand vm0, vm3;
	vm3 =	vlt.f32 v9, $5.000000000e+01;
	v9 =	vld.idx.msk [tilespmem:v16+s25+$0x0], $0xffff;
	vm13 =	vlt.f32 v17, $2.300000000e+01  }
0x14e: {  	vm0 =	vmor vm1, vm0;
	vm14 =	vgt.f32 v17, $2.700000000e+01;
	v13 =	vnsel vm13, $0x1, v10;
	v10 =	vld.idx.msk [tilespmem:v12+s25+$0x0], $0xffff  }
0x14f: {  	v16 =	vand.u32 $0x7FFFFFFF, v8;
	vm2 =	vlt.f32 v17, $3.500000000e+01;
	v12 =	vsel vm14, v11, v13;
	v11 =	vld.idx.msk [tilespmem:v14+s25+$0x0], $0xffff  }
0x150: {  	v8 =	vld.idx.msk [tilespmem:v15+s25+$0x0], $0xffff;
	v15 =	vsel vm3, $0x5, v4;
	vm0 =	vmand vm0, vm2;
	vm2 =	vle.f32 v16, $1.500000000e+01  }
0x151: {  	s31 =	simm.s32 $0x20;
	v13 =	vsel vm15, $0x5, v4;
	v14 =	vsel vm1, $0x3, v1;
	vm1 =	vgt.f32 v16, $4.000000000e+00  }
.LBB2_16:
0x152: {  	p0 =	sne.s32 s31, $0x1F0;
	v12 =	vsel vm1, v13, v12;
	v13 =	vsel vm2, v15, v14;
	s3 =	smov.u32 s31;
	s31 =	sadd.s32 $0x10, s31  }
0x153: {  	vm1 =	vgt.f32 v10, $1.150000000e+02;
	v14 =	vmov s3;
	v12 =	vsel vm0, v13, v12  }
0x154: {  	v13 =	vshll.u32 v14, $0x4;
	v14 =	vsub.f32 v11, v10;
	v12 =	vmul.u32 $0x5, v12  }
0x155: {  	vm2 =	vlt.f32 v10, $3.500000000e+01;
	vm0 =	vgt.f32 v11, v10;
	v13 =	vor.u32 v0, v13  }
0x156: {  	v15 =	vor.u32 $0x1, v13;
	v16 =	vor.u32 $0x2, v13;
	v12 =	vshll.u32 v2, v12  }
0x157: {  	vm3 =	vlt.f32 v11, v10;
	v17 =	vor.u32 $0x3, v13;
	v14 =	vand.u32 $0x7FFFFFFF, v14  }
0x158: {  	vm4 =	vlt.f32 v14, $2.300000000e+01;
	vm5 =	vgt.f32 v14, $2.700000000e+01;
	v7 =	vor.u32 v7, v12  }
0x159: {  	v11 =	vsel vm0, $0x4, v5;
	vm6 =	vgt.f32 v9, v8;
	v12 =	vsel vm0, $0x3, v1  }
.Ltmp7:
0x15a: {  	vm2 =	vmand vm2, vm0;
	vm0 =	vmand vm1, vm3;
	v10 =	vld.idx.msk [tilespmem:v13+s25+$0x0], $0xffff;
	v13 =	vnsel vm4, $0x1, v11;
	(pc) =	sbr.rel @p0 .LBB2_16-.Ltmp7, $4  }
0x15b: {  	v11 =	vld.idx.msk [tilespmem:v15+s25+$0x0], $0xffff;
	v15 =	vsub.f32 v9, v8;
	v12 =	vsel vm5, v12, v13;
	v13 =	vsel vm6, $0x5, v4  }
0x15c: {  	vm1 =	vlt.f32 v14, $3.500000000e+01;
	vm3 =	vlt.f32 v8, $5.000000000e+01;
	vm0 =	vmor vm2, vm0;
	v9 =	vld.idx.msk [tilespmem:v17+s25+$0x0], $0xffff  }
0x15d: {  	v14 =	vsel vm2, $0x3, v1;
	vm0 =	vmand vm0, vm1;
	v8 =	vld.idx.msk [tilespmem:v16+s25+$0x0], $0xffff;
	v16 =	vand.u32 $0x7FFFFFFF, v15  }
0x15e: {  	v15 =	vsel vm3, $0x5, v4;
	vm1 =	vgt.f32 v16, $4.000000000e+00;
	vm2 =	vle.f32 v16, $1.500000000e+01  }
0x15f: {  	v12 =	vsel vm1, v13, v12  }
0x160: {  	v13 =	vsel vm2, v15, v14;
	vm1 =	vgt.f32 v10, $1.150000000e+02;
	vm2 =	vlt.f32 v10, $3.500000000e+01  }
0x161: {  	s3 =	simm.s32 $0x0;
	v16 =	vsub.f32 v11, v10;
	v12 =	vsel vm0, v13, v12;
	vm0 =	vgt.f32 v11, v10  }
0x162: {  	vm3 =	vlt.f32 v11, v10;
	v14 =	vmov s3;
	v10 =	vsel vm0, $0x4, v5  }
0x163: {  	v11 =	vsel vm0, $0x3, v1;
	vm0 =	vmand vm2, vm0;
	vm1 =	vmand vm1, vm3  }
0x164: {  	v14 =	vshll.u32 v14, $0x4;
	v13 =	vand.u32 $0x7FFFFFFF, v16;
	vm6 =	vgt.f32 v9, v8  }
0x165: {  	v9 =	vsub.f32 v9, v8;
	vm1 =	vmor vm0, vm1;
	vm3 =	vlt.f32 v8, $5.000000000e+01  }
0x166: {  	vm4 =	vlt.f32 v13, $2.300000000e+01;
	vm5 =	vgt.f32 v13, $2.700000000e+01;
	vm2 =	vlt.f32 v13, $3.500000000e+01  }
0x167: {  	v13 =	vsel vm3, $0x5, v4;
	v10 =	vnsel vm4, $0x1, v10;
	v8 =	vand.u32 $0x7FFFFFFF, v9  }
0x168: {  	vm1 =	vmand vm1, vm2;
	v10 =	vsel vm5, v11, v10;
	v11 =	vor.u32 v0, v14  }
0x169: {  	[tilespmem:s25], [sflag:$0x4] =	stream.strided.gather [hbm4b:s14+s21], $0x2000, s22, s21, $0x38;
	v9 =	vsel vm0, $0x3, v1;
	v14 =	vsel vm6, $0x5, v4;
	v15 =	vor.u32 $0x1, v11;
	[tilespmem:$0x8010] =	vst v63  }
0x16a: {  	_ =	swait.ge [sflag:s26], $0x2000;
	vm0 =	vgt.f32 v8, $4.000000000e+00;
	vm2 =	vle.f32 v8, $1.500000000e+01;
	v8 =	vor.u32 $0x3, v11  }
0x16b: {  	[sflag:s26] =	ssyncset.done $0x0;
	v10 =	vsel vm0, v14, v10;
	v9 =	vsel vm2, v13, v9;
	v13 =	vor.u32 $0x2, v11  }
0x16c: {  	v12 =	vmul.u32 $0x5, v12;
	[sflag:s26] =	ssyncadd.s32 $0xFFFFE000;
	v9 =	vsel vm1, v9, v10  }
0x16d: {  	v9 =	vmul.u32 $0x5, v9;
	v11 =	vld.idx.msk [tilespmem:v11+s2+$0x0], $0xffff  }
0x16e: {  	s3 =	simm.s32 $0x10;
	v12 =	vshll.u32 v2, v12;
	v10 =	vld.idx.msk [tilespmem:v15+s2+$0x0], $0xffff  }
0x16f: {  	v7 =	vor.u32 v7, v12;
	v12 =	vmov s3;
	v9 =	vshll.u32 v2, v9;
	v8 =	vld.idx.msk [tilespmem:v8+s2+$0x0], $0xffff  }
0x170: {  	v12 =	vshll.u32 v12, $0x4;
	v7 =	vor.u32 v7, v9;
	v9 =	vld.idx.msk [tilespmem:v13+s2+$0x0], $0xffff  }
0x171: {  	v12 =	vor.u32 v0, v12  }
0x172: {  	v14 =	vor.u32 $0x1, v12;
	v16 =	vor.u32 $0x3, v12  }
0x173: {  	v15 =	vor.u32 $0x2, v12;
	vm0 =	vgt.f32 v11, $1.150000000e+02;
	vm2 =	vlt.f32 v11, $3.500000000e+01  }
0x174: {  	v13 =	vsub.f32 v10, v11;
	vm1 =	vgt.f32 v10, v11;
	vm3 =	vlt.f32 v10, v11  }
0x175: {  	vm15 =	vgt.f32 v8, v9;
	v8 =	vsub.f32 v8, v9;
	v10 =	vsel vm1, $0x4, v5  }
0x176: {  	v11 =	vsel vm1, $0x3, v1;
	vm1 =	vmand vm2, vm1;
	v17 =	vand.u32 $0x7FFFFFFF, v13  }
0x177: {  	vm0 =	vmand vm0, vm3;
	vm3 =	vlt.f32 v9, $5.000000000e+01;
	v9 =	vld.idx.msk [tilespmem:v16+s2+$0x0], $0xffff;
	vm13 =	vlt.f32 v17, $2.300000000e+01  }
0x178: {  	vm0 =	vmor vm1, vm0;
	vm14 =	vgt.f32 v17, $2.700000000e+01;
	v13 =	vnsel vm13, $0x1, v10;
	v10 =	vld.idx.msk [tilespmem:v12+s2+$0x0], $0xffff  }
0x179: {  	v16 =	vand.u32 $0x7FFFFFFF, v8;
	vm2 =	vlt.f32 v17, $3.500000000e+01;
	v12 =	vsel vm14, v11, v13;
	v11 =	vld.idx.msk [tilespmem:v14+s2+$0x0], $0xffff  }
0x17a: {  	v8 =	vld.idx.msk [tilespmem:v15+s2+$0x0], $0xffff;
	v15 =	vsel vm3, $0x5, v4;
	vm0 =	vmand vm0, vm2;
	vm2 =	vle.f32 v16, $1.500000000e+01  }
0x17b: {  	s31 =	simm.s32 $0x20;
	v13 =	vsel vm15, $0x5, v4;
	v14 =	vsel vm1, $0x3, v1;
	vm1 =	vgt.f32 v16, $4.000000000e+00  }
.LBB2_18:
0x17c: {  	p0 =	sne.s32 s31, $0x1F0;
	v12 =	vsel vm1, v13, v12;
	v13 =	vsel vm2, v15, v14;
	s3 =	smov.u32 s31;
	s31 =	sadd.s32 $0x10, s31  }
0x17d: {  	vm1 =	vgt.f32 v10, $1.150000000e+02;
	v14 =	vmov s3;
	v12 =	vsel vm0, v13, v12  }
0x17e: {  	v13 =	vshll.u32 v14, $0x4;
	v14 =	vsub.f32 v11, v10;
	v12 =	vmul.u32 $0x5, v12  }
0x17f: {  	vm2 =	vlt.f32 v10, $3.500000000e+01;
	vm0 =	vgt.f32 v11, v10;
	v13 =	vor.u32 v0, v13  }
0x180: {  	v15 =	vor.u32 $0x1, v13;
	v16 =	vor.u32 $0x2, v13;
	v12 =	vshll.u32 v2, v12  }
0x181: {  	vm3 =	vlt.f32 v11, v10;
	v17 =	vor.u32 $0x3, v13;
	v14 =	vand.u32 $0x7FFFFFFF, v14  }
0x182: {  	vm4 =	vlt.f32 v14, $2.300000000e+01;
	vm5 =	vgt.f32 v14, $2.700000000e+01;
	v7 =	vor.u32 v7, v12  }
0x183: {  	v11 =	vsel vm0, $0x4, v5;
	vm6 =	vgt.f32 v9, v8;
	v12 =	vsel vm0, $0x3, v1  }
.Ltmp8:
0x184: {  	vm2 =	vmand vm2, vm0;
	vm0 =	vmand vm1, vm3;
	v10 =	vld.idx.msk [tilespmem:v13+s2+$0x0], $0xffff;
	v13 =	vnsel vm4, $0x1, v11;
	(pc) =	sbr.rel @p0 .LBB2_18-.Ltmp8, $4  }
0x185: {  	v11 =	vld.idx.msk [tilespmem:v15+s2+$0x0], $0xffff;
	v15 =	vsub.f32 v9, v8;
	v12 =	vsel vm5, v12, v13;
	v13 =	vsel vm6, $0x5, v4  }
0x186: {  	vm1 =	vlt.f32 v14, $3.500000000e+01;
	vm3 =	vlt.f32 v8, $5.000000000e+01;
	vm0 =	vmor vm2, vm0;
	v9 =	vld.idx.msk [tilespmem:v17+s2+$0x0], $0xffff  }
0x187: {  	v14 =	vsel vm2, $0x3, v1;
	vm0 =	vmand vm0, vm1;
	v8 =	vld.idx.msk [tilespmem:v16+s2+$0x0], $0xffff;
	v16 =	vand.u32 $0x7FFFFFFF, v15  }
0x188: {  	v15 =	vsel vm3, $0x5, v4;
	vm1 =	vgt.f32 v16, $4.000000000e+00;
	vm2 =	vle.f32 v16, $1.500000000e+01  }
0x189: {  	v12 =	vsel vm1, v13, v12  }
0x18a: {  	v13 =	vsel vm2, v15, v14;
	vm1 =	vgt.f32 v10, $1.150000000e+02;
	vm2 =	vlt.f32 v10, $3.500000000e+01  }
0x18b: {  	s3 =	simm.s32 $0x0;
	v16 =	vsub.f32 v11, v10;
	v12 =	vsel vm0, v13, v12;
	vm0 =	vgt.f32 v11, v10  }
0x18c: {  	vm3 =	vlt.f32 v11, v10;
	v14 =	vmov s3;
	v10 =	vsel vm0, $0x4, v5  }
0x18d: {  	v11 =	vsel vm0, $0x3, v1;
	vm0 =	vmand vm2, vm0;
	vm1 =	vmand vm1, vm3  }
0x18e: {  	v14 =	vshll.u32 v14, $0x4;
	v13 =	vand.u32 $0x7FFFFFFF, v16;
	vm6 =	vgt.f32 v9, v8  }
0x18f: {  	v9 =	vsub.f32 v9, v8;
	vm1 =	vmor vm0, vm1;
	vm3 =	vlt.f32 v8, $5.000000000e+01  }
0x190: {  	vm4 =	vlt.f32 v13, $2.300000000e+01;
	vm5 =	vgt.f32 v13, $2.700000000e+01;
	vm2 =	vlt.f32 v13, $3.500000000e+01  }
0x191: {  	v13 =	vsel vm3, $0x5, v4;
	v10 =	vnsel vm4, $0x1, v10;
	v8 =	vand.u32 $0x7FFFFFFF, v9  }
0x192: {  	vm1 =	vmand vm1, vm2;
	v10 =	vsel vm5, v11, v10;
	v11 =	vor.u32 v0, v14  }
0x193: {  	[tilespmem:s3], [sflag:$0x1] =	stream.strided.gather [hbm4b:s15+s21], $0x2000, s22, s21, $0x38;
	v9 =	vsel vm0, $0x3, v1;
	v14 =	vsel vm6, $0x5, v4;
	v15 =	vor.u32 $0x1, v11;
	[tilespmem:$0x8010] =	vst v63  }
0x194: {  	_ =	swait.ge [sflag:s28], $0x2000;
	vm0 =	vgt.f32 v8, $4.000000000e+00;
	vm2 =	vle.f32 v8, $1.500000000e+01;
	v8 =	vor.u32 $0x3, v11  }
0x195: {  	[sflag:s28] =	ssyncset.done $0x0;
	v10 =	vsel vm0, v14, v10;
	v9 =	vsel vm2, v13, v9;
	v13 =	vor.u32 $0x2, v11  }
0x196: {  	v12 =	vmul.u32 $0x5, v12;
	[sflag:s28] =	ssyncadd.s32 $0xFFFFE000;
	v9 =	vsel vm1, v9, v10  }
0x197: {  	v9 =	vmul.u32 $0x5, v9;
	v11 =	vld.idx.msk [tilespmem:v11+s23+$0x0], $0xffff  }
0x198: {  	s3 =	simm.s32 $0x10;
	v12 =	vshll.u32 v2, v12;
	v10 =	vld.idx.msk [tilespmem:v15+s23+$0x0], $0xffff  }
0x199: {  	v7 =	vor.u32 v7, v12;
	v12 =	vmov s3;
	v9 =	vshll.u32 v2, v9;
	v8 =	vld.idx.msk [tilespmem:v8+s23+$0x0], $0xffff  }
0x19a: {  	v12 =	vshll.u32 v12, $0x4;
	v7 =	vor.u32 v7, v9;
	v9 =	vld.idx.msk [tilespmem:v13+s23+$0x0], $0xffff  }
0x19b: {  	v12 =	vor.u32 v0, v12  }
0x19c: {  	v14 =	vor.u32 $0x1, v12;
	v16 =	vor.u32 $0x3, v12  }
0x19d: {  	v15 =	vor.u32 $0x2, v12;
	vm0 =	vgt.f32 v11, $1.150000000e+02;
	vm2 =	vlt.f32 v11, $3.500000000e+01  }
0x19e: {  	v13 =	vsub.f32 v10, v11;
	vm1 =	vgt.f32 v10, v11;
	vm3 =	vlt.f32 v10, v11  }
0x19f: {  	vm15 =	vgt.f32 v8, v9;
	v8 =	vsub.f32 v8, v9;
	v10 =	vsel vm1, $0x4, v5  }
0x1a0: {  	v11 =	vsel vm1, $0x3, v1;
	vm1 =	vmand vm2, vm1;
	v17 =	vand.u32 $0x7FFFFFFF, v13  }
0x1a1: {  	vm0 =	vmand vm0, vm3;
	vm3 =	vlt.f32 v9, $5.000000000e+01;
	v9 =	vld.idx.msk [tilespmem:v16+s23+$0x0], $0xffff;
	vm13 =	vlt.f32 v17, $2.300000000e+01  }
0x1a2: {  	vm0 =	vmor vm1, vm0;
	vm14 =	vgt.f32 v17, $2.700000000e+01;
	v13 =	vnsel vm13, $0x1, v10;
	v10 =	vld.idx.msk [tilespmem:v12+s23+$0x0], $0xffff  }
0x1a3: {  	v16 =	vand.u32 $0x7FFFFFFF, v8;
	vm2 =	vlt.f32 v17, $3.500000000e+01;
	v12 =	vsel vm14, v11, v13;
	v11 =	vld.idx.msk [tilespmem:v14+s23+$0x0], $0xffff  }
0x1a4: {  	v8 =	vld.idx.msk [tilespmem:v15+s23+$0x0], $0xffff;
	v15 =	vsel vm3, $0x5, v4;
	vm0 =	vmand vm0, vm2;
	vm2 =	vle.f32 v16, $1.500000000e+01  }
0x1a5: {  	s31 =	simm.s32 $0x20;
	v13 =	vsel vm15, $0x5, v4;
	v14 =	vsel vm1, $0x3, v1;
	vm1 =	vgt.f32 v16, $4.000000000e+00  }
.LBB2_20:
0x1a6: {  	p0 =	sne.s32 s31, $0x1F0;
	v12 =	vsel vm1, v13, v12;
	v13 =	vsel vm2, v15, v14;
	s3 =	smov.u32 s31;
	s31 =	sadd.s32 $0x10, s31  }
0x1a7: {  	vm1 =	vgt.f32 v10, $1.150000000e+02;
	v14 =	vmov s3;
	v12 =	vsel vm0, v13, v12  }
0x1a8: {  	v13 =	vshll.u32 v14, $0x4;
	v14 =	vsub.f32 v11, v10;
	v12 =	vmul.u32 $0x5, v12  }
0x1a9: {  	vm2 =	vlt.f32 v10, $3.500000000e+01;
	vm0 =	vgt.f32 v11, v10;
	v13 =	vor.u32 v0, v13  }
0x1aa: {  	v15 =	vor.u32 $0x1, v13;
	v16 =	vor.u32 $0x2, v13;
	v12 =	vshll.u32 v2, v12  }
0x1ab: {  	vm3 =	vlt.f32 v11, v10;
	v17 =	vor.u32 $0x3, v13;
	v14 =	vand.u32 $0x7FFFFFFF, v14  }
0x1ac: {  	vm4 =	vlt.f32 v14, $2.300000000e+01;
	vm5 =	vgt.f32 v14, $2.700000000e+01;
	v7 =	vor.u32 v7, v12  }
0x1ad: {  	v11 =	vsel vm0, $0x4, v5;
	vm6 =	vgt.f32 v9, v8;
	v12 =	vsel vm0, $0x3, v1  }
.Ltmp9:
0x1ae: {  	vm2 =	vmand vm2, vm0;
	vm0 =	vmand vm1, vm3;
	v10 =	vld.idx.msk [tilespmem:v13+s23+$0x0], $0xffff;
	v13 =	vnsel vm4, $0x1, v11;
	(pc) =	sbr.rel @p0 .LBB2_20-.Ltmp9, $4  }
0x1af: {  	v11 =	vld.idx.msk [tilespmem:v15+s23+$0x0], $0xffff;
	v15 =	vsub.f32 v9, v8;
	v12 =	vsel vm5, v12, v13;
	v13 =	vsel vm6, $0x5, v4  }
0x1b0: {  	vm1 =	vlt.f32 v14, $3.500000000e+01;
	vm3 =	vlt.f32 v8, $5.000000000e+01;
	vm0 =	vmor vm2, vm0;
	v9 =	vld.idx.msk [tilespmem:v17+s23+$0x0], $0xffff  }
0x1b1: {  	v14 =	vsel vm2, $0x3, v1;
	vm0 =	vmand vm0, vm1;
	v8 =	vld.idx.msk [tilespmem:v16+s23+$0x0], $0xffff;
	v16 =	vand.u32 $0x7FFFFFFF, v15  }
0x1b2: {  	v15 =	vsel vm3, $0x5, v4;
	vm1 =	vgt.f32 v16, $4.000000000e+00;
	vm2 =	vle.f32 v16, $1.500000000e+01  }
0x1b3: {  	v12 =	vsel vm1, v13, v12  }
0x1b4: {  	v13 =	vsel vm2, v15, v14;
	vm1 =	vgt.f32 v10, $1.150000000e+02;
	vm2 =	vlt.f32 v10, $3.500000000e+01  }
0x1b5: {  	s3 =	simm.s32 $0x0;
	v16 =	vsub.f32 v11, v10;
	v12 =	vsel vm0, v13, v12;
	vm0 =	vgt.f32 v11, v10  }
0x1b6: {  	vm3 =	vlt.f32 v11, v10;
	v14 =	vmov s3;
	v10 =	vsel vm0, $0x4, v5  }
0x1b7: {  	v11 =	vsel vm0, $0x3, v1;
	vm0 =	vmand vm2, vm0;
	vm1 =	vmand vm1, vm3  }
0x1b8: {  	v14 =	vshll.u32 v14, $0x4;
	v13 =	vand.u32 $0x7FFFFFFF, v16;
	vm6 =	vgt.f32 v9, v8  }
0x1b9: {  	v9 =	vsub.f32 v9, v8;
	vm1 =	vmor vm0, vm1;
	vm3 =	vlt.f32 v8, $5.000000000e+01  }
0x1ba: {  	vm4 =	vlt.f32 v13, $2.300000000e+01;
	vm5 =	vgt.f32 v13, $2.700000000e+01;
	vm2 =	vlt.f32 v13, $3.500000000e+01  }
0x1bb: {  	v13 =	vsel vm3, $0x5, v4;
	v10 =	vnsel vm4, $0x1, v10;
	v8 =	vand.u32 $0x7FFFFFFF, v9  }
0x1bc: {  	vm1 =	vmand vm1, vm2;
	v10 =	vsel vm5, v11, v10;
	v11 =	vor.u32 v0, v14  }
0x1bd: {  	[tilespmem:s23], [sflag:$0x2] =	stream.strided.gather [hbm4b:s16+s21], $0x2000, s22, s21, $0x38;
	v9 =	vsel vm0, $0x3, v1;
	v14 =	vsel vm6, $0x5, v4;
	v15 =	vor.u32 $0x1, v11;
	[tilespmem:$0x8010] =	vst v63  }
0x1be: {  	_ =	swait.ge [sflag:s29], $0x2000;
	vm0 =	vgt.f32 v8, $4.000000000e+00;
	vm2 =	vle.f32 v8, $1.500000000e+01;
	v8 =	vor.u32 $0x3, v11  }
0x1bf: {  	[sflag:s29] =	ssyncset.done $0x0;
	v10 =	vsel vm0, v14, v10;
	v9 =	vsel vm2, v13, v9;
	v13 =	vor.u32 $0x2, v11  }
0x1c0: {  	v12 =	vmul.u32 $0x5, v12;
	[sflag:s29] =	ssyncadd.s32 $0xFFFFE000;
	v9 =	vsel vm1, v9, v10  }
0x1c1: {  	v9 =	vmul.u32 $0x5, v9;
	v11 =	vld.idx.msk [tilespmem:v11+s24+$0x0], $0xffff  }
0x1c2: {  	s3 =	simm.s32 $0x10;
	v12 =	vshll.u32 v2, v12;
	v10 =	vld.idx.msk [tilespmem:v15+s24+$0x0], $0xffff  }
0x1c3: {  	v7 =	vor.u32 v7, v12;
	v12 =	vmov s3;
	v9 =	vshll.u32 v2, v9;
	v8 =	vld.idx.msk [tilespmem:v8+s24+$0x0], $0xffff  }
0x1c4: {  	v12 =	vshll.u32 v12, $0x4;
	v7 =	vor.u32 v7, v9;
	v9 =	vld.idx.msk [tilespmem:v13+s24+$0x0], $0xffff  }
0x1c5: {  	v12 =	vor.u32 v0, v12  }
0x1c6: {  	v14 =	vor.u32 $0x1, v12;
	v16 =	vor.u32 $0x3, v12  }
0x1c7: {  	v15 =	vor.u32 $0x2, v12;
	vm0 =	vgt.f32 v11, $1.150000000e+02;
	vm2 =	vlt.f32 v11, $3.500000000e+01  }
0x1c8: {  	v13 =	vsub.f32 v10, v11;
	vm1 =	vgt.f32 v10, v11;
	vm3 =	vlt.f32 v10, v11  }
0x1c9: {  	vm15 =	vgt.f32 v8, v9;
	v8 =	vsub.f32 v8, v9;
	v10 =	vsel vm1, $0x4, v5  }
0x1ca: {  	v11 =	vsel vm1, $0x3, v1;
	vm1 =	vmand vm2, vm1;
	v17 =	vand.u32 $0x7FFFFFFF, v13  }
0x1cb: {  	vm0 =	vmand vm0, vm3;
	vm3 =	vlt.f32 v9, $5.000000000e+01;
	v9 =	vld.idx.msk [tilespmem:v16+s24+$0x0], $0xffff;
	vm13 =	vlt.f32 v17, $2.300000000e+01  }
0x1cc: {  	vm0 =	vmor vm1, vm0;
	vm14 =	vgt.f32 v17, $2.700000000e+01;
	v13 =	vnsel vm13, $0x1, v10;
	v10 =	vld.idx.msk [tilespmem:v12+s24+$0x0], $0xffff  }
0x1cd: {  	v16 =	vand.u32 $0x7FFFFFFF, v8;
	vm2 =	vlt.f32 v17, $3.500000000e+01;
	v12 =	vsel vm14, v11, v13;
	v11 =	vld.idx.msk [tilespmem:v14+s24+$0x0], $0xffff  }
0x1ce: {  	v8 =	vld.idx.msk [tilespmem:v15+s24+$0x0], $0xffff;
	v15 =	vsel vm3, $0x5, v4;
	vm0 =	vmand vm0, vm2;
	vm2 =	vle.f32 v16, $1.500000000e+01  }
0x1cf: {  	s31 =	simm.s32 $0x20;
	v13 =	vsel vm15, $0x5, v4;
	v14 =	vsel vm1, $0x3, v1;
	vm1 =	vgt.f32 v16, $4.000000000e+00  }
.LBB2_22:
0x1d0: {  	p0 =	sne.s32 s31, $0x1F0;
	v12 =	vsel vm1, v13, v12;
	v13 =	vsel vm2, v15, v14;
	s3 =	smov.u32 s31;
	s31 =	sadd.s32 $0x10, s31  }
0x1d1: {  	vm1 =	vgt.f32 v10, $1.150000000e+02;
	v14 =	vmov s3;
	v12 =	vsel vm0, v13, v12  }
0x1d2: {  	v13 =	vshll.u32 v14, $0x4;
	v14 =	vsub.f32 v11, v10;
	v12 =	vmul.u32 $0x5, v12  }
0x1d3: {  	vm2 =	vlt.f32 v10, $3.500000000e+01;
	vm0 =	vgt.f32 v11, v10;
	v13 =	vor.u32 v0, v13  }
0x1d4: {  	v15 =	vor.u32 $0x1, v13;
	v16 =	vor.u32 $0x2, v13;
	v12 =	vshll.u32 v2, v12  }
0x1d5: {  	vm3 =	vlt.f32 v11, v10;
	v17 =	vor.u32 $0x3, v13;
	v14 =	vand.u32 $0x7FFFFFFF, v14  }
0x1d6: {  	vm4 =	vlt.f32 v14, $2.300000000e+01;
	vm5 =	vgt.f32 v14, $2.700000000e+01;
	v7 =	vor.u32 v7, v12  }
0x1d7: {  	v11 =	vsel vm0, $0x4, v5;
	vm6 =	vgt.f32 v9, v8;
	v12 =	vsel vm0, $0x3, v1  }
.Ltmp10:
0x1d8: {  	vm2 =	vmand vm2, vm0;
	vm0 =	vmand vm1, vm3;
	v10 =	vld.idx.msk [tilespmem:v13+s24+$0x0], $0xffff;
	v13 =	vnsel vm4, $0x1, v11;
	(pc) =	sbr.rel @p0 .LBB2_22-.Ltmp10, $4  }
0x1d9: {  	v11 =	vld.idx.msk [tilespmem:v15+s24+$0x0], $0xffff;
	v15 =	vsub.f32 v9, v8;
	v12 =	vsel vm5, v12, v13;
	v13 =	vsel vm6, $0x5, v4  }
0x1da: {  	vm1 =	vlt.f32 v14, $3.500000000e+01;
	vm3 =	vlt.f32 v8, $5.000000000e+01;
	vm0 =	vmor vm2, vm0;
	v9 =	vld.idx.msk [tilespmem:v17+s24+$0x0], $0xffff  }
0x1db: {  	v14 =	vsel vm2, $0x3, v1;
	vm0 =	vmand vm0, vm1;
	v8 =	vld.idx.msk [tilespmem:v16+s24+$0x0], $0xffff;
	v16 =	vand.u32 $0x7FFFFFFF, v15  }
0x1dc: {  	v15 =	vsel vm3, $0x5, v4;
	vm1 =	vgt.f32 v16, $4.000000000e+00;
	vm2 =	vle.f32 v16, $1.500000000e+01  }
0x1dd: {  	v12 =	vsel vm1, v13, v12  }
0x1de: {  	v13 =	vsel vm2, v15, v14;
	vm1 =	vgt.f32 v10, $1.150000000e+02;
	vm2 =	vlt.f32 v10, $3.500000000e+01  }
0x1df: {  	s3 =	simm.s32 $0x0;
	v16 =	vsub.f32 v11, v10;
	v12 =	vsel vm0, v13, v12;
	vm0 =	vgt.f32 v11, v10  }
0x1e0: {  	vm3 =	vlt.f32 v11, v10;
	v14 =	vmov s3;
	v10 =	vsel vm0, $0x4, v5  }
0x1e1: {  	v11 =	vsel vm0, $0x3, v1;
	vm0 =	vmand vm2, vm0;
	vm1 =	vmand vm1, vm3  }
0x1e2: {  	v14 =	vshll.u32 v14, $0x4;
	v13 =	vand.u32 $0x7FFFFFFF, v16;
	vm6 =	vgt.f32 v9, v8  }
0x1e3: {  	v9 =	vsub.f32 v9, v8;
	vm1 =	vmor vm0, vm1;
	vm3 =	vlt.f32 v8, $5.000000000e+01  }
0x1e4: {  	vm4 =	vlt.f32 v13, $2.300000000e+01;
	vm5 =	vgt.f32 v13, $2.700000000e+01;
	vm2 =	vlt.f32 v13, $3.500000000e+01  }
0x1e5: {  	v13 =	vsel vm3, $0x5, v4;
	v10 =	vnsel vm4, $0x1, v10;
	v8 =	vand.u32 $0x7FFFFFFF, v9  }
0x1e6: {  	vm1 =	vmand vm1, vm2;
	v10 =	vsel vm5, v11, v10;
	v11 =	vor.u32 v0, v14  }
0x1e7: {  	[tilespmem:s24], [sflag:$0x3] =	stream.strided.gather [hbm4b:s17+s21], $0x2000, s22, s21, $0x38;
	v9 =	vsel vm0, $0x3, v1;
	v14 =	vsel vm6, $0x5, v4;
	v15 =	vor.u32 $0x1, v11;
	[tilespmem:$0x8010] =	vst v63  }
0x1e8: {  	_ =	swait.ge [sflag:s30], $0x2000;
	vm0 =	vgt.f32 v8, $4.000000000e+00;
	vm2 =	vle.f32 v8, $1.500000000e+01;
	v8 =	vor.u32 $0x3, v11  }
0x1e9: {  	[sflag:s30] =	ssyncset.done $0x0;
	v10 =	vsel vm0, v14, v10;
	v9 =	vsel vm2, v13, v9;
	v13 =	vor.u32 $0x2, v11  }
0x1ea: {  	v12 =	vmul.u32 $0x5, v12;
	[sflag:s30] =	ssyncadd.s32 $0xFFFFE000;
	v9 =	vsel vm1, v9, v10  }
0x1eb: {  	v9 =	vmul.u32 $0x5, v9;
	v11 =	vld.idx.msk [tilespmem:v11+s25+$0x0], $0xffff  }
0x1ec: {  	s3 =	simm.s32 $0x10;
	v12 =	vshll.u32 v2, v12;
	v10 =	vld.idx.msk [tilespmem:v15+s25+$0x0], $0xffff  }
0x1ed: {  	v7 =	vor.u32 v7, v12;
	v12 =	vmov s3;
	v9 =	vshll.u32 v2, v9;
	v8 =	vld.idx.msk [tilespmem:v8+s25+$0x0], $0xffff  }
0x1ee: {  	v12 =	vshll.u32 v12, $0x4;
	v7 =	vor.u32 v7, v9;
	v9 =	vld.idx.msk [tilespmem:v13+s25+$0x0], $0xffff  }
0x1ef: {  	v12 =	vor.u32 v0, v12  }
0x1f0: {  	v14 =	vor.u32 $0x1, v12;
	v16 =	vor.u32 $0x3, v12  }
0x1f1: {  	v15 =	vor.u32 $0x2, v12;
	vm0 =	vgt.f32 v11, $1.150000000e+02;
	vm2 =	vlt.f32 v11, $3.500000000e+01  }
0x1f2: {  	v13 =	vsub.f32 v10, v11;
	vm1 =	vgt.f32 v10, v11;
	vm3 =	vlt.f32 v10, v11  }
0x1f3: {  	vm15 =	vgt.f32 v8, v9;
	v8 =	vsub.f32 v8, v9;
	v10 =	vsel vm1, $0x4, v5  }
0x1f4: {  	v11 =	vsel vm1, $0x3, v1;
	vm1 =	vmand vm2, vm1;
	v17 =	vand.u32 $0x7FFFFFFF, v13  }
0x1f5: {  	vm0 =	vmand vm0, vm3;
	vm3 =	vlt.f32 v9, $5.000000000e+01;
	v9 =	vld.idx.msk [tilespmem:v16+s25+$0x0], $0xffff;
	vm13 =	vlt.f32 v17, $2.300000000e+01  }
0x1f6: {  	vm0 =	vmor vm1, vm0;
	vm14 =	vgt.f32 v17, $2.700000000e+01;
	v13 =	vnsel vm13, $0x1, v10;
	v10 =	vld.idx.msk [tilespmem:v12+s25+$0x0], $0xffff  }
0x1f7: {  	v16 =	vand.u32 $0x7FFFFFFF, v8;
	vm2 =	vlt.f32 v17, $3.500000000e+01;
	v12 =	vsel vm14, v11, v13;
	v11 =	vld.idx.msk [tilespmem:v14+s25+$0x0], $0xffff  }
0x1f8: {  	v8 =	vld.idx.msk [tilespmem:v15+s25+$0x0], $0xffff;
	v15 =	vsel vm3, $0x5, v4;
	vm0 =	vmand vm0, vm2;
	vm2 =	vle.f32 v16, $1.500000000e+01  }
0x1f9: {  	s31 =	simm.s32 $0x20;
	v13 =	vsel vm15, $0x5, v4;
	v14 =	vsel vm1, $0x3, v1;
	vm1 =	vgt.f32 v16, $4.000000000e+00  }
.LBB2_24:
0x1fa: {  	p0 =	sne.s32 s31, $0x1F0;
	v12 =	vsel vm1, v13, v12;
	v13 =	vsel vm2, v15, v14;
	s3 =	smov.u32 s31;
	s31 =	sadd.s32 $0x10, s31  }
0x1fb: {  	vm1 =	vgt.f32 v10, $1.150000000e+02;
	v14 =	vmov s3;
	v12 =	vsel vm0, v13, v12  }
0x1fc: {  	v13 =	vshll.u32 v14, $0x4;
	v14 =	vsub.f32 v11, v10;
	v12 =	vmul.u32 $0x5, v12  }
0x1fd: {  	vm2 =	vlt.f32 v10, $3.500000000e+01;
	vm0 =	vgt.f32 v11, v10;
	v13 =	vor.u32 v0, v13  }
0x1fe: {  	v15 =	vor.u32 $0x1, v13;
	v16 =	vor.u32 $0x2, v13;
	v12 =	vshll.u32 v2, v12  }
0x1ff: {  	vm3 =	vlt.f32 v11, v10;
	v17 =	vor.u32 $0x3, v13;
	v14 =	vand.u32 $0x7FFFFFFF, v14  }
0x200: {  	vm4 =	vlt.f32 v14, $2.300000000e+01;
	vm5 =	vgt.f32 v14, $2.700000000e+01;
	v7 =	vor.u32 v7, v12  }
0x201: {  	v11 =	vsel vm0, $0x4, v5;
	vm6 =	vgt.f32 v9, v8;
	v12 =	vsel vm0, $0x3, v1  }
.Ltmp11:
0x202: {  	vm2 =	vmand vm2, vm0;
	vm0 =	vmand vm1, vm3;
	v10 =	vld.idx.msk [tilespmem:v13+s25+$0x0], $0xffff;
	v13 =	vnsel vm4, $0x1, v11;
	(pc) =	sbr.rel @p0 .LBB2_24-.Ltmp11, $4  }
0x203: {  	v11 =	vld.idx.msk [tilespmem:v15+s25+$0x0], $0xffff;
	v15 =	vsub.f32 v9, v8;
	v12 =	vsel vm5, v12, v13;
	v13 =	vsel vm6, $0x5, v4  }
0x204: {  	vm1 =	vlt.f32 v14, $3.500000000e+01;
	vm3 =	vlt.f32 v8, $5.000000000e+01;
	vm0 =	vmor vm2, vm0;
	v9 =	vld.idx.msk [tilespmem:v17+s25+$0x0], $0xffff  }
0x205: {  	v14 =	vsel vm2, $0x3, v1;
	vm0 =	vmand vm0, vm1;
	v8 =	vld.idx.msk [tilespmem:v16+s25+$0x0], $0xffff;
	v16 =	vand.u32 $0x7FFFFFFF, v15  }
0x206: {  	v15 =	vsel vm3, $0x5, v4;
	vm1 =	vgt.f32 v16, $4.000000000e+00;
	vm2 =	vle.f32 v16, $1.500000000e+01  }
0x207: {  	v12 =	vsel vm1, v13, v12  }
0x208: {  	v13 =	vsel vm2, v15, v14;
	vm1 =	vgt.f32 v10, $1.150000000e+02;
	vm2 =	vlt.f32 v10, $3.500000000e+01  }
0x209: {  	s3 =	simm.s32 $0x0;
	v16 =	vsub.f32 v11, v10;
	v12 =	vsel vm0, v13, v12;
	vm0 =	vgt.f32 v11, v10  }
0x20a: {  	vm3 =	vlt.f32 v11, v10;
	v14 =	vmov s3;
	v10 =	vsel vm0, $0x4, v5  }
0x20b: {  	v11 =	vsel vm0, $0x3, v1;
	vm0 =	vmand vm2, vm0;
	vm1 =	vmand vm1, vm3  }
0x20c: {  	v14 =	vshll.u32 v14, $0x4;
	v13 =	vand.u32 $0x7FFFFFFF, v16;
	vm6 =	vgt.f32 v9, v8  }
0x20d: {  	v9 =	vsub.f32 v9, v8;
	vm1 =	vmor vm0, vm1;
	vm3 =	vlt.f32 v8, $5.000000000e+01  }
0x20e: {  	vm4 =	vlt.f32 v13, $2.300000000e+01;
	vm5 =	vgt.f32 v13, $2.700000000e+01;
	vm2 =	vlt.f32 v13, $3.500000000e+01  }
0x20f: {  	v13 =	vsel vm3, $0x5, v4;
	v10 =	vnsel vm4, $0x1, v10;
	v8 =	vand.u32 $0x7FFFFFFF, v9  }
0x210: {  	vm1 =	vmand vm1, vm2;
	v10 =	vsel vm5, v11, v10;
	v11 =	vor.u32 v0, v14  }
0x211: {  	[tilespmem:s25], [sflag:$0x4] =	stream.strided.gather [hbm4b:s18+s21], $0x2000, s22, s21, $0x38;
	v9 =	vsel vm0, $0x3, v1;
	v14 =	vsel vm6, $0x5, v4;
	v15 =	vor.u32 $0x1, v11;
	[tilespmem:$0x8010] =	vst v63  }
0x212: {  	_ =	swait.ge [sflag:s26], $0x2000;
	vm0 =	vgt.f32 v8, $4.000000000e+00;
	vm2 =	vle.f32 v8, $1.500000000e+01;
	v8 =	vor.u32 $0x3, v11  }
0x213: {  	[sflag:s26] =	ssyncset.done $0x0;
	v10 =	vsel vm0, v14, v10;
	v9 =	vsel vm2, v13, v9;
	v13 =	vor.u32 $0x2, v11  }
0x214: {  	v12 =	vmul.u32 $0x5, v12;
	[sflag:s26] =	ssyncadd.s32 $0xFFFFE000;
	v9 =	vsel vm1, v9, v10  }
0x215: {  	v9 =	vmul.u32 $0x5, v9;
	v11 =	vld.idx.msk [tilespmem:v11+s2+$0x0], $0xffff  }
0x216: {  	s3 =	simm.s32 $0x10;
	v12 =	vshll.u32 v2, v12;
	v10 =	vld.idx.msk [tilespmem:v15+s2+$0x0], $0xffff  }
0x217: {  	v7 =	vor.u32 v7, v12;
	v12 =	vmov s3;
	v9 =	vshll.u32 v2, v9;
	v8 =	vld.idx.msk [tilespmem:v8+s2+$0x0], $0xffff  }
0x218: {  	v12 =	vshll.u32 v12, $0x4;
	v7 =	vor.u32 v7, v9;
	v9 =	vld.idx.msk [tilespmem:v13+s2+$0x0], $0xffff  }
0x219: {  	v12 =	vor.u32 v0, v12  }
0x21a: {  	v14 =	vor.u32 $0x1, v12;
	v16 =	vor.u32 $0x3, v12  }
0x21b: {  	v15 =	vor.u32 $0x2, v12;
	vm0 =	vgt.f32 v11, $1.150000000e+02;
	vm2 =	vlt.f32 v11, $3.500000000e+01  }
0x21c: {  	v13 =	vsub.f32 v10, v11;
	vm1 =	vgt.f32 v10, v11;
	vm3 =	vlt.f32 v10, v11  }
0x21d: {  	vm15 =	vgt.f32 v8, v9;
	v8 =	vsub.f32 v8, v9;
	v10 =	vsel vm1, $0x4, v5  }
0x21e: {  	v11 =	vsel vm1, $0x3, v1;
	vm1 =	vmand vm2, vm1;
	v17 =	vand.u32 $0x7FFFFFFF, v13  }
0x21f: {  	vm0 =	vmand vm0, vm3;
	vm3 =	vlt.f32 v9, $5.000000000e+01;
	v9 =	vld.idx.msk [tilespmem:v16+s2+$0x0], $0xffff;
	vm13 =	vlt.f32 v17, $2.300000000e+01  }
0x220: {  	vm0 =	vmor vm1, vm0;
	vm14 =	vgt.f32 v17, $2.700000000e+01;
	v13 =	vnsel vm13, $0x1, v10;
	v10 =	vld.idx.msk [tilespmem:v12+s2+$0x0], $0xffff  }
0x221: {  	v16 =	vand.u32 $0x7FFFFFFF, v8;
	vm2 =	vlt.f32 v17, $3.500000000e+01;
	v12 =	vsel vm14, v11, v13;
	v11 =	vld.idx.msk [tilespmem:v14+s2+$0x0], $0xffff  }
0x222: {  	v8 =	vld.idx.msk [tilespmem:v15+s2+$0x0], $0xffff;
	v15 =	vsel vm3, $0x5, v4;
	vm0 =	vmand vm0, vm2;
	vm2 =	vle.f32 v16, $1.500000000e+01  }
0x223: {  	s31 =	simm.s32 $0x20;
	v13 =	vsel vm15, $0x5, v4;
	v14 =	vsel vm1, $0x3, v1;
	vm1 =	vgt.f32 v16, $4.000000000e+00  }
.LBB2_26:
0x224: {  	p0 =	sne.s32 s31, $0x1F0;
	v12 =	vsel vm1, v13, v12;
	v13 =	vsel vm2, v15, v14;
	s3 =	smov.u32 s31;
	s31 =	sadd.s32 $0x10, s31  }
0x225: {  	vm1 =	vgt.f32 v10, $1.150000000e+02;
	v14 =	vmov s3;
	v12 =	vsel vm0, v13, v12  }
0x226: {  	v13 =	vshll.u32 v14, $0x4;
	v14 =	vsub.f32 v11, v10;
	v12 =	vmul.u32 $0x5, v12  }
0x227: {  	vm2 =	vlt.f32 v10, $3.500000000e+01;
	vm0 =	vgt.f32 v11, v10;
	v13 =	vor.u32 v0, v13  }
0x228: {  	v15 =	vor.u32 $0x1, v13;
	v16 =	vor.u32 $0x2, v13;
	v12 =	vshll.u32 v2, v12  }
0x229: {  	vm3 =	vlt.f32 v11, v10;
	v17 =	vor.u32 $0x3, v13;
	v14 =	vand.u32 $0x7FFFFFFF, v14  }
0x22a: {  	vm4 =	vlt.f32 v14, $2.300000000e+01;
	vm5 =	vgt.f32 v14, $2.700000000e+01;
	v7 =	vor.u32 v7, v12  }
0x22b: {  	v11 =	vsel vm0, $0x4, v5;
	vm6 =	vgt.f32 v9, v8;
	v12 =	vsel vm0, $0x3, v1  }
.Ltmp12:
0x22c: {  	vm2 =	vmand vm2, vm0;
	vm0 =	vmand vm1, vm3;
	v10 =	vld.idx.msk [tilespmem:v13+s2+$0x0], $0xffff;
	v13 =	vnsel vm4, $0x1, v11;
	(pc) =	sbr.rel @p0 .LBB2_26-.Ltmp12, $4  }
0x22d: {  	v11 =	vld.idx.msk [tilespmem:v15+s2+$0x0], $0xffff;
	v15 =	vsub.f32 v9, v8;
	v12 =	vsel vm5, v12, v13;
	v13 =	vsel vm6, $0x5, v4  }
0x22e: {  	vm1 =	vlt.f32 v14, $3.500000000e+01;
	vm3 =	vlt.f32 v8, $5.000000000e+01;
	vm0 =	vmor vm2, vm0;
	v9 =	vld.idx.msk [tilespmem:v17+s2+$0x0], $0xffff  }
0x22f: {  	v14 =	vsel vm2, $0x3, v1;
	vm0 =	vmand vm0, vm1;
	v8 =	vld.idx.msk [tilespmem:v16+s2+$0x0], $0xffff;
	v16 =	vand.u32 $0x7FFFFFFF, v15  }
0x230: {  	v15 =	vsel vm3, $0x5, v4;
	vm1 =	vgt.f32 v16, $4.000000000e+00;
	vm2 =	vle.f32 v16, $1.500000000e+01  }
0x231: {  	v12 =	vsel vm1, v13, v12  }
0x232: {  	v13 =	vsel vm2, v15, v14;
	vm1 =	vgt.f32 v10, $1.150000000e+02;
	vm2 =	vlt.f32 v10, $3.500000000e+01  }
0x233: {  	s3 =	simm.s32 $0x0;
	v16 =	vsub.f32 v11, v10;
	v12 =	vsel vm0, v13, v12;
	vm0 =	vgt.f32 v11, v10  }
0x234: {  	vm3 =	vlt.f32 v11, v10;
	v14 =	vmov s3;
	v10 =	vsel vm0, $0x4, v5  }
0x235: {  	v11 =	vsel vm0, $0x3, v1;
	vm0 =	vmand vm2, vm0;
	vm1 =	vmand vm1, vm3  }
0x236: {  	v14 =	vshll.u32 v14, $0x4;
	v13 =	vand.u32 $0x7FFFFFFF, v16;
	vm6 =	vgt.f32 v9, v8  }
0x237: {  	v9 =	vsub.f32 v9, v8;
	vm1 =	vmor vm0, vm1;
	vm3 =	vlt.f32 v8, $5.000000000e+01  }
0x238: {  	vm4 =	vlt.f32 v13, $2.300000000e+01;
	vm5 =	vgt.f32 v13, $2.700000000e+01;
	vm2 =	vlt.f32 v13, $3.500000000e+01  }
0x239: {  	v13 =	vsel vm3, $0x5, v4;
	v10 =	vnsel vm4, $0x1, v10;
	v8 =	vand.u32 $0x7FFFFFFF, v9  }
0x23a: {  	vm1 =	vmand vm1, vm2;
	v10 =	vsel vm5, v11, v10;
	v11 =	vor.u32 v0, v14  }
0x23b: {  	v9 =	vsel vm0, $0x3, v1;
	v14 =	vsel vm6, $0x5, v4;
	v15 =	vor.u32 $0x1, v11  }
0x23c: {  	_ =	swait.ge [sflag:s28], $0x2000;
	vm0 =	vgt.f32 v8, $4.000000000e+00;
	vm2 =	vle.f32 v8, $1.500000000e+01;
	v8 =	vor.u32 $0x3, v11  }
0x23d: {  	[sflag:s28] =	ssyncset.done $0x0;
	v10 =	vsel vm0, v14, v10;
	v9 =	vsel vm2, v13, v9;
	v13 =	vor.u32 $0x2, v11  }
0x23e: {  	[sflag:s28] =	ssyncadd.s32 $0xFFFFE000;
	v12 =	vmul.u32 $0x5, v12;
	v9 =	vsel vm1, v9, v10  }
0x23f: {  	v9 =	vmul.u32 $0x5, v9;
	v11 =	vld.idx.msk [tilespmem:v11+s23+$0x0], $0xffff  }
0x240: {  	s3 =	simm.s32 $0x10;
	v12 =	vshll.u32 v2, v12;
	v10 =	vld.idx.msk [tilespmem:v15+s23+$0x0], $0xffff  }
0x241: {  	v7 =	vor.u32 v7, v12;
	v12 =	vmov s3;
	v9 =	vshll.u32 v2, v9;
	v8 =	vld.idx.msk [tilespmem:v8+s23+$0x0], $0xffff  }
0x242: {  	v12 =	vshll.u32 v12, $0x4;
	v7 =	vor.u32 v7, v9;
	v9 =	vld.idx.msk [tilespmem:v13+s23+$0x0], $0xffff  }
0x243: {  	v12 =	vor.u32 v0, v12  }
0x244: {  	v14 =	vor.u32 $0x1, v12;
	v16 =	vor.u32 $0x3, v12  }
0x245: {  	v15 =	vor.u32 $0x2, v12;
	vm0 =	vgt.f32 v11, $1.150000000e+02;
	vm2 =	vlt.f32 v11, $3.500000000e+01  }
0x246: {  	v13 =	vsub.f32 v10, v11;
	vm1 =	vgt.f32 v10, v11;
	vm3 =	vlt.f32 v10, v11  }
0x247: {  	vm15 =	vgt.f32 v8, v9;
	v8 =	vsub.f32 v8, v9;
	v10 =	vsel vm1, $0x4, v5  }
0x248: {  	v11 =	vsel vm1, $0x3, v1;
	vm1 =	vmand vm2, vm1;
	v17 =	vand.u32 $0x7FFFFFFF, v13  }
0x249: {  	vm0 =	vmand vm0, vm3;
	vm3 =	vlt.f32 v9, $5.000000000e+01;
	v9 =	vld.idx.msk [tilespmem:v16+s23+$0x0], $0xffff;
	vm13 =	vlt.f32 v17, $2.300000000e+01  }
0x24a: {  	vm0 =	vmor vm1, vm0;
	vm14 =	vgt.f32 v17, $2.700000000e+01;
	v13 =	vnsel vm13, $0x1, v10;
	v10 =	vld.idx.msk [tilespmem:v12+s23+$0x0], $0xffff  }
0x24b: {  	v16 =	vand.u32 $0x7FFFFFFF, v8;
	vm2 =	vlt.f32 v17, $3.500000000e+01;
	v12 =	vsel vm14, v11, v13;
	v11 =	vld.idx.msk [tilespmem:v14+s23+$0x0], $0xffff  }
0x24c: {  	v8 =	vld.idx.msk [tilespmem:v15+s23+$0x0], $0xffff;
	v15 =	vsel vm3, $0x5, v4;
	vm0 =	vmand vm0, vm2;
	vm2 =	vle.f32 v16, $1.500000000e+01  }
0x24d: {  	s31 =	simm.s32 $0x20;
	v13 =	vsel vm15, $0x5, v4;
	v14 =	vsel vm1, $0x3, v1;
	vm1 =	vgt.f32 v16, $4.000000000e+00  }
.LBB2_28:
0x24e: {  	p0 =	sne.s32 s31, $0x1F0;
	v12 =	vsel vm1, v13, v12;
	v13 =	vsel vm2, v15, v14;
	s3 =	smov.u32 s31;
	s31 =	sadd.s32 $0x10, s31  }
0x24f: {  	vm1 =	vgt.f32 v10, $1.150000000e+02;
	v14 =	vmov s3;
	v12 =	vsel vm0, v13, v12  }
0x250: {  	v13 =	vshll.u32 v14, $0x4;
	v14 =	vsub.f32 v11, v10;
	v12 =	vmul.u32 $0x5, v12  }
0x251: {  	vm2 =	vlt.f32 v10, $3.500000000e+01;
	vm0 =	vgt.f32 v11, v10;
	v13 =	vor.u32 v0, v13  }
0x252: {  	v15 =	vor.u32 $0x1, v13;
	v16 =	vor.u32 $0x2, v13;
	v12 =	vshll.u32 v2, v12  }
0x253: {  	vm3 =	vlt.f32 v11, v10;
	v17 =	vor.u32 $0x3, v13;
	v14 =	vand.u32 $0x7FFFFFFF, v14  }
0x254: {  	vm4 =	vlt.f32 v14, $2.300000000e+01;
	vm5 =	vgt.f32 v14, $2.700000000e+01;
	v7 =	vor.u32 v7, v12  }
0x255: {  	v11 =	vsel vm0, $0x4, v5;
	vm6 =	vgt.f32 v9, v8;
	v12 =	vsel vm0, $0x3, v1  }
.Ltmp13:
0x256: {  	vm2 =	vmand vm2, vm0;
	vm0 =	vmand vm1, vm3;
	v10 =	vld.idx.msk [tilespmem:v13+s23+$0x0], $0xffff;
	v13 =	vnsel vm4, $0x1, v11;
	(pc) =	sbr.rel @p0 .LBB2_28-.Ltmp13, $4  }
0x257: {  	v11 =	vld.idx.msk [tilespmem:v15+s23+$0x0], $0xffff;
	v15 =	vsub.f32 v9, v8;
	v12 =	vsel vm5, v12, v13;
	v13 =	vsel vm6, $0x5, v4  }
0x258: {  	vm1 =	vlt.f32 v14, $3.500000000e+01;
	vm3 =	vlt.f32 v8, $5.000000000e+01;
	vm0 =	vmor vm2, vm0;
	v9 =	vld.idx.msk [tilespmem:v17+s23+$0x0], $0xffff  }
0x259: {  	v14 =	vsel vm2, $0x3, v1;
	vm0 =	vmand vm0, vm1;
	v8 =	vld.idx.msk [tilespmem:v16+s23+$0x0], $0xffff;
	v16 =	vand.u32 $0x7FFFFFFF, v15  }
0x25a: {  	v15 =	vsel vm3, $0x5, v4;
	vm1 =	vgt.f32 v16, $4.000000000e+00;
	vm2 =	vle.f32 v16, $1.500000000e+01  }
0x25b: {  	v12 =	vsel vm1, v13, v12  }
0x25c: {  	v13 =	vsel vm2, v15, v14;
	vm1 =	vgt.f32 v10, $1.150000000e+02;
	vm2 =	vlt.f32 v10, $3.500000000e+01  }
0x25d: {  	s3 =	simm.s32 $0x0;
	v16 =	vsub.f32 v11, v10;
	v12 =	vsel vm0, v13, v12;
	vm0 =	vgt.f32 v11, v10  }
0x25e: {  	vm3 =	vlt.f32 v11, v10;
	v14 =	vmov s3;
	v10 =	vsel vm0, $0x4, v5  }
0x25f: {  	v11 =	vsel vm0, $0x3, v1;
	vm0 =	vmand vm2, vm0;
	vm1 =	vmand vm1, vm3  }
0x260: {  	v14 =	vshll.u32 v14, $0x4;
	v13 =	vand.u32 $0x7FFFFFFF, v16;
	vm6 =	vgt.f32 v9, v8  }
0x261: {  	v9 =	vsub.f32 v9, v8;
	vm1 =	vmor vm0, vm1;
	vm3 =	vlt.f32 v8, $5.000000000e+01  }
0x262: {  	vm4 =	vlt.f32 v13, $2.300000000e+01;
	vm5 =	vgt.f32 v13, $2.700000000e+01;
	vm2 =	vlt.f32 v13, $3.500000000e+01  }
0x263: {  	v13 =	vsel vm3, $0x5, v4;
	v10 =	vnsel vm4, $0x1, v10;
	v8 =	vand.u32 $0x7FFFFFFF, v9  }
0x264: {  	vm1 =	vmand vm1, vm2;
	v10 =	vsel vm5, v11, v10;
	v11 =	vor.u32 v0, v14  }
0x265: {  	v9 =	vsel vm0, $0x3, v1;
	v14 =	vsel vm6, $0x5, v4;
	v15 =	vor.u32 $0x1, v11  }
0x266: {  	_ =	swait.ge [sflag:s29], $0x2000;
	vm0 =	vgt.f32 v8, $4.000000000e+00;
	vm2 =	vle.f32 v8, $1.500000000e+01;
	v8 =	vor.u32 $0x3, v11  }
0x267: {  	[sflag:s29] =	ssyncset.done $0x0;
	v10 =	vsel vm0, v14, v10;
	v9 =	vsel vm2, v13, v9;
	v13 =	vor.u32 $0x2, v11  }
0x268: {  	[sflag:s29] =	ssyncadd.s32 $0xFFFFE000;
	v12 =	vmul.u32 $0x5, v12;
	v9 =	vsel vm1, v9, v10  }
0x269: {  	v9 =	vmul.u32 $0x5, v9;
	v11 =	vld.idx.msk [tilespmem:v11+s24+$0x0], $0xffff  }
0x26a: {  	s3 =	simm.s32 $0x10;
	v12 =	vshll.u32 v2, v12;
	v10 =	vld.idx.msk [tilespmem:v15+s24+$0x0], $0xffff  }
0x26b: {  	v7 =	vor.u32 v7, v12;
	v12 =	vmov s3;
	v9 =	vshll.u32 v2, v9;
	v8 =	vld.idx.msk [tilespmem:v8+s24+$0x0], $0xffff  }
0x26c: {  	v12 =	vshll.u32 v12, $0x4;
	v7 =	vor.u32 v7, v9;
	v9 =	vld.idx.msk [tilespmem:v13+s24+$0x0], $0xffff  }
0x26d: {  	v12 =	vor.u32 v0, v12  }
0x26e: {  	v14 =	vor.u32 $0x1, v12;
	v16 =	vor.u32 $0x3, v12  }
0x26f: {  	v15 =	vor.u32 $0x2, v12;
	vm0 =	vgt.f32 v11, $1.150000000e+02;
	vm2 =	vlt.f32 v11, $3.500000000e+01  }
0x270: {  	v13 =	vsub.f32 v10, v11;
	vm1 =	vgt.f32 v10, v11;
	vm3 =	vlt.f32 v10, v11  }
0x271: {  	vm15 =	vgt.f32 v8, v9;
	v8 =	vsub.f32 v8, v9;
	v10 =	vsel vm1, $0x4, v5  }
0x272: {  	v11 =	vsel vm1, $0x3, v1;
	vm1 =	vmand vm2, vm1;
	v17 =	vand.u32 $0x7FFFFFFF, v13  }
0x273: {  	vm0 =	vmand vm0, vm3;
	vm3 =	vlt.f32 v9, $5.000000000e+01;
	v9 =	vld.idx.msk [tilespmem:v16+s24+$0x0], $0xffff;
	vm13 =	vlt.f32 v17, $2.300000000e+01  }
0x274: {  	vm0 =	vmor vm1, vm0;
	vm14 =	vgt.f32 v17, $2.700000000e+01;
	v13 =	vnsel vm13, $0x1, v10;
	v10 =	vld.idx.msk [tilespmem:v12+s24+$0x0], $0xffff  }
0x275: {  	v16 =	vand.u32 $0x7FFFFFFF, v8;
	vm2 =	vlt.f32 v17, $3.500000000e+01;
	v12 =	vsel vm14, v11, v13;
	v11 =	vld.idx.msk [tilespmem:v14+s24+$0x0], $0xffff  }
0x276: {  	v8 =	vld.idx.msk [tilespmem:v15+s24+$0x0], $0xffff;
	v15 =	vsel vm3, $0x5, v4;
	vm0 =	vmand vm0, vm2;
	vm2 =	vle.f32 v16, $1.500000000e+01  }
0x277: {  	s31 =	simm.s32 $0x20;
	v13 =	vsel vm15, $0x5, v4;
	v14 =	vsel vm1, $0x3, v1;
	vm1 =	vgt.f32 v16, $4.000000000e+00  }
.LBB2_30:
0x278: {  	p0 =	sne.s32 s31, $0x1F0;
	v12 =	vsel vm1, v13, v12;
	v13 =	vsel vm2, v15, v14;
	s3 =	smov.u32 s31;
	s31 =	sadd.s32 $0x10, s31  }
0x279: {  	vm1 =	vgt.f32 v10, $1.150000000e+02;
	v14 =	vmov s3;
	v12 =	vsel vm0, v13, v12  }
0x27a: {  	v13 =	vshll.u32 v14, $0x4;
	v14 =	vsub.f32 v11, v10;
	v12 =	vmul.u32 $0x5, v12  }
0x27b: {  	vm2 =	vlt.f32 v10, $3.500000000e+01;
	vm0 =	vgt.f32 v11, v10;
	v13 =	vor.u32 v0, v13  }
0x27c: {  	v15 =	vor.u32 $0x1, v13;
	v16 =	vor.u32 $0x2, v13;
	v12 =	vshll.u32 v2, v12  }
0x27d: {  	vm3 =	vlt.f32 v11, v10;
	v17 =	vor.u32 $0x3, v13;
	v14 =	vand.u32 $0x7FFFFFFF, v14  }
0x27e: {  	vm4 =	vlt.f32 v14, $2.300000000e+01;
	vm5 =	vgt.f32 v14, $2.700000000e+01;
	v7 =	vor.u32 v7, v12  }
0x27f: {  	v11 =	vsel vm0, $0x4, v5;
	vm6 =	vgt.f32 v9, v8;
	v12 =	vsel vm0, $0x3, v1  }
.Ltmp14:
0x280: {  	vm2 =	vmand vm2, vm0;
	vm0 =	vmand vm1, vm3;
	v10 =	vld.idx.msk [tilespmem:v13+s24+$0x0], $0xffff;
	v13 =	vnsel vm4, $0x1, v11;
	(pc) =	sbr.rel @p0 .LBB2_30-.Ltmp14, $4  }
0x281: {  	v11 =	vld.idx.msk [tilespmem:v15+s24+$0x0], $0xffff;
	v15 =	vsub.f32 v9, v8;
	v12 =	vsel vm5, v12, v13;
	v13 =	vsel vm6, $0x5, v4  }
0x282: {  	vm1 =	vlt.f32 v14, $3.500000000e+01;
	vm3 =	vlt.f32 v8, $5.000000000e+01;
	vm0 =	vmor vm2, vm0;
	v9 =	vld.idx.msk [tilespmem:v17+s24+$0x0], $0xffff  }
0x283: {  	v14 =	vsel vm2, $0x3, v1;
	vm0 =	vmand vm0, vm1;
	v8 =	vld.idx.msk [tilespmem:v16+s24+$0x0], $0xffff;
	v16 =	vand.u32 $0x7FFFFFFF, v15  }
0x284: {  	v15 =	vsel vm3, $0x5, v4;
	vm1 =	vgt.f32 v16, $4.000000000e+00;
	vm2 =	vle.f32 v16, $1.500000000e+01  }
0x285: {  	v12 =	vsel vm1, v13, v12  }
0x286: {  	v13 =	vsel vm2, v15, v14;
	vm1 =	vgt.f32 v10, $1.150000000e+02;
	vm2 =	vlt.f32 v10, $3.500000000e+01  }
0x287: {  	s3 =	simm.s32 $0x0;
	v16 =	vsub.f32 v11, v10;
	v12 =	vsel vm0, v13, v12;
	vm0 =	vgt.f32 v11, v10  }
0x288: {  	vm3 =	vlt.f32 v11, v10;
	v14 =	vmov s3;
	v10 =	vsel vm0, $0x4, v5  }
0x289: {  	v11 =	vsel vm0, $0x3, v1;
	vm0 =	vmand vm2, vm0;
	vm1 =	vmand vm1, vm3  }
0x28a: {  	v14 =	vshll.u32 v14, $0x4;
	v13 =	vand.u32 $0x7FFFFFFF, v16;
	vm6 =	vgt.f32 v9, v8  }
0x28b: {  	v9 =	vsub.f32 v9, v8;
	vm1 =	vmor vm0, vm1;
	vm3 =	vlt.f32 v8, $5.000000000e+01  }
0x28c: {  	vm4 =	vlt.f32 v13, $2.300000000e+01;
	vm5 =	vgt.f32 v13, $2.700000000e+01;
	vm2 =	vlt.f32 v13, $3.500000000e+01  }
0x28d: {  	v13 =	vsel vm3, $0x5, v4;
	v10 =	vnsel vm4, $0x1, v10;
	v8 =	vand.u32 $0x7FFFFFFF, v9  }
0x28e: {  	vm1 =	vmand vm1, vm2;
	v10 =	vsel vm5, v11, v10;
	v11 =	vor.u32 v0, v14  }
0x28f: {  	v9 =	vsel vm0, $0x3, v1;
	v14 =	vsel vm6, $0x5, v4;
	v15 =	vor.u32 $0x1, v11  }
0x290: {  	_ =	swait.ge [sflag:s30], $0x2000;
	vm0 =	vgt.f32 v8, $4.000000000e+00;
	vm2 =	vle.f32 v8, $1.500000000e+01;
	v8 =	vor.u32 $0x3, v11  }
0x291: {  	[sflag:s30] =	ssyncset.done $0x0;
	v10 =	vsel vm0, v14, v10;
	v9 =	vsel vm2, v13, v9;
	v13 =	vor.u32 $0x2, v11  }
0x292: {  	[sflag:s30] =	ssyncadd.s32 $0xFFFFE000;
	v12 =	vmul.u32 $0x5, v12;
	v9 =	vsel vm1, v9, v10  }
0x293: {  	v9 =	vmul.u32 $0x5, v9;
	v11 =	vld.idx.msk [tilespmem:v11+s25+$0x0], $0xffff  }
0x294: {  	s3 =	simm.s32 $0x10;
	v12 =	vshll.u32 v2, v12;
	v10 =	vld.idx.msk [tilespmem:v15+s25+$0x0], $0xffff  }
0x295: {  	v7 =	vor.u32 v7, v12;
	v12 =	vmov s3;
	v9 =	vshll.u32 v2, v9;
	v8 =	vld.idx.msk [tilespmem:v8+s25+$0x0], $0xffff  }
0x296: {  	v12 =	vshll.u32 v12, $0x4;
	v7 =	vor.u32 v7, v9;
	v9 =	vld.idx.msk [tilespmem:v13+s25+$0x0], $0xffff  }
0x297: {  	v12 =	vor.u32 v0, v12  }
0x298: {  	v14 =	vor.u32 $0x1, v12;
	v16 =	vor.u32 $0x3, v12  }
0x299: {  	v15 =	vor.u32 $0x2, v12;
	vm0 =	vgt.f32 v11, $1.150000000e+02;
	vm2 =	vlt.f32 v11, $3.500000000e+01  }
0x29a: {  	v13 =	vsub.f32 v10, v11;
	vm1 =	vgt.f32 v10, v11;
	vm3 =	vlt.f32 v10, v11  }
0x29b: {  	vm15 =	vgt.f32 v8, v9;
	v8 =	vsub.f32 v8, v9;
	v10 =	vsel vm1, $0x4, v5  }
0x29c: {  	v11 =	vsel vm1, $0x3, v1;
	vm1 =	vmand vm2, vm1;
	v17 =	vand.u32 $0x7FFFFFFF, v13  }
0x29d: {  	vm0 =	vmand vm0, vm3;
	vm3 =	vlt.f32 v9, $5.000000000e+01;
	v9 =	vld.idx.msk [tilespmem:v16+s25+$0x0], $0xffff;
	vm13 =	vlt.f32 v17, $2.300000000e+01  }
0x29e: {  	vm0 =	vmor vm1, vm0;
	vm14 =	vgt.f32 v17, $2.700000000e+01;
	v13 =	vnsel vm13, $0x1, v10;
	v10 =	vld.idx.msk [tilespmem:v12+s25+$0x0], $0xffff  }
0x29f: {  	v16 =	vand.u32 $0x7FFFFFFF, v8;
	vm2 =	vlt.f32 v17, $3.500000000e+01;
	v12 =	vsel vm14, v11, v13;
	v11 =	vld.idx.msk [tilespmem:v14+s25+$0x0], $0xffff  }
0x2a0: {  	v8 =	vld.idx.msk [tilespmem:v15+s25+$0x0], $0xffff;
	v15 =	vsel vm3, $0x5, v4;
	vm0 =	vmand vm0, vm2;
	vm2 =	vle.f32 v16, $1.500000000e+01  }
0x2a1: {  	s31 =	simm.s32 $0x20;
	v13 =	vsel vm15, $0x5, v4;
	v14 =	vsel vm1, $0x3, v1;
	vm1 =	vgt.f32 v16, $4.000000000e+00  }
.LBB2_32:
0x2a2: {  	p0 =	sne.s32 s31, $0x1F0;
	v12 =	vsel vm1, v13, v12;
	v13 =	vsel vm2, v15, v14;
	s3 =	smov.u32 s31;
	s31 =	sadd.s32 $0x10, s31  }
0x2a3: {  	vm1 =	vgt.f32 v10, $1.150000000e+02;
	v14 =	vmov s3;
	v12 =	vsel vm0, v13, v12  }
0x2a4: {  	v13 =	vshll.u32 v14, $0x4;
	v14 =	vsub.f32 v11, v10;
	v12 =	vmul.u32 $0x5, v12  }
0x2a5: {  	vm2 =	vlt.f32 v10, $3.500000000e+01;
	vm0 =	vgt.f32 v11, v10;
	v13 =	vor.u32 v0, v13  }
0x2a6: {  	v15 =	vor.u32 $0x1, v13;
	v16 =	vor.u32 $0x2, v13;
	v12 =	vshll.u32 v2, v12  }
0x2a7: {  	vm3 =	vlt.f32 v11, v10;
	v17 =	vor.u32 $0x3, v13;
	v14 =	vand.u32 $0x7FFFFFFF, v14  }
0x2a8: {  	vm4 =	vlt.f32 v14, $2.300000000e+01;
	vm5 =	vgt.f32 v14, $2.700000000e+01;
	v7 =	vor.u32 v7, v12  }
0x2a9: {  	v11 =	vsel vm0, $0x4, v5;
	vm6 =	vgt.f32 v9, v8;
	v12 =	vsel vm0, $0x3, v1  }
.Ltmp15:
0x2aa: {  	vm2 =	vmand vm2, vm0;
	vm0 =	vmand vm1, vm3;
	v10 =	vld.idx.msk [tilespmem:v13+s25+$0x0], $0xffff;
	v13 =	vnsel vm4, $0x1, v11;
	(pc) =	sbr.rel @p0 .LBB2_32-.Ltmp15, $4  }
0x2ab: {  	v11 =	vld.idx.msk [tilespmem:v15+s25+$0x0], $0xffff;
	v15 =	vsub.f32 v9, v8;
	v12 =	vsel vm5, v12, v13;
	v13 =	vsel vm6, $0x5, v4  }
0x2ac: {  	vm1 =	vlt.f32 v14, $3.500000000e+01;
	vm3 =	vlt.f32 v8, $5.000000000e+01;
	vm0 =	vmor vm2, vm0;
	v9 =	vld.idx.msk [tilespmem:v17+s25+$0x0], $0xffff  }
0x2ad: {  	v14 =	vsel vm2, $0x3, v1;
	vm0 =	vmand vm0, vm1;
	v8 =	vld.idx.msk [tilespmem:v16+s25+$0x0], $0xffff;
	v16 =	vand.u32 $0x7FFFFFFF, v15  }
0x2ae: {  	v15 =	vsel vm3, $0x5, v4;
	vm1 =	vgt.f32 v16, $4.000000000e+00;
	vm2 =	vle.f32 v16, $1.500000000e+01  }
0x2af: {  	v12 =	vsel vm1, v13, v12  }
0x2b0: {  	v54 =	vsel vm2, v15, v14;
	vm15 =	vgt.f32 v10, $1.150000000e+02;
	vm9 =	vlt.f32 v10, $3.500000000e+01  }
0x2b1: {  	v16 =	vsub.f32 v11, v10;
	v12 =	vsel vm0, v54, v12;
	vm8 =	vgt.f32 v11, v10  }
0x2b2: {  	vm3 =	vlt.f32 v11, v10;
	v56 =	vsel vm8, $0x4, v5;
	v57 =	vsel vm8, $0x3, v1  }
0x2b3: {  	vm0 =	vmand vm9, vm8;
	vm1 =	vmand vm15, vm3;
	v55 =	vand.u32 $0x7FFFFFFF, v16  }
0x2b4: {  	vm10 =	vgt.f32 v9, v8;
	v58 =	vsub.f32 v9, v8;
	vm1 =	vmor vm0, vm1  }
0x2b5: {  	vm12 =	vlt.f32 v8, $5.000000000e+01;
	v60 =	vsel vm0, $0x3, v1;
	vm4 =	vlt.f32 v55, $2.300000000e+01  }
0x2b6: {  	vm5 =	vgt.f32 v55, $2.700000000e+01;
	v59 =	vsel vm10, $0x5, v4;
	vm11 =	vlt.f32 v55, $3.500000000e+01  }
0x2b7: {  	v61 =	vsel vm12, $0x5, v4;
	v10 =	vnsel vm4, $0x1, v56;
	v8 =	vand.u32 $0x7FFFFFFF, v58  }
0x2b8: {  	v10 =	vsel vm5, v57, v10;
	vm13 =	vgt.f32 v8, $4.000000000e+00;
	vm14 =	vle.f32 v8, $1.500000000e+01  }
0x2b9: {  	vm1 =	vmand vm1, vm11;
	v8 =	vsel vm13, v59, v10;
	v9 =	vsel vm14, v61, v60  }
0x2ba: {  	v62 =	vmul.u32 $0x5, v12;
	v8 =	vsel vm1, v9, v8  }
0x2bb: {  	v8 =	vmul.u32 $0x5, v8  }
0x2bc: {  	v63 =	vshll.u32 v2, v62  }
0x2bd: {  	v7 =	vor.u32 v7, v63;
	v8 =	vshll.u32 v2, v8  }
0x2be: {  	v7 =	vor.u32 v7, v8  }
0x2bf: {  	(xrf0) =	vadd.scan.msk.s32 $0xffff, v7;
	_ =	sdelay $0x5  }
0x2c0: {  	v7, _, _ =	vpop (xrf0)  }
0x2c1: {  	v7 =	vbroadcast v7, $0xF;
	_ =	sdelay $0x1  }
0x2c2: {  	v7 =	vshra.s32 v7, v3  }
0x2c3: {  	v7 =	vand.u32 $0x1F, v7  }
0x2c4: {  	s1 =	sadd.s32 $0x1, s1;
	vm15 =	veq.s32 v7, $0x0  }
0x2c5: {  	p0 =	sne.s32 s1, s20;
	v7 =	vsel vm15, $0x0, v6  }
.Ltmp16:
0x2c6: {  	s3 =	simm.s32 $0x8000;
	[tilespmem:$0x8000] =	vst v7;
	(pc) =	sbr.rel @p0 .LBB2_1-.Ltmp16, $4  }
0x2c7: {  	[hbm4b:s19+s2] =	stream.linear.scatter [tilespmem:s3], [sflag:$0x5], $0x10, $0x38;
	[tilespmem:$0x8010] =	vst v63  }
0x2c8: {  	_ =	swait.ge [sflag:s0], $0x10  }
0x2c9: {  	[sflag:s0] =	ssyncset.done $0x0  }
0x2ca: {  	[sflag:s0] =	ssyncadd.s32 $0xFFFFFFF0  }
0x2cb: {  	_ =	sfence.sel $0x180000  }
0x2cc: {  	[bflag:$0x0] =	sbarrier.arrive $0xFFFF  }
0x2cd: {  	_ =	strace $0x90000047  }
0x2ce: {  	s0 =	stileid.u32;
	[bflag:$0x2] =	sbarrier.arrive $0xFFFF  }
0x2cf: {  	p0 =	sne.s32 s0, $0x0;
	s0 =	rddreg [dreg:$0x2]  }
0x2d0: {  	s0 =	sadd.s32 @!p0 $0x100000, s0  }
0x2d1: {  	[sflag:s0] =	ssyncadd.tile.s32 @!p0 $0x1;
	_ =	shalt  }
.Lfunc_end2:
_tile_overlayer_lowered:
.L_overlay_start_2:
0x2d2: {  	(tag) =	ssettag $0x2  }
0x2d3: {  	s0 =	rddreg [dreg:$0x0];
	s2 =	stileid.u32  }
0x2d4: {  	s1 =	rddreg [dreg:$0x1];
	p0 =	sne.s32 s2, $0x0  }
0x2d5: {  	s3 =	rddreg [dreg:$0x2];
	[bflag:$0x3] =	sbarrier.arrive $0xFFFF;
	s2 =	simm.s32 @!p0 $0x1C05  }
0x2d6: {  	[timem:s3], [sflag:s2] =	dma.local @!p0 [hbm:s0], s1  }
0x2d7: {  	s0 =	simm.s32 @!p0 $0x5  }
0x2d8: {  	_ =	swait.ge @!p0 [sflag:s0], s1  }
0x2d9: {  	s1 =	ssub.s32 @!p0 $0x0, s1;
	[sflag:s0] =	ssyncset.done @!p0 $0x0  }
0x2da: {  	[sflag:s0] =	ssyncadd.s32 @!p0 s1  }
0x2db: {  	[bflag:$0x3] =	sbarrier.arrive $0xFFFF  }
0x2dc: {  	_ =	shalt  }

</sc_bundles>
